<compile_context>
chip_gen: v7x
topology: tpu7x:2x2x1
jax: 0.10.2.dev20260603
libtpu: 0.0.44.dev20260713+nightly
codegen_flags: <defaults>
</compile_context>

<pallas_src>
import functools

import jax
import jax.numpy as jnp
from jax import lax
from jax.experimental import pallas as pl
from jax.experimental.pallas import tpu as pltpu
from jax.experimental.pallas import tpu_sc as plsc

B, V, C = 8, 50000, 16
H = W = 512
HW = H * W

NC, NS = 2, 16
NW = NC * NS
LANES = 16

PIX_PER_W = HW // NW
PIX_SUB = 4096

VCH = 3328
N_VCH = 15
VT0 = N_VCH * VCH
VTAIL = V - VT0
N_RTASK = B * 2 * N_VCH
RTASK_PER_W = (N_RTASK + NW - 1) // NW

ROWS = B * C
ROW_PER_W = ROWS // NW
PCH = 4096
PROWS = PCH // W
N_PCH = HW // PCH

_mesh = plsc.VectorSubcoreMesh(core_axis_name="c", subcore_axis_name="s")


def _wid():
    return lax.axis_index("s") * NC + lax.axis_index("c")


def _cidx_body(ind_hbm, v2i_hbm, cidx_hbm, ind_v, v2i_v, cidx_v):
    w = _wid()

    pltpu.sync_copy(ind_hbm, ind_v)
    for sub in range(PIX_PER_W // PIX_SUB):
        poff = w * PIX_PER_W + sub * PIX_SUB
        row0 = pl.multiple_of(poff // W, 8)
        pltpu.sync_copy(v2i_hbm.at[pl.ds(row0, PIX_SUB // W), :], v2i_v)

        @plsc.parallel_loop(0, PIX_SUB // LANES, unroll=8)
        def _(j):
            idx = v2i_v[j // (W // LANES), pl.ds((j % (W // LANES)) * LANES,
                                                 LANES)]
            cidx_v[pl.ds(j * LANES, LANES)] = plsc.load_gather(ind_v, [idx])
        pltpu.sync_copy(cidx_v, cidx_hbm.at[pl.ds(poff, PIX_SUB)])


def _relay_body(vvt_hbm, tail_hbm, tblt_hbm, slab_v, sem):
    w = _wid()

    def task(b, cb, v0, ln):
        sl = slab_v.at[:, pl.ds(0, ln)]
        pltpu.sync_copy(
            vvt_hbm.at[b, pl.ds(pl.multiple_of(cb * 8, 8), 8),
                       pl.ds(v0, ln)], sl)
        for cr in range(8):
            off = (b * C + cb * 8 + cr) * V + v0
            pltpu.async_copy(slab_v.at[cr, pl.ds(0, ln)],
                             tblt_hbm.at[pl.ds(pl.multiple_of(off, 8), ln)],
                             sem)
        for _ in range(8):
            pltpu.make_async_copy(slab_v.at[0, pl.ds(0, ln)],
                                  tblt_hbm.at[pl.ds(0, ln)], sem).wait()

    def router(k, _):
        t = w + k * NW

        @pl.when(t < N_RTASK)
        def _():
            b = t // (2 * N_VCH)
            rem = t % (2 * N_VCH)
            task(b, rem // N_VCH,
                 pl.multiple_of((rem % N_VCH) * VCH, 128), VCH)

        return 0

    lax.fori_loop(0, RTASK_PER_W, router, 0)

    @pl.when(w < B * 2)
    def _():
        b = w // 2
        cb = w % 2
        sl = slab_v.at[:, pl.ds(0, VTAIL)]
        pltpu.sync_copy(
            tail_hbm.at[b, pl.ds(pl.multiple_of(cb * 8, 8), 8), :], sl)
        for cr in range(8):
            off = (b * C + cb * 8 + cr) * V + VT0
            pltpu.async_copy(slab_v.at[cr, pl.ds(0, VTAIL)],
                             tblt_hbm.at[pl.ds(pl.multiple_of(off, 8),
                                               VTAIL)], sem)
        for _ in range(8):
            pltpu.make_async_copy(slab_v.at[0, pl.ds(0, VTAIL)],
                                  tblt_hbm.at[pl.ds(0, VTAIL)], sem).wait()


def _gather_body(tblt_hbm, cidx_hbm, out_hbm,
                 ta_v, tb_v, c0_v, c1_v, o00_v, o10_v, o01_v, o11_v,
                 si0, si1, so0, so1):
    w = _wid()
    cbufs = ((c0_v, si0), (c1_v, si1))
    obufs = ((o00_v, o10_v, so0), (o01_v, o11_v, so1))

    for half in range(ROW_PER_W // 2):
        r0 = w * ROW_PER_W + half * 2
        b0 = r0 // C
        c0 = r0 % C
        pltpu.sync_copy(tblt_hbm.at[pl.ds(pl.multiple_of(r0 * V, 8), V)], ta_v)
        pltpu.sync_copy(
            tblt_hbm.at[pl.ds(pl.multiple_of((r0 + 1) * V, 8), V)], tb_v)
        pltpu.async_copy(cidx_hbm.at[pl.ds(0, PCH)], c0_v, si0)

        def sub(kk, i):
            cin, si = cbufs[i]
            oa, ob, so = obufs[i]
            cnx, snx = cbufs[1 - i]
            ch = kk * 2 + i
            pltpu.make_async_copy(cidx_hbm.at[pl.ds(0, PCH)], cin, si).wait()

            @pl.when(ch + 1 < N_PCH)
            def _():
                pltpu.async_copy(
                    cidx_hbm.at[pl.ds((ch + 1) * PCH, PCH)], cnx, snx)

            @pl.when(kk > 0)
            def _():
                pltpu.make_async_copy(
                    oa, out_hbm.at[b0, c0, pl.ds(0, PROWS), :], so).wait()
                pltpu.make_async_copy(
                    ob, out_hbm.at[b0, c0 + 1, pl.ds(0, PROWS), :], so).wait()

            @plsc.parallel_loop(0, PCH // LANES, unroll=16)
            def _(j):
                r = j // (W // LANES)
                s = pl.ds((j % (W // LANES)) * LANES, LANES)
                idx = cin[pl.ds(j * LANES, LANES)]
                oa[r, s] = plsc.load_gather(ta_v, [idx])
                ob[r, s] = plsc.load_gather(tb_v, [idx])

            prow = pl.multiple_of(ch * PROWS, 8)
            pltpu.async_copy(oa, out_hbm.at[b0, c0, pl.ds(prow, PROWS), :], so)
            pltpu.async_copy(
                ob, out_hbm.at[b0, c0 + 1, pl.ds(prow, PROWS), :], so)

        def kk_body(kk, _):
            sub(kk, 0)
            sub(kk, 1)
            return 0

        lax.fori_loop(0, N_PCH // 2, kk_body, 0)
        for oa, ob, so in obufs:
            pltpu.make_async_copy(
                oa, out_hbm.at[b0, c0, pl.ds(0, PROWS), :], so).wait()
            pltpu.make_async_copy(
                ob, out_hbm.at[b0, c0 + 1, pl.ds(0, PROWS), :], so).wait()


_params = pltpu.CompilerParams(use_tc_tiling_on_sc=False,
                               needs_layout_passes=False)

_cidx = functools.partial(
    pl.kernel,
    out_type=jax.ShapeDtypeStruct((HW,), jnp.int32),
    mesh=_mesh,
    compiler_params=_params,
    scratch_types=[
        pltpu.VMEM((V,), jnp.int32),
        pltpu.VMEM((PIX_SUB // W, W), jnp.int32),
        pltpu.VMEM((PIX_SUB,), jnp.int32),
    ],
)(_cidx_body)

_relay = functools.partial(
    pl.kernel,
    out_type=jax.ShapeDtypeStruct((ROWS * V,), jnp.float32),
    mesh=_mesh,
    compiler_params=_params,
    scratch_types=[
        pltpu.VMEM((8, VCH), jnp.float32),
        pltpu.SemaphoreType.DMA,
    ],
)(_relay_body)

_gather = functools.partial(
    pl.kernel,
    out_type=jax.ShapeDtypeStruct((B, C, H, W), jnp.float32),
    mesh=_mesh,
    compiler_params=_params,
    scratch_types=[
        pltpu.VMEM((V,), jnp.float32),
        pltpu.VMEM((V,), jnp.float32),
        pltpu.VMEM((PCH,), jnp.int32),
        pltpu.VMEM((PCH,), jnp.int32),
        pltpu.VMEM((PROWS, W), jnp.float32),
        pltpu.VMEM((PROWS, W), jnp.float32),
        pltpu.VMEM((PROWS, W), jnp.float32),
        pltpu.VMEM((PROWS, W), jnp.float32),
        pltpu.SemaphoreType.DMA,
        pltpu.SemaphoreType.DMA,
        pltpu.SemaphoreType.DMA,
        pltpu.SemaphoreType.DMA,
    ],
)(_gather_body)


@jax.jit
def kernel(vertex_values, indices, v2i_idx):
    ind32 = indices if indices.dtype == jnp.int32 else indices.astype(jnp.int32)
    v2i = v2i_idx if v2i_idx.dtype == jnp.int32 else v2i_idx.astype(jnp.int32)
    cidx = _cidx(ind32, v2i)
    vvt = jnp.transpose(vertex_values, (0, 2, 1))
    tblt = _relay(vvt, lax.slice(vvt, (0, 0, VT0), (B, C, V)))
    return _gather(tblt, cidx)

# --- scband reference (transcript-rebuilt; emitter-appended) ---
"""Pipeline reference for scband-mesh-to-image-2808908612173 (READ-ONLY COPY).

The authoritative reference and input builder live on the scoring server;
editing this copy changes nothing except your own understanding.
"""

import jax, jax.numpy as jnp
import numpy as np

B, V, C = 8, 50000, 16
IMG = 512

def setup_inputs(seed: int = 0) -> dict:
    key = jax.random.key(seed)
    k1, k2, k3 = jax.random.split(key, 3)
    vertex_values = jax.random.normal(k1, (B, V, C), dtype=jnp.float32)
    # uv-index -> vertex-index bijection-like mapping (buffer derived from template)
    indices = jax.random.randint(k2, (V,), 0, V, dtype=jnp.int64)
    # per-pixel nearest uv-vertex index (buffer v2i_idx)
    v2i_idx = jax.random.randint(k3, (IMG, IMG), 0, V, dtype=jnp.int64)
    return {"vertex_values": vertex_values, "indices": indices, "v2i_idx": v2i_idx}

def reference(vertex_values, indices, v2i_idx):
    bsz = vertex_values.shape[0]
    # uv_values = vertex_values[..., self.indices, :]
    uv_values = jnp.take(vertex_values, indices, axis=1)
    # image = uv_values[..., self.v2i_idx, :]  (nearest mode)
    H, W = v2i_idx.shape
    flat_idx = v2i_idx.reshape(-1)
    image = jnp.take(uv_values, flat_idx, axis=1)
    image = image.reshape(bsz, H, W, uv_values.shape[-1])
    # image.permute(0, 3, 1, 2)
    return jnp.transpose(image, (0, 3, 1, 2))

if __name__ == "__main__":
    import jax
    _d = setup_inputs()
    print(jax.jit(kernel)(*tuple(_d.values())))

</pallas_src>

<mosaic_0001>
#map = affine_map<(d0, d1) -> (0)>
#map1 = affine_map<(d0, d1) -> (0, 0, 0, 0)>
module attributes {stable_mosaic.version = 14 : i64} {
  func.func @_gather_body(%arg0: i32, %arg1: i32, %arg2: memref<6400000xf32, #tpu.memory_space<hbm>>, %arg3: memref<262144xi32, #tpu.memory_space<hbm>>, %arg4: memref<8x16x512x512xf32, #tpu.memory_space<hbm>>, %arg5: memref<50000xf32, #tpu.memory_space<vmem>>, %arg6: memref<50000xf32, #tpu.memory_space<vmem>>, %arg7: memref<4096xi32, #tpu.memory_space<vmem>>, %arg8: memref<4096xi32, #tpu.memory_space<vmem>>, %arg9: memref<8x512xf32, #tpu.memory_space<vmem>>, %arg10: memref<8x512xf32, #tpu.memory_space<vmem>>, %arg11: memref<8x512xf32, #tpu.memory_space<vmem>>, %arg12: memref<8x512xf32, #tpu.memory_space<vmem>>, %arg13: memref<!tpu.dma_semaphore, #tpu.memory_space<semaphore_mem>>, %arg14: memref<!tpu.dma_semaphore, #tpu.memory_space<semaphore_mem>>, %arg15: memref<!tpu.dma_semaphore, #tpu.memory_space<semaphore_mem>>, %arg16: memref<!tpu.dma_semaphore, #tpu.memory_space<semaphore_mem>>) attributes {dimension_semantics = [#tpu.dimension_semantics<core_parallel>, #tpu.dimension_semantics<subcore_parallel>], iteration_bounds = array<i64: 2, 16>, scalar_prefetch = 0 : i64, scratch_operands = 12 : i64, tpu.core_type = #tpu.core_type<sc_vector_subcore>, window_params = [{transform_indices = #map}, {transform_indices = #map}, {transform_indices = #map1}]} {
    %mul3A = arith.constant 2 : i32
    %mul3A_0 = arith.muli %arg1, %mul3A : i32
    %add3A = arith.addi %mul3A_0, %arg0 : i32
    %mul3A_1 = arith.constant 4 : i32
    %mul3A_2 = arith.muli %add3A, %mul3A_1 : i32
    %add3A_3 = arith.constant 0 : i32
    %add3A_4 = arith.addi %mul3A_2, %add3A_3 : i32
    %jit3A = arith.constant 16 : i32
    %div3A = arith.divsi %add3A_4, %jit3A : i32
    %sign3A = arith.constant 0 : i32
    %sign3A_5 = arith.cmpi sgt, %add3A_4, %sign3A : i32
    %sign3A_6 = arith.extui %sign3A_5 : i1 to i32
    %sign3A_7 = arith.constant 0 : i32
    %sign3A_8 = arith.cmpi slt, %add3A_4, %sign3A_7 : i32
    %sign3A_9 = arith.extui %sign3A_8 : i1 to i32
    %sign3A_10 = arith.subi %sign3A_6, %sign3A_9 : i32
    %sign3A_11 = arith.constant 0 : i32
    %sign3A_12 = arith.cmpi sgt, %jit3A, %sign3A_11 : i32
    %sign3A_13 = arith.extui %sign3A_12 : i1 to i32
    %sign3A_14 = arith.constant 0 : i32
    %sign3A_15 = arith.cmpi slt, %jit3A, %sign3A_14 : i32
    %sign3A_16 = arith.extui %sign3A_15 : i1 to i32
    %sign3A_17 = arith.subi %sign3A_13, %sign3A_16 : i32
    %ne3A = arith.cmpi ne, %sign3A_10, %sign3A_17 : i32
    %rem3A = arith.remsi %add3A_4, %jit3A : i32
    %ne3A_18 = arith.constant 0 : i32
    %ne3A_19 = arith.cmpi ne, %rem3A, %ne3A_18 : i32
    %and3A = arith.andi %ne3A, %ne3A_19 : i1
    %sub3A = arith.constant 1 : i32
    %sub3A_20 = arith.subi %div3A, %sub3A : i32
    %select_n3A = arith.select %and3A, %sub3A_20, %div3A : i32
    %jit3A_21 = arith.constant 16 : i32
    %eq3A = arith.constant 0 : i32
    %eq3A_22 = arith.cmpi eq, %jit3A_21, %eq3A : i32
    %jit3A_23 = arith.constant 1 : i32
    %select_n3A_24 = arith.select %eq3A_22, %jit3A_23, %jit3A_21 : i32
    %rem3A_25 = arith.remsi %add3A_4, %select_n3A_24 : i32
    %ne3A_26 = arith.constant 0 : i32
    %ne3A_27 = arith.cmpi ne, %rem3A_25, %ne3A_26 : i32
    %lt3A = arith.constant 0 : i32
    %lt3A_28 = arith.cmpi slt, %rem3A_25, %lt3A : i32
    %lt3A_29 = arith.constant 0 : i32
    %lt3A_30 = arith.cmpi slt, %select_n3A_24, %lt3A_29 : i32
    %ne3A_31 = arith.xori %lt3A_28, %lt3A_30 : i1
    %and3A_32 = arith.andi %ne3A_31, %ne3A_27 : i1
    %add3A_33 = arith.addi %rem3A_25, %select_n3A_24 : i32
    %select_n3A_34 = arith.select %and3A_32, %add3A_33, %rem3A_25 : i32
    %mul3A_35 = arith.constant 50000 : i32
    %mul3A_36 = arith.muli %add3A_4, %mul3A_35 : i32
    %multiple_of3A = tpu.assume_multiple %mul3A_36, 8 : i32
    "tpu.region"() ({
      %run_scoped3A = tpu.sem_alloc : memref<!tpu.dma_semaphore, #tpu.memory_space<semaphore_mem>>
      %dma_start3A_185 = tpu.memref_slice %arg2[%multiple_of3A] : memref<6400000xf32, #tpu.memory_space<hbm>> -> memref<50000xf32, #tpu.memory_space<hbm>>
      %dma_start3A_186 = tpu.memref_slice %arg2[%multiple_of3A] : memref<6400000xf32, #tpu.memory_space<hbm>> -> memref<50000xf32, #tpu.memory_space<hbm>>
      tpu.enqueue_dma source(%dma_start3A_186 : memref<50000xf32, #tpu.memory_space<hbm>>) target(%arg5 : memref<50000xf32, #tpu.memory_space<vmem>>) target_semaphore(%run_scoped3A : memref<!tpu.dma_semaphore, #tpu.memory_space<semaphore_mem>>)
      %dma_wait3A_187 = tpu.memref_slice %arg2[%multiple_of3A] : memref<6400000xf32, #tpu.memory_space<hbm>> -> memref<50000xf32, #tpu.memory_space<hbm>>
      %dma_wait3A_188 = tpu.memref_slice %arg2[%multiple_of3A] : memref<6400000xf32, #tpu.memory_space<hbm>> -> memref<50000xf32, #tpu.memory_space<hbm>>
      tpu.wait_dma2 semaphore(%run_scoped3A : memref<!tpu.dma_semaphore, #tpu.memory_space<semaphore_mem>>) src(%dma_wait3A_188 : memref<50000xf32, #tpu.memory_space<hbm>>) dst(%arg5 : memref<50000xf32, #tpu.memory_space<vmem>>)
      tpu.yield
    }) : () -> ()
    %add3A_37 = arith.constant 1 : i32
    %add3A_38 = arith.addi %add3A_4, %add3A_37 : i32
    %mul3A_39 = arith.constant 50000 : i32
    %mul3A_40 = arith.muli %add3A_38, %mul3A_39 : i32
    %multiple_of3A_41 = tpu.assume_multiple %mul3A_40, 8 : i32
    "tpu.region"() ({
      %run_scoped3A = tpu.sem_alloc : memref<!tpu.dma_semaphore, #tpu.memory_space<semaphore_mem>>
      %dma_start3A_185 = tpu.memref_slice %arg2[%multiple_of3A_41] : memref<6400000xf32, #tpu.memory_space<hbm>> -> memref<50000xf32, #tpu.memory_space<hbm>>
      %dma_start3A_186 = tpu.memref_slice %arg2[%multiple_of3A_41] : memref<6400000xf32, #tpu.memory_space<hbm>> -> memref<50000xf32, #tpu.memory_space<hbm>>
      tpu.enqueue_dma source(%dma_start3A_186 : memref<50000xf32, #tpu.memory_space<hbm>>) target(%arg6 : memref<50000xf32, #tpu.memory_space<vmem>>) target_semaphore(%run_scoped3A : memref<!tpu.dma_semaphore, #tpu.memory_space<semaphore_mem>>)
      %dma_wait3A_187 = tpu.memref_slice %arg2[%multiple_of3A_41] : memref<6400000xf32, #tpu.memory_space<hbm>> -> memref<50000xf32, #tpu.memory_space<hbm>>
      %dma_wait3A_188 = tpu.memref_slice %arg2[%multiple_of3A_41] : memref<6400000xf32, #tpu.memory_space<hbm>> -> memref<50000xf32, #tpu.memory_space<hbm>>
      tpu.wait_dma2 semaphore(%run_scoped3A : memref<!tpu.dma_semaphore, #tpu.memory_space<semaphore_mem>>) src(%dma_wait3A_188 : memref<50000xf32, #tpu.memory_space<hbm>>) dst(%arg6 : memref<50000xf32, #tpu.memory_space<vmem>>)
      tpu.yield
    }) : () -> ()
    %dma_start3A = arith.constant 0 : i32
    %dma_start3A_42 = tpu.memref_slice %arg3[%dma_start3A] : memref<262144xi32, #tpu.memory_space<hbm>> -> memref<4096xi32, #tpu.memory_space<hbm>>
    %dma_start3A_43 = arith.constant 0 : i32
    %dma_start3A_44 = tpu.memref_slice %arg3[%dma_start3A_43] : memref<262144xi32, #tpu.memory_space<hbm>> -> memref<4096xi32, #tpu.memory_space<hbm>>
    tpu.enqueue_dma source(%dma_start3A_44 : memref<4096xi32, #tpu.memory_space<hbm>>) target(%arg7 : memref<4096xi32, #tpu.memory_space<vmem>>) target_semaphore(%arg13 : memref<!tpu.dma_semaphore, #tpu.memory_space<semaphore_mem>>)
    %scan3A = arith.constant 0 : i32
    %scan3A_45 = arith.constant 0 : i32
    %scan3A_46 = arith.constant 32 : i32
    %scan3A_47 = arith.addi %scan3A_45, %scan3A_46 : i32
    %scan3A_48 = arith.constant 1 : i32
    %scan3A_49 = scf.for %scan3A_185 = %scan3A_45 to %scan3A_47 step %scan3A_48 iter_args(%scan3A_186 = %scan3A) -> (i32)  : i32 {
      %mul3A_187 = arith.constant 2 : i32
      %mul3A_188 = arith.muli %scan3A_185, %mul3A_187 : i32
      %add3A_189 = arith.constant 0 : i32
      %add3A_190 = arith.addi %mul3A_188, %add3A_189 : i32
      %dma_wait3A_191 = arith.constant 0 : i32
      %dma_wait3A_192 = tpu.memref_slice %arg3[%dma_wait3A_191] : memref<262144xi32, #tpu.memory_space<hbm>> -> memref<4096xi32, #tpu.memory_space<hbm>>
      %dma_wait3A_193 = arith.constant 0 : i32
      %dma_wait3A_194 = tpu.memref_slice %arg3[%dma_wait3A_193] : memref<262144xi32, #tpu.memory_space<hbm>> -> memref<4096xi32, #tpu.memory_space<hbm>>
      tpu.wait_dma2 semaphore(%arg13 : memref<!tpu.dma_semaphore, #tpu.memory_space<semaphore_mem>>) src(%dma_wait3A_194 : memref<4096xi32, #tpu.memory_space<hbm>>) dst(%arg7 : memref<4096xi32, #tpu.memory_space<vmem>>)
      %add3A_195 = arith.constant 1 : i32
      %add3A_196 = arith.addi %add3A_190, %add3A_195 : i32
      %lt3A_197 = arith.constant 64 : i32
      %lt3A_198 = arith.cmpi slt, %add3A_196, %lt3A_197 : i32
      %convert_element_type3A = arith.extui %lt3A_198 : i1 to i32
      %cond3A = arith.constant 0 : i32
      %cond3A_199 = arith.cmpi ne, %convert_element_type3A, %cond3A : i32
      scf.if %cond3A_199 {
        %add3A_264 = arith.constant 1 : i32
        %add3A_265 = arith.addi %add3A_190, %add3A_264 : i32
        %mul3A_266 = arith.constant 4096 : i32
        %mul3A_267 = arith.muli %add3A_265, %mul3A_266 : i32
        %dma_start3A_268 = tpu.memref_slice %arg3[%mul3A_267] : memref<262144xi32, #tpu.memory_space<hbm>> -> memref<4096xi32, #tpu.memory_space<hbm>>
        %dma_start3A_269 = tpu.memref_slice %arg3[%mul3A_267] : memref<262144xi32, #tpu.memory_space<hbm>> -> memref<4096xi32, #tpu.memory_space<hbm>>
        tpu.enqueue_dma source(%dma_start3A_269 : memref<4096xi32, #tpu.memory_space<hbm>>) target(%arg8 : memref<4096xi32, #tpu.memory_space<vmem>>) target_semaphore(%arg14 : memref<!tpu.dma_semaphore, #tpu.memory_space<semaphore_mem>>)
      } else {
      }
      %gt3A = arith.constant 0 : i32
      %gt3A_200 = arith.cmpi sgt, %scan3A_185, %gt3A : i32
      %convert_element_type3A_201 = arith.extui %gt3A_200 : i1 to i32
      %cond3A_202 = arith.constant 0 : i32
      %cond3A_203 = arith.cmpi ne, %convert_element_type3A_201, %cond3A_202 : i32
      scf.if %cond3A_203 {
        %dma_wait3A_264 = arith.constant 0 : i32
        %dma_wait3A_265 = arith.constant 0 : i32
        %dma_wait3A_266 = tpu.memref_slice %arg4[%select_n3A, %select_n3A_34, %dma_wait3A_264, %dma_wait3A_265] : memref<8x16x512x512xf32, #tpu.memory_space<hbm>> -> memref<1x1x8x512xf32, #tpu.memory_space<hbm>>
        %dma_wait3A_267 = tpu.memref_squeeze %dma_wait3A_266 : memref<1x1x8x512xf32, #tpu.memory_space<hbm>> -> memref<8x512xf32, #tpu.memory_space<hbm>>
        %dma_wait3A_268 = arith.constant 0 : i32
        %dma_wait3A_269 = arith.constant 0 : i32
        %dma_wait3A_270 = tpu.memref_slice %arg4[%select_n3A, %select_n3A_34, %dma_wait3A_268, %dma_wait3A_269] : memref<8x16x512x512xf32, #tpu.memory_space<hbm>> -> memref<1x1x8x512xf32, #tpu.memory_space<hbm>>
        %dma_wait3A_271 = tpu.memref_squeeze %dma_wait3A_270 : memref<1x1x8x512xf32, #tpu.memory_space<hbm>> -> memref<8x512xf32, #tpu.memory_space<hbm>>
        tpu.wait_dma2 semaphore(%arg15 : memref<!tpu.dma_semaphore, #tpu.memory_space<semaphore_mem>>) src(%arg9 : memref<8x512xf32, #tpu.memory_space<vmem>>) dst(%dma_wait3A_271 : memref<8x512xf32, #tpu.memory_space<hbm>>)
        %add3A_272 = arith.constant 1 : i32
        %add3A_273 = arith.addi %select_n3A_34, %add3A_272 : i32
        %dma_wait3A_274 = arith.constant 0 : i32
        %dma_wait3A_275 = arith.constant 0 : i32
        %dma_wait3A_276 = tpu.memref_slice %arg4[%select_n3A, %add3A_273, %dma_wait3A_274, %dma_wait3A_275] : memref<8x16x512x512xf32, #tpu.memory_space<hbm>> -> memref<1x1x8x512xf32, #tpu.memory_space<hbm>>
        %dma_wait3A_277 = tpu.memref_squeeze %dma_wait3A_276 : memref<1x1x8x512xf32, #tpu.memory_space<hbm>> -> memref<8x512xf32, #tpu.memory_space<hbm>>
        %dma_wait3A_278 = arith.constant 0 : i32
        %dma_wait3A_279 = arith.constant 0 : i32
        %dma_wait3A_280 = tpu.memref_slice %arg4[%select_n3A, %add3A_273, %dma_wait3A_278, %dma_wait3A_279] : memref<8x16x512x512xf32, #tpu.memory_space<hbm>> -> memref<1x1x8x512xf32, #tpu.memory_space<hbm>>
        %dma_wait3A_281 = tpu.memref_squeeze %dma_wait3A_280 : memref<1x1x8x512xf32, #tpu.memory_space<hbm>> -> memref<8x512xf32, #tpu.memory_space<hbm>>
        tpu.wait_dma2 semaphore(%arg15 : memref<!tpu.dma_semaphore, #tpu.memory_space<semaphore_mem>>) src(%arg10 : memref<8x512xf32, #tpu.memory_space<vmem>>) dst(%dma_wait3A_281 : memref<8x512xf32, #tpu.memory_space<hbm>>)
      } else {
      }
      %parallel_loop3A = arith.constant 0 : i32
      %parallel_loop3A_204 = arith.constant 256 : i32
      %parallel_loop3A_205 = arith.constant 1 : i32
      scf.for %parallel_loop3A_264 = %parallel_loop3A to %parallel_loop3A_204 step %parallel_loop3A_205  : i32 {
        %parallel_loop3A_265 = arith.constant 32 : i32
        %parallel_loop3A_266 = arith.divsi %parallel_loop3A_264, %parallel_loop3A_265 : i32
        %parallel_loop3A_267 = arith.constant 0 : i32
        %parallel_loop3A_268 = arith.cmpi sgt, %parallel_loop3A_264, %parallel_loop3A_267 : i32
        %parallel_loop3A_269 = arith.extui %parallel_loop3A_268 : i1 to i32
        %parallel_loop3A_270 = arith.constant 0 : i32
        %parallel_loop3A_271 = arith.cmpi slt, %parallel_loop3A_264, %parallel_loop3A_270 : i32
        %parallel_loop3A_272 = arith.extui %parallel_loop3A_271 : i1 to i32
        %parallel_loop3A_273 = arith.subi %parallel_loop3A_269, %parallel_loop3A_272 : i32
        %parallel_loop3A_274 = arith.constant 0 : i32
        %parallel_loop3A_275 = arith.cmpi sgt, %parallel_loop3A_265, %parallel_loop3A_274 : i32
        %parallel_loop3A_276 = arith.extui %parallel_loop3A_275 : i1 to i32
        %parallel_loop3A_277 = arith.constant 0 : i32
        %parallel_loop3A_278 = arith.cmpi slt, %parallel_loop3A_265, %parallel_loop3A_277 : i32
        %parallel_loop3A_279 = arith.extui %parallel_loop3A_278 : i1 to i32
        %parallel_loop3A_280 = arith.subi %parallel_loop3A_276, %parallel_loop3A_279 : i32
        %parallel_loop3A_281 = arith.cmpi ne, %parallel_loop3A_273, %parallel_loop3A_280 : i32
        %parallel_loop3A_282 = arith.remsi %parallel_loop3A_264, %parallel_loop3A_265 : i32
        %parallel_loop3A_283 = arith.constant 0 : i32
        %parallel_loop3A_284 = arith.cmpi ne, %parallel_loop3A_282, %parallel_loop3A_283 : i32
        %parallel_loop3A_285 = arith.andi %parallel_loop3A_281, %parallel_loop3A_284 : i1
        %parallel_loop3A_286 = arith.constant 1 : i32
        %parallel_loop3A_287 = arith.subi %parallel_loop3A_266, %parallel_loop3A_286 : i32
        %parallel_loop3A_288 = arith.select %parallel_loop3A_285, %parallel_loop3A_287, %parallel_loop3A_266 : i32
        %parallel_loop3A_289 = arith.constant 32 : i32
        %parallel_loop3A_290 = arith.constant 0 : i32
        %parallel_loop3A_291 = arith.cmpi eq, %parallel_loop3A_289, %parallel_loop3A_290 : i32
        %parallel_loop3A_292 = arith.constant 1 : i32
        %parallel_loop3A_293 = arith.select %parallel_loop3A_291, %parallel_loop3A_292, %parallel_loop3A_289 : i32
        %parallel_loop3A_294 = arith.remsi %parallel_loop3A_264, %parallel_loop3A_293 : i32
        %parallel_loop3A_295 = arith.constant 0 : i32
        %parallel_loop3A_296 = arith.cmpi ne, %parallel_loop3A_294, %parallel_loop3A_295 : i32
        %parallel_loop3A_297 = arith.constant 0 : i32
        %parallel_loop3A_298 = arith.cmpi slt, %parallel_loop3A_294, %parallel_loop3A_297 : i32
        %parallel_loop3A_299 = arith.constant 0 : i32
        %parallel_loop3A_300 = arith.cmpi slt, %parallel_loop3A_293, %parallel_loop3A_299 : i32
        %parallel_loop3A_301 = arith.xori %parallel_loop3A_298, %parallel_loop3A_300 : i1
        %parallel_loop3A_302 = arith.andi %parallel_loop3A_301, %parallel_loop3A_296 : i1
        %parallel_loop3A_303 = arith.addi %parallel_loop3A_294, %parallel_loop3A_293 : i32
        %parallel_loop3A_304 = arith.select %parallel_loop3A_302, %parallel_loop3A_303, %parallel_loop3A_294 : i32
        %parallel_loop3A_305 = arith.constant 16 : i32
        %parallel_loop3A_306 = arith.muli %parallel_loop3A_304, %parallel_loop3A_305 : i32
        %parallel_loop3A_307 = arith.constant 16 : i32
        %parallel_loop3A_308 = arith.muli %parallel_loop3A_264, %parallel_loop3A_307 : i32
        %parallel_loop3A_309 = arith.index_cast %parallel_loop3A_308 : i32 to index
        %parallel_loop3A_310 = tpu.vector_load %arg7[%parallel_loop3A_309] {strides = array<i32>} : memref<4096xi32, #tpu.memory_space<vmem>>, vector<16xi32>,
        %parallel_loop3A_311 = tpu.vector_load_idx %arg5[%parallel_loop3A_310] : memref<50000xf32, #tpu.memory_space<vmem>>[vector<16xi32>], vector<16xf32>,
        %parallel_loop3A_312 = arith.index_cast %parallel_loop3A_288 : i32 to index
        %parallel_loop3A_313 = arith.index_cast %parallel_loop3A_306 : i32 to index
        %parallel_loop3A_314 = tpu.vector_load %arg9[%parallel_loop3A_312, %parallel_loop3A_313] {strides = array<i32>} : memref<8x512xf32, #tpu.memory_space<vmem>>, vector<16xf32>,
        tpu.vector_store %arg9[%parallel_loop3A_312, %parallel_loop3A_313], %parallel_loop3A_311 {strides = array<i32>} : memref<8x512xf32, #tpu.memory_space<vmem>>, vector<16xf32>,
        %parallel_loop3A_315 = tpu.vector_load_idx %arg6[%parallel_loop3A_310] : memref<50000xf32, #tpu.memory_space<vmem>>[vector<16xi32>], vector<16xf32>,
        %parallel_loop3A_316 = arith.index_cast %parallel_loop3A_288 : i32 to index
        %parallel_loop3A_317 = arith.index_cast %parallel_loop3A_306 : i32 to index
        %parallel_loop3A_318 = tpu.vector_load %arg10[%parallel_loop3A_316, %parallel_loop3A_317] {strides = array<i32>} : memref<8x512xf32, #tpu.memory_space<vmem>>, vector<16xf32>,
        tpu.vector_store %arg10[%parallel_loop3A_316, %parallel_loop3A_317], %parallel_loop3A_315 {strides = array<i32>} : memref<8x512xf32, #tpu.memory_space<vmem>>, vector<16xf32>,
      } {sc.loop_unroll_factor = 16 : i64, sc.parallel_access}
      %mul3A_206 = arith.constant 8 : i32
      %mul3A_207 = arith.muli %add3A_190, %mul3A_206 : i32
      %multiple_of3A_208 = tpu.assume_multiple %mul3A_207, 8 : i32
      %dma_start3A_209 = arith.constant 0 : i32
      %dma_start3A_210 = tpu.memref_slice %arg4[%select_n3A, %select_n3A_34, %multiple_of3A_208, %dma_start3A_209] : memref<8x16x512x512xf32, #tpu.memory_space<hbm>> -> memref<1x1x8x512xf32, #tpu.memory_space<hbm>>
      %dma_start3A_211 = tpu.memref_squeeze %dma_start3A_210 : memref<1x1x8x512xf32, #tpu.memory_space<hbm>> -> memref<8x512xf32, #tpu.memory_space<hbm>>
      %dma_start3A_212 = arith.constant 0 : i32
      %dma_start3A_213 = tpu.memref_slice %arg4[%select_n3A, %select_n3A_34, %multiple_of3A_208, %dma_start3A_212] : memref<8x16x512x512xf32, #tpu.memory_space<hbm>> -> memref<1x1x8x512xf32, #tpu.memory_space<hbm>>
      %dma_start3A_214 = tpu.memref_squeeze %dma_start3A_213 : memref<1x1x8x512xf32, #tpu.memory_space<hbm>> -> memref<8x512xf32, #tpu.memory_space<hbm>>
      tpu.enqueue_dma source(%arg9 : memref<8x512xf32, #tpu.memory_space<vmem>>) target(%dma_start3A_214 : memref<8x512xf32, #tpu.memory_space<hbm>>) target_semaphore(%arg15 : memref<!tpu.dma_semaphore, #tpu.memory_space<semaphore_mem>>)
      %add3A_215 = arith.constant 1 : i32
      %add3A_216 = arith.addi %select_n3A_34, %add3A_215 : i32
      %dma_start3A_217 = arith.constant 0 : i32
      %dma_start3A_218 = tpu.memref_slice %arg4[%select_n3A, %add3A_216, %multiple_of3A_208, %dma_start3A_217] : memref<8x16x512x512xf32, #tpu.memory_space<hbm>> -> memref<1x1x8x512xf32, #tpu.memory_space<hbm>>
      %dma_start3A_219 = tpu.memref_squeeze %dma_start3A_218 : memref<1x1x8x512xf32, #tpu.memory_space<hbm>> -> memref<8x512xf32, #tpu.memory_space<hbm>>
      %dma_start3A_220 = arith.constant 0 : i32
      %dma_start3A_221 = tpu.memref_slice %arg4[%select_n3A, %add3A_216, %multiple_of3A_208, %dma_start3A_220] : memref<8x16x512x512xf32, #tpu.memory_space<hbm>> -> memref<1x1x8x512xf32, #tpu.memory_space<hbm>>
      %dma_start3A_222 = tpu.memref_squeeze %dma_start3A_221 : memref<1x1x8x512xf32, #tpu.memory_space<hbm>> -> memref<8x512xf32, #tpu.memory_space<hbm>>
      tpu.enqueue_dma source(%arg10 : memref<8x512xf32, #tpu.memory_space<vmem>>) target(%dma_start3A_222 : memref<8x512xf32, #tpu.memory_space<hbm>>) target_semaphore(%arg15 : memref<!tpu.dma_semaphore, #tpu.memory_space<semaphore_mem>>)
      %mul3A_223 = arith.constant 2 : i32
      %mul3A_224 = arith.muli %scan3A_185, %mul3A_223 : i32
      %add3A_225 = arith.constant 1 : i32
      %add3A_226 = arith.addi %mul3A_224, %add3A_225 : i32
      %dma_wait3A_227 = arith.constant 0 : i32
      %dma_wait3A_228 = tpu.memref_slice %arg3[%dma_wait3A_227] : memref<262144xi32, #tpu.memory_space<hbm>> -> memref<4096xi32, #tpu.memory_space<hbm>>
      %dma_wait3A_229 = arith.constant 0 : i32
      %dma_wait3A_230 = tpu.memref_slice %arg3[%dma_wait3A_229] : memref<262144xi32, #tpu.memory_space<hbm>> -> memref<4096xi32, #tpu.memory_space<hbm>>
      tpu.wait_dma2 semaphore(%arg14 : memref<!tpu.dma_semaphore, #tpu.memory_space<semaphore_mem>>) src(%dma_wait3A_230 : memref<4096xi32, #tpu.memory_space<hbm>>) dst(%arg8 : memref<4096xi32, #tpu.memory_space<vmem>>)
      %add3A_231 = arith.constant 1 : i32
      %add3A_232 = arith.addi %add3A_226, %add3A_231 : i32
      %lt3A_233 = arith.constant 64 : i32
      %lt3A_234 = arith.cmpi slt, %add3A_232, %lt3A_233 : i32
      %convert_element_type3A_235 = arith.extui %lt3A_234 : i1 to i32
      %cond3A_236 = arith.constant 0 : i32
      %cond3A_237 = arith.cmpi ne, %convert_element_type3A_235, %cond3A_236 : i32
      scf.if %cond3A_237 {
        %add3A_264 = arith.constant 1 : i32
        %add3A_265 = arith.addi %add3A_226, %add3A_264 : i32
        %mul3A_266 = arith.constant 4096 : i32
        %mul3A_267 = arith.muli %add3A_265, %mul3A_266 : i32
        %dma_start3A_268 = tpu.memref_slice %arg3[%mul3A_267] : memref<262144xi32, #tpu.memory_space<hbm>> -> memref<4096xi32, #tpu.memory_space<hbm>>
        %dma_start3A_269 = tpu.memref_slice %arg3[%mul3A_267] : memref<262144xi32, #tpu.memory_space<hbm>> -> memref<4096xi32, #tpu.memory_space<hbm>>
        tpu.enqueue_dma source(%dma_start3A_269 : memref<4096xi32, #tpu.memory_space<hbm>>) target(%arg7 : memref<4096xi32, #tpu.memory_space<vmem>>) target_semaphore(%arg13 : memref<!tpu.dma_semaphore, #tpu.memory_space<semaphore_mem>>)
      } else {
      }
      %gt3A_238 = arith.constant 0 : i32
      %gt3A_239 = arith.cmpi sgt, %scan3A_185, %gt3A_238 : i32
      %convert_element_type3A_240 = arith.extui %gt3A_239 : i1 to i32
      %cond3A_241 = arith.constant 0 : i32
      %cond3A_242 = arith.cmpi ne, %convert_element_type3A_240, %cond3A_241 : i32
      scf.if %cond3A_242 {
        %dma_wait3A_264 = arith.constant 0 : i32
        %dma_wait3A_265 = arith.constant 0 : i32
        %dma_wait3A_266 = tpu.memref_slice %arg4[%select_n3A, %select_n3A_34, %dma_wait3A_264, %dma_wait3A_265] : memref<8x16x512x512xf32, #tpu.memory_space<hbm>> -> memref<1x1x8x512xf32, #tpu.memory_space<hbm>>
        %dma_wait3A_267 = tpu.memref_squeeze %dma_wait3A_266 : memref<1x1x8x512xf32, #tpu.memory_space<hbm>> -> memref<8x512xf32, #tpu.memory_space<hbm>>
        %dma_wait3A_268 = arith.constant 0 : i32
        %dma_wait3A_269 = arith.constant 0 : i32
        %dma_wait3A_270 = tpu.memref_slice %arg4[%select_n3A, %select_n3A_34, %dma_wait3A_268, %dma_wait3A_269] : memref<8x16x512x512xf32, #tpu.memory_space<hbm>> -> memref<1x1x8x512xf32, #tpu.memory_space<hbm>>
        %dma_wait3A_271 = tpu.memref_squeeze %dma_wait3A_270 : memref<1x1x8x512xf32, #tpu.memory_space<hbm>> -> memref<8x512xf32, #tpu.memory_space<hbm>>
        tpu.wait_dma2 semaphore(%arg16 : memref<!tpu.dma_semaphore, #tpu.memory_space<semaphore_mem>>) src(%arg11 : memref<8x512xf32, #tpu.memory_space<vmem>>) dst(%dma_wait3A_271 : memref<8x512xf32, #tpu.memory_space<hbm>>)
        %add3A_272 = arith.constant 1 : i32
        %add3A_273 = arith.addi %select_n3A_34, %add3A_272 : i32
        %dma_wait3A_274 = arith.constant 0 : i32
        %dma_wait3A_275 = arith.constant 0 : i32
        %dma_wait3A_276 = tpu.memref_slice %arg4[%select_n3A, %add3A_273, %dma_wait3A_274, %dma_wait3A_275] : memref<8x16x512x512xf32, #tpu.memory_space<hbm>> -> memref<1x1x8x512xf32, #tpu.memory_space<hbm>>
        %dma_wait3A_277 = tpu.memref_squeeze %dma_wait3A_276 : memref<1x1x8x512xf32, #tpu.memory_space<hbm>> -> memref<8x512xf32, #tpu.memory_space<hbm>>
        %dma_wait3A_278 = arith.constant 0 : i32
        %dma_wait3A_279 = arith.constant 0 : i32
        %dma_wait3A_280 = tpu.memref_slice %arg4[%select_n3A, %add3A_273, %dma_wait3A_278, %dma_wait3A_279] : memref<8x16x512x512xf32, #tpu.memory_space<hbm>> -> memref<1x1x8x512xf32, #tpu.memory_space<hbm>>
        %dma_wait3A_281 = tpu.memref_squeeze %dma_wait3A_280 : memref<1x1x8x512xf32, #tpu.memory_space<hbm>> -> memref<8x512xf32, #tpu.memory_space<hbm>>
        tpu.wait_dma2 semaphore(%arg16 : memref<!tpu.dma_semaphore, #tpu.memory_space<semaphore_mem>>) src(%arg12 : memref<8x512xf32, #tpu.memory_space<vmem>>) dst(%dma_wait3A_281 : memref<8x512xf32, #tpu.memory_space<hbm>>)
      } else {
      }
      %parallel_loop3A_243 = arith.constant 0 : i32
      %parallel_loop3A_244 = arith.constant 256 : i32
      %parallel_loop3A_245 = arith.constant 1 : i32
      scf.for %parallel_loop3A_264 = %parallel_loop3A_243 to %parallel_loop3A_244 step %parallel_loop3A_245  : i32 {
        %parallel_loop3A_265 = arith.constant 32 : i32
        %parallel_loop3A_266 = arith.divsi %parallel_loop3A_264, %parallel_loop3A_265 : i32
        %parallel_loop3A_267 = arith.constant 0 : i32
        %parallel_loop3A_268 = arith.cmpi sgt, %parallel_loop3A_264, %parallel_loop3A_267 : i32
        %parallel_loop3A_269 = arith.extui %parallel_loop3A_268 : i1 to i32
        %parallel_loop3A_270 = arith.constant 0 : i32
        %parallel_loop3A_271 = arith.cmpi slt, %parallel_loop3A_264, %parallel_loop3A_270 : i32
        %parallel_loop3A_272 = arith.extui %parallel_loop3A_271 : i1 to i32
        %parallel_loop3A_273 = arith.subi %parallel_loop3A_269, %parallel_loop3A_272 : i32
        %parallel_loop3A_274 = arith.constant 0 : i32
        %parallel_loop3A_275 = arith.cmpi sgt, %parallel_loop3A_265, %parallel_loop3A_274 : i32
        %parallel_loop3A_276 = arith.extui %parallel_loop3A_275 : i1 to i32
        %parallel_loop3A_277 = arith.constant 0 : i32
        %parallel_loop3A_278 = arith.cmpi slt, %parallel_loop3A_265, %parallel_loop3A_277 : i32
        %parallel_loop3A_279 = arith.extui %parallel_loop3A_278 : i1 to i32
        %parallel_loop3A_280 = arith.subi %parallel_loop3A_276, %parallel_loop3A_279 : i32
        %parallel_loop3A_281 = arith.cmpi ne, %parallel_loop3A_273, %parallel_loop3A_280 : i32
        %parallel_loop3A_282 = arith.remsi %parallel_loop3A_264, %parallel_loop3A_265 : i32
        %parallel_loop3A_283 = arith.constant 0 : i32
        %parallel_loop3A_284 = arith.cmpi ne, %parallel_loop3A_282, %parallel_loop3A_283 : i32
        %parallel_loop3A_285 = arith.andi %parallel_loop3A_281, %parallel_loop3A_284 : i1
        %parallel_loop3A_286 = arith.constant 1 : i32
        %parallel_loop3A_287 = arith.subi %parallel_loop3A_266, %parallel_loop3A_286 : i32
        %parallel_loop3A_288 = arith.select %parallel_loop3A_285, %parallel_loop3A_287, %parallel_loop3A_266 : i32
        %parallel_loop3A_289 = arith.constant 32 : i32
        %parallel_loop3A_290 = arith.constant 0 : i32
        %parallel_loop3A_291 = arith.cmpi eq, %parallel_loop3A_289, %parallel_loop3A_290 : i32
        %parallel_loop3A_292 = arith.constant 1 : i32
        %parallel_loop3A_293 = arith.select %parallel_loop3A_291, %parallel_loop3A_292, %parallel_loop3A_289 : i32
        %parallel_loop3A_294 = arith.remsi %parallel_loop3A_264, %parallel_loop3A_293 : i32
        %parallel_loop3A_295 = arith.constant 0 : i32
        %parallel_loop3A_296 = arith.cmpi ne, %parallel_loop3A_294, %parallel_loop3A_295 : i32
        %parallel_loop3A_297 = arith.constant 0 : i32
        %parallel_loop3A_298 = arith.cmpi slt, %parallel_loop3A_294, %parallel_loop3A_297 : i32
        %parallel_loop3A_299 = arith.constant 0 : i32
        %parallel_loop3A_300 = arith.cmpi slt, %parallel_loop3A_293, %parallel_loop3A_299 : i32
        %parallel_loop3A_301 = arith.xori %parallel_loop3A_298, %parallel_loop3A_300 : i1
        %parallel_loop3A_302 = arith.andi %parallel_loop3A_301, %parallel_loop3A_296 : i1
        %parallel_loop3A_303 = arith.addi %parallel_loop3A_294, %parallel_loop3A_293 : i32
        %parallel_loop3A_304 = arith.select %parallel_loop3A_302, %parallel_loop3A_303, %parallel_loop3A_294 : i32
        %parallel_loop3A_305 = arith.constant 16 : i32
        %parallel_loop3A_306 = arith.muli %parallel_loop3A_304, %parallel_loop3A_305 : i32
        %parallel_loop3A_307 = arith.constant 16 : i32
        %parallel_loop3A_308 = arith.muli %parallel_loop3A_264, %parallel_loop3A_307 : i32
        %parallel_loop3A_309 = arith.index_cast %parallel_loop3A_308 : i32 to index
        %parallel_loop3A_310 = tpu.vector_load %arg8[%parallel_loop3A_309] {strides = array<i32>} : memref<4096xi32, #tpu.memory_space<vmem>>, vector<16xi32>,
        %parallel_loop3A_311 = tpu.vector_load_idx %arg5[%parallel_loop3A_310] : memref<50000xf32, #tpu.memory_space<vmem>>[vector<16xi32>], vector<16xf32>,
        %parallel_loop3A_312 = arith.index_cast %parallel_loop3A_288 : i32 to index
        %parallel_loop3A_313 = arith.index_cast %parallel_loop3A_306 : i32 to index
        %parallel_loop3A_314 = tpu.vector_load %arg11[%parallel_loop3A_312, %parallel_loop3A_313] {strides = array<i32>} : memref<8x512xf32, #tpu.memory_space<vmem>>, vector<16xf32>,
        tpu.vector_store %arg11[%parallel_loop3A_312, %parallel_loop3A_313], %parallel_loop3A_311 {strides = array<i32>} : memref<8x512xf32, #tpu.memory_space<vmem>>, vector<16xf32>,
        %parallel_loop3A_315 = tpu.vector_load_idx %arg6[%parallel_loop3A_310] : memref<50000xf32, #tpu.memory_space<vmem>>[vector<16xi32>], vector<16xf32>,
        %parallel_loop3A_316 = arith.index_cast %parallel_loop3A_288 : i32 to index
        %parallel_loop3A_317 = arith.index_cast %parallel_loop3A_306 : i32 to index
        %parallel_loop3A_318 = tpu.vector_load %arg12[%parallel_loop3A_316, %parallel_loop3A_317] {strides = array<i32>} : memref<8x512xf32, #tpu.memory_space<vmem>>, vector<16xf32>,
        tpu.vector_store %arg12[%parallel_loop3A_316, %parallel_loop3A_317], %parallel_loop3A_315 {strides = array<i32>} : memref<8x512xf32, #tpu.memory_space<vmem>>, vector<16xf32>,
      } {sc.loop_unroll_factor = 16 : i64, sc.parallel_access}
      %mul3A_246 = arith.constant 8 : i32
      %mul3A_247 = arith.muli %add3A_226, %mul3A_246 : i32
      %multiple_of3A_248 = tpu.assume_multiple %mul3A_247, 8 : i32
      %dma_start3A_249 = arith.constant 0 : i32
      %dma_start3A_250 = tpu.memref_slice %arg4[%select_n3A, %select_n3A_34, %multiple_of3A_248, %dma_start3A_249] : memref<8x16x512x512xf32, #tpu.memory_space<hbm>> -> memref<1x1x8x512xf32, #tpu.memory_space<hbm>>
      %dma_start3A_251 = tpu.memref_squeeze %dma_start3A_250 : memref<1x1x8x512xf32, #tpu.memory_space<hbm>> -> memref<8x512xf32, #tpu.memory_space<hbm>>
      %dma_start3A_252 = arith.constant 0 : i32
      %dma_start3A_253 = tpu.memref_slice %arg4[%select_n3A, %select_n3A_34, %multiple_of3A_248, %dma_start3A_252] : memref<8x16x512x512xf32, #tpu.memory_space<hbm>> -> memref<1x1x8x512xf32, #tpu.memory_space<hbm>>
      %dma_start3A_254 = tpu.memref_squeeze %dma_start3A_253 : memref<1x1x8x512xf32, #tpu.memory_space<hbm>> -> memref<8x512xf32, #tpu.memory_space<hbm>>
      tpu.enqueue_dma source(%arg11 : memref<8x512xf32, #tpu.memory_space<vmem>>) target(%dma_start3A_254 : memref<8x512xf32, #tpu.memory_space<hbm>>) target_semaphore(%arg16 : memref<!tpu.dma_semaphore, #tpu.memory_space<semaphore_mem>>)
      %add3A_255 = arith.constant 1 : i32
      %add3A_256 = arith.addi %select_n3A_34, %add3A_255 : i32
      %dma_start3A_257 = arith.constant 0 : i32
      %dma_start3A_258 = tpu.memref_slice %arg4[%select_n3A, %add3A_256, %multiple_of3A_248, %dma_start3A_257] : memref<8x16x512x512xf32, #tpu.memory_space<hbm>> -> memref<1x1x8x512xf32, #tpu.memory_space<hbm>>
      %dma_start3A_259 = tpu.memref_squeeze %dma_start3A_258 : memref<1x1x8x512xf32, #tpu.memory_space<hbm>> -> memref<8x512xf32, #tpu.memory_space<hbm>>
      %dma_start3A_260 = arith.constant 0 : i32
      %dma_start3A_261 = tpu.memref_slice %arg4[%select_n3A, %add3A_256, %multiple_of3A_248, %dma_start3A_260] : memref<8x16x512x512xf32, #tpu.memory_space<hbm>> -> memref<1x1x8x512xf32, #tpu.memory_space<hbm>>
      %dma_start3A_262 = tpu.memref_squeeze %dma_start3A_261 : memref<1x1x8x512xf32, #tpu.memory_space<hbm>> -> memref<8x512xf32, #tpu.memory_space<hbm>>
      tpu.enqueue_dma source(%arg12 : memref<8x512xf32, #tpu.memory_space<vmem>>) target(%dma_start3A_262 : memref<8x512xf32, #tpu.memory_space<hbm>>) target_semaphore(%arg16 : memref<!tpu.dma_semaphore, #tpu.memory_space<semaphore_mem>>)
      %scan3A_263 = arith.constant 0 : i32
      scf.yield %scan3A_263 : i32
    }
    %scan3A_50 = arith.constant 32 : i32
    %dma_wait3A = arith.constant 0 : i32
    %dma_wait3A_51 = arith.constant 0 : i32
    %dma_wait3A_52 = tpu.memref_slice %arg4[%select_n3A, %select_n3A_34, %dma_wait3A, %dma_wait3A_51] : memref<8x16x512x512xf32, #tpu.memory_space<hbm>> -> memref<1x1x8x512xf32, #tpu.memory_space<hbm>>
    %dma_wait3A_53 = tpu.memref_squeeze %dma_wait3A_52 : memref<1x1x8x512xf32, #tpu.memory_space<hbm>> -> memref<8x512xf32, #tpu.memory_space<hbm>>
    %dma_wait3A_54 = arith.constant 0 : i32
    %dma_wait3A_55 = arith.constant 0 : i32
    %dma_wait3A_56 = tpu.memref_slice %arg4[%select_n3A, %select_n3A_34, %dma_wait3A_54, %dma_wait3A_55] : memref<8x16x512x512xf32, #tpu.memory_space<hbm>> -> memref<1x1x8x512xf32, #tpu.memory_space<hbm>>
    %dma_wait3A_57 = tpu.memref_squeeze %dma_wait3A_56 : memref<1x1x8x512xf32, #tpu.memory_space<hbm>> -> memref<8x512xf32, #tpu.memory_space<hbm>>
    tpu.wait_dma2 semaphore(%arg15 : memref<!tpu.dma_semaphore, #tpu.memory_space<semaphore_mem>>) src(%arg9 : memref<8x512xf32, #tpu.memory_space<vmem>>) dst(%dma_wait3A_57 : memref<8x512xf32, #tpu.memory_space<hbm>>)
    %add3A_58 = arith.constant 1 : i32
    %add3A_59 = arith.addi %select_n3A_34, %add3A_58 : i32
    %dma_wait3A_60 = arith.constant 0 : i32
    %dma_wait3A_61 = arith.constant 0 : i32
    %dma_wait3A_62 = tpu.memref_slice %arg4[%select_n3A, %add3A_59, %dma_wait3A_60, %dma_wait3A_61] : memref<8x16x512x512xf32, #tpu.memory_space<hbm>> -> memref<1x1x8x512xf32, #tpu.memory_space<hbm>>
    %dma_wait3A_63 = tpu.memref_squeeze %dma_wait3A_62 : memref<1x1x8x512xf32, #tpu.memory_space<hbm>> -> memref<8x512xf32, #tpu.memory_space<hbm>>
    %dma_wait3A_64 = arith.constant 0 : i32
    %dma_wait3A_65 = arith.constant 0 : i32
    %dma_wait3A_66 = tpu.memref_slice %arg4[%select_n3A, %add3A_59, %dma_wait3A_64, %dma_wait3A_65] : memref<8x16x512x512xf32, #tpu.memory_space<hbm>> -> memref<1x1x8x512xf32, #tpu.memory_space<hbm>>
    %dma_wait3A_67 = tpu.memref_squeeze %dma_wait3A_66 : memref<1x1x8x512xf32, #tpu.memory_space<hbm>> -> memref<8x512xf32, #tpu.memory_space<hbm>>
    tpu.wait_dma2 semaphore(%arg15 : memref<!tpu.dma_semaphore, #tpu.memory_space<semaphore_mem>>) src(%arg10 : memref<8x512xf32, #tpu.memory_space<vmem>>) dst(%dma_wait3A_67 : memref<8x512xf32, #tpu.memory_space<hbm>>)
    %dma_wait3A_68 = arith.constant 0 : i32
    %dma_wait3A_69 = arith.constant 0 : i32
    %dma_wait3A_70 = tpu.memref_slice %arg4[%select_n3A, %select_n3A_34, %dma_wait3A_68, %dma_wait3A_69] : memref<8x16x512x512xf32, #tpu.memory_space<hbm>> -> memref<1x1x8x512xf32, #tpu.memory_space<hbm>>
    %dma_wait3A_71 = tpu.memref_squeeze %dma_wait3A_70 : memref<1x1x8x512xf32, #tpu.memory_space<hbm>> -> memref<8x512xf32, #tpu.memory_space<hbm>>
    %dma_wait3A_72 = arith.constant 0 : i32
    %dma_wait3A_73 = arith.constant 0 : i32
    %dma_wait3A_74 = tpu.memref_slice %arg4[%select_n3A, %select_n3A_34, %dma_wait3A_72, %dma_wait3A_73] : memref<8x16x512x512xf32, #tpu.memory_space<hbm>> -> memref<1x1x8x512xf32, #tpu.memory_space<hbm>>
    %dma_wait3A_75 = tpu.memref_squeeze %dma_wait3A_74 : memref<1x1x8x512xf32, #tpu.memory_space<hbm>> -> memref<8x512xf32, #tpu.memory_space<hbm>>
    tpu.wait_dma2 semaphore(%arg16 : memref<!tpu.dma_semaphore, #tpu.memory_space<semaphore_mem>>) src(%arg11 : memref<8x512xf32, #tpu.memory_space<vmem>>) dst(%dma_wait3A_75 : memref<8x512xf32, #tpu.memory_space<hbm>>)
    %add3A_76 = arith.constant 1 : i32
    %add3A_77 = arith.addi %select_n3A_34, %add3A_76 : i32
    %dma_wait3A_78 = arith.constant 0 : i32
    %dma_wait3A_79 = arith.constant 0 : i32
    %dma_wait3A_80 = tpu.memref_slice %arg4[%select_n3A, %add3A_77, %dma_wait3A_78, %dma_wait3A_79] : memref<8x16x512x512xf32, #tpu.memory_space<hbm>> -> memref<1x1x8x512xf32, #tpu.memory_space<hbm>>
    %dma_wait3A_81 = tpu.memref_squeeze %dma_wait3A_80 : memref<1x1x8x512xf32, #tpu.memory_space<hbm>> -> memref<8x512xf32, #tpu.memory_space<hbm>>
    %dma_wait3A_82 = arith.constant 0 : i32
    %dma_wait3A_83 = arith.constant 0 : i32
    %dma_wait3A_84 = tpu.memref_slice %arg4[%select_n3A, %add3A_77, %dma_wait3A_82, %dma_wait3A_83] : memref<8x16x512x512xf32, #tpu.memory_space<hbm>> -> memref<1x1x8x512xf32, #tpu.memory_space<hbm>>
    %dma_wait3A_85 = tpu.memref_squeeze %dma_wait3A_84 : memref<1x1x8x512xf32, #tpu.memory_space<hbm>> -> memref<8x512xf32, #tpu.memory_space<hbm>>
    tpu.wait_dma2 semaphore(%arg16 : memref<!tpu.dma_semaphore, #tpu.memory_space<semaphore_mem>>) src(%arg12 : memref<8x512xf32, #tpu.memory_space<vmem>>) dst(%dma_wait3A_85 : memref<8x512xf32, #tpu.memory_space<hbm>>)
    %mul3A_86 = arith.constant 4 : i32
    %mul3A_87 = arith.muli %add3A, %mul3A_86 : i32
    %add3A_88 = arith.constant 2 : i32
    %add3A_89 = arith.addi %mul3A_87, %add3A_88 : i32
    %jit3A_90 = arith.constant 16 : i32
    %div3A_91 = arith.divsi %add3A_89, %jit3A_90 : i32
    %sign3A_92 = arith.constant 0 : i32
    %sign3A_93 = arith.cmpi sgt, %add3A_89, %sign3A_92 : i32
    %sign3A_94 = arith.extui %sign3A_93 : i1 to i32
    %sign3A_95 = arith.constant 0 : i32
    %sign3A_96 = arith.cmpi slt, %add3A_89, %sign3A_95 : i32
    %sign3A_97 = arith.extui %sign3A_96 : i1 to i32
    %sign3A_98 = arith.subi %sign3A_94, %sign3A_97 : i32
    %sign3A_99 = arith.constant 0 : i32
    %sign3A_100 = arith.cmpi sgt, %jit3A_90, %sign3A_99 : i32
    %sign3A_101 = arith.extui %sign3A_100 : i1 to i32
    %sign3A_102 = arith.constant 0 : i32
    %sign3A_103 = arith.cmpi slt, %jit3A_90, %sign3A_102 : i32
    %sign3A_104 = arith.extui %sign3A_103 : i1 to i32
    %sign3A_105 = arith.subi %sign3A_101, %sign3A_104 : i32
    %ne3A_106 = arith.cmpi ne, %sign3A_98, %sign3A_105 : i32
    %rem3A_107 = arith.remsi %add3A_89, %jit3A_90 : i32
    %ne3A_108 = arith.constant 0 : i32
    %ne3A_109 = arith.cmpi ne, %rem3A_107, %ne3A_108 : i32
    %and3A_110 = arith.andi %ne3A_106, %ne3A_109 : i1
    %sub3A_111 = arith.constant 1 : i32
    %sub3A_112 = arith.subi %div3A_91, %sub3A_111 : i32
    %select_n3A_113 = arith.select %and3A_110, %sub3A_112, %div3A_91 : i32
    %jit3A_114 = arith.constant 16 : i32
    %eq3A_115 = arith.constant 0 : i32
    %eq3A_116 = arith.cmpi eq, %jit3A_114, %eq3A_115 : i32
    %jit3A_117 = arith.constant 1 : i32
    %select_n3A_118 = arith.select %eq3A_116, %jit3A_117, %jit3A_114 : i32
    %rem3A_119 = arith.remsi %add3A_89, %select_n3A_118 : i32
    %ne3A_120 = arith.constant 0 : i32
    %ne3A_121 = arith.cmpi ne, %rem3A_119, %ne3A_120 : i32
    %lt3A_122 = arith.constant 0 : i32
    %lt3A_123 = arith.cmpi slt, %rem3A_119, %lt3A_122 : i32
    %lt3A_124 = arith.constant 0 : i32
    %lt3A_125 = arith.cmpi slt, %select_n3A_118, %lt3A_124 : i32
    %ne3A_126 = arith.xori %lt3A_123, %lt3A_125 : i1
    %and3A_127 = arith.andi %ne3A_126, %ne3A_121 : i1
    %add3A_128 = arith.addi %rem3A_119, %select_n3A_118 : i32
    %select_n3A_129 = arith.select %and3A_127, %add3A_128, %rem3A_119 : i32
    %mul3A_130 = arith.constant 50000 : i32
    %mul3A_131 = arith.muli %add3A_89, %mul3A_130 : i32
    %multiple_of3A_132 = tpu.assume_multiple %mul3A_131, 8 : i32
    "tpu.region"() ({
      %run_scoped3A = tpu.sem_alloc : memref<!tpu.dma_semaphore, #tpu.memory_space<semaphore_mem>>
      %dma_start3A_185 = tpu.memref_slice %arg2[%multiple_of3A_132] : memref<6400000xf32, #tpu.memory_space<hbm>> -> memref<50000xf32, #tpu.memory_space<hbm>>
      %dma_start3A_186 = tpu.memref_slice %arg2[%multiple_of3A_132] : memref<6400000xf32, #tpu.memory_space<hbm>> -> memref<50000xf32, #tpu.memory_space<hbm>>
      tpu.enqueue_dma source(%dma_start3A_186 : memref<50000xf32, #tpu.memory_space<hbm>>) target(%arg5 : memref<50000xf32, #tpu.memory_space<vmem>>) target_semaphore(%run_scoped3A : memref<!tpu.dma_semaphore, #tpu.memory_space<semaphore_mem>>)
      %dma_wait3A_187 = tpu.memref_slice %arg2[%multiple_of3A_132] : memref<6400000xf32, #tpu.memory_space<hbm>> -> memref<50000xf32, #tpu.memory_space<hbm>>
      %dma_wait3A_188 = tpu.memref_slice %arg2[%multiple_of3A_132] : memref<6400000xf32, #tpu.memory_space<hbm>> -> memref<50000xf32, #tpu.memory_space<hbm>>
      tpu.wait_dma2 semaphore(%run_scoped3A : memref<!tpu.dma_semaphore, #tpu.memory_space<semaphore_mem>>) src(%dma_wait3A_188 : memref<50000xf32, #tpu.memory_space<hbm>>) dst(%arg5 : memref<50000xf32, #tpu.memory_space<vmem>>)
      tpu.yield
    }) : () -> ()
    %add3A_133 = arith.constant 1 : i32
    %add3A_134 = arith.addi %add3A_89, %add3A_133 : i32
    %mul3A_135 = arith.constant 50000 : i32
    %mul3A_136 = arith.muli %add3A_134, %mul3A_135 : i32
    %multiple_of3A_137 = tpu.assume_multiple %mul3A_136, 8 : i32
    "tpu.region"() ({
      %run_scoped3A = tpu.sem_alloc : memref<!tpu.dma_semaphore, #tpu.memory_space<semaphore_mem>>
      %dma_start3A_185 = tpu.memref_slice %arg2[%multiple_of3A_137] : memref<6400000xf32, #tpu.memory_space<hbm>> -> memref<50000xf32, #tpu.memory_space<hbm>>
      %dma_start3A_186 = tpu.memref_slice %arg2[%multiple_of3A_137] : memref<6400000xf32, #tpu.memory_space<hbm>> -> memref<50000xf32, #tpu.memory_space<hbm>>
      tpu.enqueue_dma source(%dma_start3A_186 : memref<50000xf32, #tpu.memory_space<hbm>>) target(%arg6 : memref<50000xf32, #tpu.memory_space<vmem>>) target_semaphore(%run_scoped3A : memref<!tpu.dma_semaphore, #tpu.memory_space<semaphore_mem>>)
      %dma_wait3A_187 = tpu.memref_slice %arg2[%multiple_of3A_137] : memref<6400000xf32, #tpu.memory_space<hbm>> -> memref<50000xf32, #tpu.memory_space<hbm>>
      %dma_wait3A_188 = tpu.memref_slice %arg2[%multiple_of3A_137] : memref<6400000xf32, #tpu.memory_space<hbm>> -> memref<50000xf32, #tpu.memory_space<hbm>>
      tpu.wait_dma2 semaphore(%run_scoped3A : memref<!tpu.dma_semaphore, #tpu.memory_space<semaphore_mem>>) src(%dma_wait3A_188 : memref<50000xf32, #tpu.memory_space<hbm>>) dst(%arg6 : memref<50000xf32, #tpu.memory_space<vmem>>)
      tpu.yield
    }) : () -> ()
    %dma_start3A_138 = arith.constant 0 : i32
    %dma_start3A_139 = tpu.memref_slice %arg3[%dma_start3A_138] : memref<262144xi32, #tpu.memory_space<hbm>> -> memref<4096xi32, #tpu.memory_space<hbm>>
    %dma_start3A_140 = arith.constant 0 : i32
    %dma_start3A_141 = tpu.memref_slice %arg3[%dma_start3A_140] : memref<262144xi32, #tpu.memory_space<hbm>> -> memref<4096xi32, #tpu.memory_space<hbm>>
    tpu.enqueue_dma source(%dma_start3A_141 : memref<4096xi32, #tpu.memory_space<hbm>>) target(%arg7 : memref<4096xi32, #tpu.memory_space<vmem>>) target_semaphore(%arg13 : memref<!tpu.dma_semaphore, #tpu.memory_space<semaphore_mem>>)
    %scan3A_142 = arith.constant 0 : i32
    %scan3A_143 = arith.constant 0 : i32
    %scan3A_144 = arith.constant 32 : i32
    %scan3A_145 = arith.addi %scan3A_143, %scan3A_144 : i32
    %scan3A_146 = arith.constant 1 : i32
    %scan3A_147 = scf.for %scan3A_185 = %scan3A_143 to %scan3A_145 step %scan3A_146 iter_args(%scan3A_186 = %scan3A_142) -> (i32)  : i32 {
      %mul3A_187 = arith.constant 2 : i32
      %mul3A_188 = arith.muli %scan3A_185, %mul3A_187 : i32
      %add3A_189 = arith.constant 0 : i32
      %add3A_190 = arith.addi %mul3A_188, %add3A_189 : i32
      %dma_wait3A_191 = arith.constant 0 : i32
      %dma_wait3A_192 = tpu.memref_slice %arg3[%dma_wait3A_191] : memref<262144xi32, #tpu.memory_space<hbm>> -> memref<4096xi32, #tpu.memory_space<hbm>>
      %dma_wait3A_193 = arith.constant 0 : i32
      %dma_wait3A_194 = tpu.memref_slice %arg3[%dma_wait3A_193] : memref<262144xi32, #tpu.memory_space<hbm>> -> memref<4096xi32, #tpu.memory_space<hbm>>
      tpu.wait_dma2 semaphore(%arg13 : memref<!tpu.dma_semaphore, #tpu.memory_space<semaphore_mem>>) src(%dma_wait3A_194 : memref<4096xi32, #tpu.memory_space<hbm>>) dst(%arg7 : memref<4096xi32, #tpu.memory_space<vmem>>)
      %add3A_195 = arith.constant 1 : i32
      %add3A_196 = arith.addi %add3A_190, %add3A_195 : i32
      %lt3A_197 = arith.constant 64 : i32
      %lt3A_198 = arith.cmpi slt, %add3A_196, %lt3A_197 : i32
      %convert_element_type3A = arith.extui %lt3A_198 : i1 to i32
      %cond3A = arith.constant 0 : i32
      %cond3A_199 = arith.cmpi ne, %convert_element_type3A, %cond3A : i32
      scf.if %cond3A_199 {
        %add3A_264 = arith.constant 1 : i32
        %add3A_265 = arith.addi %add3A_190, %add3A_264 : i32
        %mul3A_266 = arith.constant 4096 : i32
        %mul3A_267 = arith.muli %add3A_265, %mul3A_266 : i32
        %dma_start3A_268 = tpu.memref_slice %arg3[%mul3A_267] : memref<262144xi32, #tpu.memory_space<hbm>> -> memref<4096xi32, #tpu.memory_space<hbm>>
        %dma_start3A_269 = tpu.memref_slice %arg3[%mul3A_267] : memref<262144xi32, #tpu.memory_space<hbm>> -> memref<4096xi32, #tpu.memory_space<hbm>>
        tpu.enqueue_dma source(%dma_start3A_269 : memref<4096xi32, #tpu.memory_space<hbm>>) target(%arg8 : memref<4096xi32, #tpu.memory_space<vmem>>) target_semaphore(%arg14 : memref<!tpu.dma_semaphore, #tpu.memory_space<semaphore_mem>>)
      } else {
      }
      %gt3A = arith.constant 0 : i32
      %gt3A_200 = arith.cmpi sgt, %scan3A_185, %gt3A : i32
      %convert_element_type3A_201 = arith.extui %gt3A_200 : i1 to i32
      %cond3A_202 = arith.constant 0 : i32
      %cond3A_203 = arith.cmpi ne, %convert_element_type3A_201, %cond3A_202 : i32
      scf.if %cond3A_203 {
        %dma_wait3A_264 = arith.constant 0 : i32
        %dma_wait3A_265 = arith.constant 0 : i32
        %dma_wait3A_266 = tpu.memref_slice %arg4[%select_n3A_113, %select_n3A_129, %dma_wait3A_264, %dma_wait3A_265] : memref<8x16x512x512xf32, #tpu.memory_space<hbm>> -> memref<1x1x8x512xf32, #tpu.memory_space<hbm>>
        %dma_wait3A_267 = tpu.memref_squeeze %dma_wait3A_266 : memref<1x1x8x512xf32, #tpu.memory_space<hbm>> -> memref<8x512xf32, #tpu.memory_space<hbm>>
        %dma_wait3A_268 = arith.constant 0 : i32
        %dma_wait3A_269 = arith.constant 0 : i32
        %dma_wait3A_270 = tpu.memref_slice %arg4[%select_n3A_113, %select_n3A_129, %dma_wait3A_268, %dma_wait3A_269] : memref<8x16x512x512xf32, #tpu.memory_space<hbm>> -> memref<1x1x8x512xf32, #tpu.memory_space<hbm>>
        %dma_wait3A_271 = tpu.memref_squeeze %dma_wait3A_270 : memref<1x1x8x512xf32, #tpu.memory_space<hbm>> -> memref<8x512xf32, #tpu.memory_space<hbm>>
        tpu.wait_dma2 semaphore(%arg15 : memref<!tpu.dma_semaphore, #tpu.memory_space<semaphore_mem>>) src(%arg9 : memref<8x512xf32, #tpu.memory_space<vmem>>) dst(%dma_wait3A_271 : memref<8x512xf32, #tpu.memory_space<hbm>>)
        %add3A_272 = arith.constant 1 : i32
        %add3A_273 = arith.addi %select_n3A_129, %add3A_272 : i32
        %dma_wait3A_274 = arith.constant 0 : i32
        %dma_wait3A_275 = arith.constant 0 : i32
        %dma_wait3A_276 = tpu.memref_slice %arg4[%select_n3A_113, %add3A_273, %dma_wait3A_274, %dma_wait3A_275] : memref<8x16x512x512xf32, #tpu.memory_space<hbm>> -> memref<1x1x8x512xf32, #tpu.memory_space<hbm>>
        %dma_wait3A_277 = tpu.memref_squeeze %dma_wait3A_276 : memref<1x1x8x512xf32, #tpu.memory_space<hbm>> -> memref<8x512xf32, #tpu.memory_space<hbm>>
        %dma_wait3A_278 = arith.constant 0 : i32
        %dma_wait3A_279 = arith.constant 0 : i32
        %dma_wait3A_280 = tpu.memref_slice %arg4[%select_n3A_113, %add3A_273, %dma_wait3A_278, %dma_wait3A_279] : memref<8x16x512x512xf32, #tpu.memory_space<hbm>> -> memref<1x1x8x512xf32, #tpu.memory_space<hbm>>
        %dma_wait3A_281 = tpu.memref_squeeze %dma_wait3A_280 : memref<1x1x8x512xf32, #tpu.memory_space<hbm>> -> memref<8x512xf32, #tpu.memory_space<hbm>>
        tpu.wait_dma2 semaphore(%arg15 : memref<!tpu.dma_semaphore, #tpu.memory_space<semaphore_mem>>) src(%arg10 : memref<8x512xf32, #tpu.memory_space<vmem>>) dst(%dma_wait3A_281 : memref<8x512xf32, #tpu.memory_space<hbm>>)
      } else {
      }
      %parallel_loop3A = arith.constant 0 : i32
      %parallel_loop3A_204 = arith.constant 256 : i32
      %parallel_loop3A_205 = arith.constant 1 : i32
      scf.for %parallel_loop3A_264 = %parallel_loop3A to %parallel_loop3A_204 step %parallel_loop3A_205  : i32 {
        %parallel_loop3A_265 = arith.constant 32 : i32
        %parallel_loop3A_266 = arith.divsi %parallel_loop3A_264, %parallel_loop3A_265 : i32
        %parallel_loop3A_267 = arith.constant 0 : i32
        %parallel_loop3A_268 = arith.cmpi sgt, %parallel_loop3A_264, %parallel_loop3A_267 : i32
        %parallel_loop3A_269 = arith.extui %parallel_loop3A_268 : i1 to i32
        %parallel_loop3A_270 = arith.constant 0 : i32
        %parallel_loop3A_271 = arith.cmpi slt, %parallel_loop3A_264, %parallel_loop3A_270 : i32
        %parallel_loop3A_272 = arith.extui %parallel_loop3A_271 : i1 to i32
        %parallel_loop3A_273 = arith.subi %parallel_loop3A_269, %parallel_loop3A_272 : i32
        %parallel_loop3A_274 = arith.constant 0 : i32
        %parallel_loop3A_275 = arith.cmpi sgt, %parallel_loop3A_265, %parallel_loop3A_274 : i32
        %parallel_loop3A_276 = arith.extui %parallel_loop3A_275 : i1 to i32
        %parallel_loop3A_277 = arith.constant 0 : i32
        %parallel_loop3A_278 = arith.cmpi slt, %parallel_loop3A_265, %parallel_loop3A_277 : i32
        %parallel_loop3A_279 = arith.extui %parallel_loop3A_278 : i1 to i32
        %parallel_loop3A_280 = arith.subi %parallel_loop3A_276, %parallel_loop3A_279 : i32
        %parallel_loop3A_281 = arith.cmpi ne, %parallel_loop3A_273, %parallel_loop3A_280 : i32
        %parallel_loop3A_282 = arith.remsi %parallel_loop3A_264, %parallel_loop3A_265 : i32
        %parallel_loop3A_283 = arith.constant 0 : i32
        %parallel_loop3A_284 = arith.cmpi ne, %parallel_loop3A_282, %parallel_loop3A_283 : i32
        %parallel_loop3A_285 = arith.andi %parallel_loop3A_281, %parallel_loop3A_284 : i1
        %parallel_loop3A_286 = arith.constant 1 : i32
        %parallel_loop3A_287 = arith.subi %parallel_loop3A_266, %parallel_loop3A_286 : i32
        %parallel_loop3A_288 = arith.select %parallel_loop3A_285, %parallel_loop3A_287, %parallel_loop3A_266 : i32
        %parallel_loop3A_289 = arith.constant 32 : i32
        %parallel_loop3A_290 = arith.constant 0 : i32
        %parallel_loop3A_291 = arith.cmpi eq, %parallel_loop3A_289, %parallel_loop3A_290 : i32
        %parallel_loop3A_292 = arith.constant 1 : i32
        %parallel_loop3A_293 = arith.select %parallel_loop3A_291, %parallel_loop3A_292, %parallel_loop3A_289 : i32
        %parallel_loop3A_294 = arith.remsi %parallel_loop3A_264, %parallel_loop3A_293 : i32
        %parallel_loop3A_295 = arith.constant 0 : i32
        %parallel_loop3A_296 = arith.cmpi ne, %parallel_loop3A_294, %parallel_loop3A_295 : i32
        %parallel_loop3A_297 = arith.constant 0 : i32
        %parallel_loop3A_298 = arith.cmpi slt, %parallel_loop3A_294, %parallel_loop3A_297 : i32
        %parallel_loop3A_299 = arith.constant 0 : i32
        %parallel_loop3A_300 = arith.cmpi slt, %parallel_loop3A_293, %parallel_loop3A_299 : i32
        %parallel_loop3A_301 = arith.xori %parallel_loop3A_298, %parallel_loop3A_300 : i1
        %parallel_loop3A_302 = arith.andi %parallel_loop3A_301, %parallel_loop3A_296 : i1
        %parallel_loop3A_303 = arith.addi %parallel_loop3A_294, %parallel_loop3A_293 : i32
        %parallel_loop3A_304 = arith.select %parallel_loop3A_302, %parallel_loop3A_303, %parallel_loop3A_294 : i32
        %parallel_loop3A_305 = arith.constant 16 : i32
        %parallel_loop3A_306 = arith.muli %parallel_loop3A_304, %parallel_loop3A_305 : i32
        %parallel_loop3A_307 = arith.constant 16 : i32
        %parallel_loop3A_308 = arith.muli %parallel_loop3A_264, %parallel_loop3A_307 : i32
        %parallel_loop3A_309 = arith.index_cast %parallel_loop3A_308 : i32 to index
        %parallel_loop3A_310 = tpu.vector_load %arg7[%parallel_loop3A_309] {strides = array<i32>} : memref<4096xi32, #tpu.memory_space<vmem>>, vector<16xi32>,
        %parallel_loop3A_311 = tpu.vector_load_idx %arg5[%parallel_loop3A_310] : memref<50000xf32, #tpu.memory_space<vmem>>[vector<16xi32>], vector<16xf32>,
        %parallel_loop3A_312 = arith.index_cast %parallel_loop3A_288 : i32 to index
        %parallel_loop3A_313 = arith.index_cast %parallel_loop3A_306 : i32 to index
        %parallel_loop3A_314 = tpu.vector_load %arg9[%parallel_loop3A_312, %parallel_loop3A_313] {strides = array<i32>} : memref<8x512xf32, #tpu.memory_space<vmem>>, vector<16xf32>,
        tpu.vector_store %arg9[%parallel_loop3A_312, %parallel_loop3A_313], %parallel_loop3A_311 {strides = array<i32>} : memref<8x512xf32, #tpu.memory_space<vmem>>, vector<16xf32>,
        %parallel_loop3A_315 = tpu.vector_load_idx %arg6[%parallel_loop3A_310] : memref<50000xf32, #tpu.memory_space<vmem>>[vector<16xi32>], vector<16xf32>,
        %parallel_loop3A_316 = arith.index_cast %parallel_loop3A_288 : i32 to index
        %parallel_loop3A_317 = arith.index_cast %parallel_loop3A_306 : i32 to index
        %parallel_loop3A_318 = tpu.vector_load %arg10[%parallel_loop3A_316, %parallel_loop3A_317] {strides = array<i32>} : memref<8x512xf32, #tpu.memory_space<vmem>>, vector<16xf32>,
        tpu.vector_store %arg10[%parallel_loop3A_316, %parallel_loop3A_317], %parallel_loop3A_315 {strides = array<i32>} : memref<8x512xf32, #tpu.memory_space<vmem>>, vector<16xf32>,
      } {sc.loop_unroll_factor = 16 : i64, sc.parallel_access}
      %mul3A_206 = arith.constant 8 : i32
      %mul3A_207 = arith.muli %add3A_190, %mul3A_206 : i32
      %multiple_of3A_208 = tpu.assume_multiple %mul3A_207, 8 : i32
      %dma_start3A_209 = arith.constant 0 : i32
      %dma_start3A_210 = tpu.memref_slice %arg4[%select_n3A_113, %select_n3A_129, %multiple_of3A_208, %dma_start3A_209] : memref<8x16x512x512xf32, #tpu.memory_space<hbm>> -> memref<1x1x8x512xf32, #tpu.memory_space<hbm>>
      %dma_start3A_211 = tpu.memref_squeeze %dma_start3A_210 : memref<1x1x8x512xf32, #tpu.memory_space<hbm>> -> memref<8x512xf32, #tpu.memory_space<hbm>>
      %dma_start3A_212 = arith.constant 0 : i32
      %dma_start3A_213 = tpu.memref_slice %arg4[%select_n3A_113, %select_n3A_129, %multiple_of3A_208, %dma_start3A_212] : memref<8x16x512x512xf32, #tpu.memory_space<hbm>> -> memref<1x1x8x512xf32, #tpu.memory_space<hbm>>
      %dma_start3A_214 = tpu.memref_squeeze %dma_start3A_213 : memref<1x1x8x512xf32, #tpu.memory_space<hbm>> -> memref<8x512xf32, #tpu.memory_space<hbm>>
      tpu.enqueue_dma source(%arg9 : memref<8x512xf32, #tpu.memory_space<vmem>>) target(%dma_start3A_214 : memref<8x512xf32, #tpu.memory_space<hbm>>) target_semaphore(%arg15 : memref<!tpu.dma_semaphore, #tpu.memory_space<semaphore_mem>>)
      %add3A_215 = arith.constant 1 : i32
      %add3A_216 = arith.addi %select_n3A_129, %add3A_215 : i32
      %dma_start3A_217 = arith.constant 0 : i32
      %dma_start3A_218 = tpu.memref_slice %arg4[%select_n3A_113, %add3A_216, %multiple_of3A_208, %dma_start3A_217] : memref<8x16x512x512xf32, #tpu.memory_space<hbm>> -> memref<1x1x8x512xf32, #tpu.memory_space<hbm>>
      %dma_start3A_219 = tpu.memref_squeeze %dma_start3A_218 : memref<1x1x8x512xf32, #tpu.memory_space<hbm>> -> memref<8x512xf32, #tpu.memory_space<hbm>>
      %dma_start3A_220 = arith.constant 0 : i32
      %dma_start3A_221 = tpu.memref_slice %arg4[%select_n3A_113, %add3A_216, %multiple_of3A_208, %dma_start3A_220] : memref<8x16x512x512xf32, #tpu.memory_space<hbm>> -> memref<1x1x8x512xf32, #tpu.memory_space<hbm>>
      %dma_start3A_222 = tpu.memref_squeeze %dma_start3A_221 : memref<1x1x8x512xf32, #tpu.memory_space<hbm>> -> memref<8x512xf32, #tpu.memory_space<hbm>>
      tpu.enqueue_dma source(%arg10 : memref<8x512xf32, #tpu.memory_space<vmem>>) target(%dma_start3A_222 : memref<8x512xf32, #tpu.memory_space<hbm>>) target_semaphore(%arg15 : memref<!tpu.dma_semaphore, #tpu.memory_space<semaphore_mem>>)
      %mul3A_223 = arith.constant 2 : i32
      %mul3A_224 = arith.muli %scan3A_185, %mul3A_223 : i32
      %add3A_225 = arith.constant 1 : i32
      %add3A_226 = arith.addi %mul3A_224, %add3A_225 : i32
      %dma_wait3A_227 = arith.constant 0 : i32
      %dma_wait3A_228 = tpu.memref_slice %arg3[%dma_wait3A_227] : memref<262144xi32, #tpu.memory_space<hbm>> -> memref<4096xi32, #tpu.memory_space<hbm>>
      %dma_wait3A_229 = arith.constant 0 : i32
      %dma_wait3A_230 = tpu.memref_slice %arg3[%dma_wait3A_229] : memref<262144xi32, #tpu.memory_space<hbm>> -> memref<4096xi32, #tpu.memory_space<hbm>>
      tpu.wait_dma2 semaphore(%arg14 : memref<!tpu.dma_semaphore, #tpu.memory_space<semaphore_mem>>) src(%dma_wait3A_230 : memref<4096xi32, #tpu.memory_space<hbm>>) dst(%arg8 : memref<4096xi32, #tpu.memory_space<vmem>>)
      %add3A_231 = arith.constant 1 : i32
      %add3A_232 = arith.addi %add3A_226, %add3A_231 : i32
      %lt3A_233 = arith.constant 64 : i32
      %lt3A_234 = arith.cmpi slt, %add3A_232, %lt3A_233 : i32
      %convert_element_type3A_235 = arith.extui %lt3A_234 : i1 to i32
      %cond3A_236 = arith.constant 0 : i32
      %cond3A_237 = arith.cmpi ne, %convert_element_type3A_235, %cond3A_236 : i32
      scf.if %cond3A_237 {
        %add3A_264 = arith.constant 1 : i32
        %add3A_265 = arith.addi %add3A_226, %add3A_264 : i32
        %mul3A_266 = arith.constant 4096 : i32
        %mul3A_267 = arith.muli %add3A_265, %mul3A_266 : i32
        %dma_start3A_268 = tpu.memref_slice %arg3[%mul3A_267] : memref<262144xi32, #tpu.memory_space<hbm>> -> memref<4096xi32, #tpu.memory_space<hbm>>
        %dma_start3A_269 = tpu.memref_slice %arg3[%mul3A_267] : memref<262144xi32, #tpu.memory_space<hbm>> -> memref<4096xi32, #tpu.memory_space<hbm>>
        tpu.enqueue_dma source(%dma_start3A_269 : memref<4096xi32, #tpu.memory_space<hbm>>) target(%arg7 : memref<4096xi32, #tpu.memory_space<vmem>>) target_semaphore(%arg13 : memref<!tpu.dma_semaphore, #tpu.memory_space<semaphore_mem>>)
      } else {
      }
      %gt3A_238 = arith.constant 0 : i32
      %gt3A_239 = arith.cmpi sgt, %scan3A_185, %gt3A_238 : i32
      %convert_element_type3A_240 = arith.extui %gt3A_239 : i1 to i32
      %cond3A_241 = arith.constant 0 : i32
      %cond3A_242 = arith.cmpi ne, %convert_element_type3A_240, %cond3A_241 : i32
      scf.if %cond3A_242 {
        %dma_wait3A_264 = arith.constant 0 : i32
        %dma_wait3A_265 = arith.constant 0 : i32
        %dma_wait3A_266 = tpu.memref_slice %arg4[%select_n3A_113, %select_n3A_129, %dma_wait3A_264, %dma_wait3A_265] : memref<8x16x512x512xf32, #tpu.memory_space<hbm>> -> memref<1x1x8x512xf32, #tpu.memory_space<hbm>>
        %dma_wait3A_267 = tpu.memref_squeeze %dma_wait3A_266 : memref<1x1x8x512xf32, #tpu.memory_space<hbm>> -> memref<8x512xf32, #tpu.memory_space<hbm>>
        %dma_wait3A_268 = arith.constant 0 : i32
        %dma_wait3A_269 = arith.constant 0 : i32
        %dma_wait3A_270 = tpu.memref_slice %arg4[%select_n3A_113, %select_n3A_129, %dma_wait3A_268, %dma_wait3A_269] : memref<8x16x512x512xf32, #tpu.memory_space<hbm>> -> memref<1x1x8x512xf32, #tpu.memory_space<hbm>>
        %dma_wait3A_271 = tpu.memref_squeeze %dma_wait3A_270 : memref<1x1x8x512xf32, #tpu.memory_space<hbm>> -> memref<8x512xf32, #tpu.memory_space<hbm>>
        tpu.wait_dma2 semaphore(%arg16 : memref<!tpu.dma_semaphore, #tpu.memory_space<semaphore_mem>>) src(%arg11 : memref<8x512xf32, #tpu.memory_space<vmem>>) dst(%dma_wait3A_271 : memref<8x512xf32, #tpu.memory_space<hbm>>)
        %add3A_272 = arith.constant 1 : i32
        %add3A_273 = arith.addi %select_n3A_129, %add3A_272 : i32
        %dma_wait3A_274 = arith.constant 0 : i32
        %dma_wait3A_275 = arith.constant 0 : i32
        %dma_wait3A_276 = tpu.memref_slice %arg4[%select_n3A_113, %add3A_273, %dma_wait3A_274, %dma_wait3A_275] : memref<8x16x512x512xf32, #tpu.memory_space<hbm>> -> memref<1x1x8x512xf32, #tpu.memory_space<hbm>>
        %dma_wait3A_277 = tpu.memref_squeeze %dma_wait3A_276 : memref<1x1x8x512xf32, #tpu.memory_space<hbm>> -> memref<8x512xf32, #tpu.memory_space<hbm>>
        %dma_wait3A_278 = arith.constant 0 : i32
        %dma_wait3A_279 = arith.constant 0 : i32
        %dma_wait3A_280 = tpu.memref_slice %arg4[%select_n3A_113, %add3A_273, %dma_wait3A_278, %dma_wait3A_279] : memref<8x16x512x512xf32, #tpu.memory_space<hbm>> -> memref<1x1x8x512xf32, #tpu.memory_space<hbm>>
        %dma_wait3A_281 = tpu.memref_squeeze %dma_wait3A_280 : memref<1x1x8x512xf32, #tpu.memory_space<hbm>> -> memref<8x512xf32, #tpu.memory_space<hbm>>
        tpu.wait_dma2 semaphore(%arg16 : memref<!tpu.dma_semaphore, #tpu.memory_space<semaphore_mem>>) src(%arg12 : memref<8x512xf32, #tpu.memory_space<vmem>>) dst(%dma_wait3A_281 : memref<8x512xf32, #tpu.memory_space<hbm>>)
      } else {
      }
      %parallel_loop3A_243 = arith.constant 0 : i32
      %parallel_loop3A_244 = arith.constant 256 : i32
      %parallel_loop3A_245 = arith.constant 1 : i32
      scf.for %parallel_loop3A_264 = %parallel_loop3A_243 to %parallel_loop3A_244 step %parallel_loop3A_245  : i32 {
        %parallel_loop3A_265 = arith.constant 32 : i32
        %parallel_loop3A_266 = arith.divsi %parallel_loop3A_264, %parallel_loop3A_265 : i32
        %parallel_loop3A_267 = arith.constant 0 : i32
        %parallel_loop3A_268 = arith.cmpi sgt, %parallel_loop3A_264, %parallel_loop3A_267 : i32
        %parallel_loop3A_269 = arith.extui %parallel_loop3A_268 : i1 to i32
        %parallel_loop3A_270 = arith.constant 0 : i32
        %parallel_loop3A_271 = arith.cmpi slt, %parallel_loop3A_264, %parallel_loop3A_270 : i32
        %parallel_loop3A_272 = arith.extui %parallel_loop3A_271 : i1 to i32
        %parallel_loop3A_273 = arith.subi %parallel_loop3A_269, %parallel_loop3A_272 : i32
        %parallel_loop3A_274 = arith.constant 0 : i32
        %parallel_loop3A_275 = arith.cmpi sgt, %parallel_loop3A_265, %parallel_loop3A_274 : i32
        %parallel_loop3A_276 = arith.extui %parallel_loop3A_275 : i1 to i32
        %parallel_loop3A_277 = arith.constant 0 : i32
        %parallel_loop3A_278 = arith.cmpi slt, %parallel_loop3A_265, %parallel_loop3A_277 : i32
        %parallel_loop3A_279 = arith.extui %parallel_loop3A_278 : i1 to i32
        %parallel_loop3A_280 = arith.subi %parallel_loop3A_276, %parallel_loop3A_279 : i32
        %parallel_loop3A_281 = arith.cmpi ne, %parallel_loop3A_273, %parallel_loop3A_280 : i32
        %parallel_loop3A_282 = arith.remsi %parallel_loop3A_264, %parallel_loop3A_265 : i32
        %parallel_loop3A_283 = arith.constant 0 : i32
        %parallel_loop3A_284 = arith.cmpi ne, %parallel_loop3A_282, %parallel_loop3A_283 : i32
        %parallel_loop3A_285 = arith.andi %parallel_loop3A_281, %parallel_loop3A_284 : i1
        %parallel_loop3A_286 = arith.constant 1 : i32
        %parallel_loop3A_287 = arith.subi %parallel_loop3A_266, %parallel_loop3A_286 : i32
        %parallel_loop3A_288 = arith.select %parallel_loop3A_285, %parallel_loop3A_287, %parallel_loop3A_266 : i32
        %parallel_loop3A_289 = arith.constant 32 : i32
        %parallel_loop3A_290 = arith.constant 0 : i32
        %parallel_loop3A_291 = arith.cmpi eq, %parallel_loop3A_289, %parallel_loop3A_290 : i32
        %parallel_loop3A_292 = arith.constant 1 : i32
        %parallel_loop3A_293 = arith.select %parallel_loop3A_291, %parallel_loop3A_292, %parallel_loop3A_289 : i32
        %parallel_loop3A_294 = arith.remsi %parallel_loop3A_264, %parallel_loop3A_293 : i32
        %parallel_loop3A_295 = arith.constant 0 : i32
        %parallel_loop3A_296 = arith.cmpi ne, %parallel_loop3A_294, %parallel_loop3A_295 : i32
        %parallel_loop3A_297 = arith.constant 0 : i32
        %parallel_loop3A_298 = arith.cmpi slt, %parallel_loop3A_294, %parallel_loop3A_297 : i32
        %parallel_loop3A_299 = arith.constant 0 : i32
        %parallel_loop3A_300 = arith.cmpi slt, %parallel_loop3A_293, %parallel_loop3A_299 : i32
        %parallel_loop3A_301 = arith.xori %parallel_loop3A_298, %parallel_loop3A_300 : i1
        %parallel_loop3A_302 = arith.andi %parallel_loop3A_301, %parallel_loop3A_296 : i1
        %parallel_loop3A_303 = arith.addi %parallel_loop3A_294, %parallel_loop3A_293 : i32
        %parallel_loop3A_304 = arith.select %parallel_loop3A_302, %parallel_loop3A_303, %parallel_loop3A_294 : i32
        %parallel_loop3A_305 = arith.constant 16 : i32
        %parallel_loop3A_306 = arith.muli %parallel_loop3A_304, %parallel_loop3A_305 : i32
        %parallel_loop3A_307 = arith.constant 16 : i32
        %parallel_loop3A_308 = arith.muli %parallel_loop3A_264, %parallel_loop3A_307 : i32
        %parallel_loop3A_309 = arith.index_cast %parallel_loop3A_308 : i32 to index
        %parallel_loop3A_310 = tpu.vector_load %arg8[%parallel_loop3A_309] {strides = array<i32>} : memref<4096xi32, #tpu.memory_space<vmem>>, vector<16xi32>,
        %parallel_loop3A_311 = tpu.vector_load_idx %arg5[%parallel_loop3A_310] : memref<50000xf32, #tpu.memory_space<vmem>>[vector<16xi32>], vector<16xf32>,
        %parallel_loop3A_312 = arith.index_cast %parallel_loop3A_288 : i32 to index
        %parallel_loop3A_313 = arith.index_cast %parallel_loop3A_306 : i32 to index
        %parallel_loop3A_314 = tpu.vector_load %arg11[%parallel_loop3A_312, %parallel_loop3A_313] {strides = array<i32>} : memref<8x512xf32, #tpu.memory_space<vmem>>, vector<16xf32>,
        tpu.vector_store %arg11[%parallel_loop3A_312, %parallel_loop3A_313], %parallel_loop3A_311 {strides = array<i32>} : memref<8x512xf32, #tpu.memory_space<vmem>>, vector<16xf32>,
        %parallel_loop3A_315 = tpu.vector_load_idx %arg6[%parallel_loop3A_310] : memref<50000xf32, #tpu.memory_space<vmem>>[vector<16xi32>], vector<16xf32>,
        %parallel_loop3A_316 = arith.index_cast %parallel_loop3A_288 : i32 to index
        %parallel_loop3A_317 = arith.index_cast %parallel_loop3A_306 : i32 to index
        %parallel_loop3A_318 = tpu.vector_load %arg12[%parallel_loop3A_316, %parallel_loop3A_317] {strides = array<i32>} : memref<8x512xf32, #tpu.memory_space<vmem>>, vector<16xf32>,
        tpu.vector_store %arg12[%parallel_loop3A_316, %parallel_loop3A_317], %parallel_loop3A_315 {strides = array<i32>} : memref<8x512xf32, #tpu.memory_space<vmem>>, vector<16xf32>,
      } {sc.loop_unroll_factor = 16 : i64, sc.parallel_access}
      %mul3A_246 = arith.constant 8 : i32
      %mul3A_247 = arith.muli %add3A_226, %mul3A_246 : i32
      %multiple_of3A_248 = tpu.assume_multiple %mul3A_247, 8 : i32
      %dma_start3A_249 = arith.constant 0 : i32
      %dma_start3A_250 = tpu.memref_slice %arg4[%select_n3A_113, %select_n3A_129, %multiple_of3A_248, %dma_start3A_249] : memref<8x16x512x512xf32, #tpu.memory_space<hbm>> -> memref<1x1x8x512xf32, #tpu.memory_space<hbm>>
      %dma_start3A_251 = tpu.memref_squeeze %dma_start3A_250 : memref<1x1x8x512xf32, #tpu.memory_space<hbm>> -> memref<8x512xf32, #tpu.memory_space<hbm>>
      %dma_start3A_252 = arith.constant 0 : i32
      %dma_start3A_253 = tpu.memref_slice %arg4[%select_n3A_113, %select_n3A_129, %multiple_of3A_248, %dma_start3A_252] : memref<8x16x512x512xf32, #tpu.memory_space<hbm>> -> memref<1x1x8x512xf32, #tpu.memory_space<hbm>>
      %dma_start3A_254 = tpu.memref_squeeze %dma_start3A_253 : memref<1x1x8x512xf32, #tpu.memory_space<hbm>> -> memref<8x512xf32, #tpu.memory_space<hbm>>
      tpu.enqueue_dma source(%arg11 : memref<8x512xf32, #tpu.memory_space<vmem>>) target(%dma_start3A_254 : memref<8x512xf32, #tpu.memory_space<hbm>>) target_semaphore(%arg16 : memref<!tpu.dma_semaphore, #tpu.memory_space<semaphore_mem>>)
      %add3A_255 = arith.constant 1 : i32
      %add3A_256 = arith.addi %select_n3A_129, %add3A_255 : i32
      %dma_start3A_257 = arith.constant 0 : i32
      %dma_start3A_258 = tpu.memref_slice %arg4[%select_n3A_113, %add3A_256, %multiple_of3A_248, %dma_start3A_257] : memref<8x16x512x512xf32, #tpu.memory_space<hbm>> -> memref<1x1x8x512xf32, #tpu.memory_space<hbm>>
      %dma_start3A_259 = tpu.memref_squeeze %dma_start3A_258 : memref<1x1x8x512xf32, #tpu.memory_space<hbm>> -> memref<8x512xf32, #tpu.memory_space<hbm>>
      %dma_start3A_260 = arith.constant 0 : i32
      %dma_start3A_261 = tpu.memref_slice %arg4[%select_n3A_113, %add3A_256, %multiple_of3A_248, %dma_start3A_260] : memref<8x16x512x512xf32, #tpu.memory_space<hbm>> -> memref<1x1x8x512xf32, #tpu.memory_space<hbm>>
      %dma_start3A_262 = tpu.memref_squeeze %dma_start3A_261 : memref<1x1x8x512xf32, #tpu.memory_space<hbm>> -> memref<8x512xf32, #tpu.memory_space<hbm>>
      tpu.enqueue_dma source(%arg12 : memref<8x512xf32, #tpu.memory_space<vmem>>) target(%dma_start3A_262 : memref<8x512xf32, #tpu.memory_space<hbm>>) target_semaphore(%arg16 : memref<!tpu.dma_semaphore, #tpu.memory_space<semaphore_mem>>)
      %scan3A_263 = arith.constant 0 : i32
      scf.yield %scan3A_263 : i32
    }
    %scan3A_148 = arith.constant 32 : i32
    %dma_wait3A_149 = arith.constant 0 : i32
    %dma_wait3A_150 = arith.constant 0 : i32
    %dma_wait3A_151 = tpu.memref_slice %arg4[%select_n3A_113, %select_n3A_129, %dma_wait3A_149, %dma_wait3A_150] : memref<8x16x512x512xf32, #tpu.memory_space<hbm>> -> memref<1x1x8x512xf32, #tpu.memory_space<hbm>>
    %dma_wait3A_152 = tpu.memref_squeeze %dma_wait3A_151 : memref<1x1x8x512xf32, #tpu.memory_space<hbm>> -> memref<8x512xf32, #tpu.memory_space<hbm>>
    %dma_wait3A_153 = arith.constant 0 : i32
    %dma_wait3A_154 = arith.constant 0 : i32
    %dma_wait3A_155 = tpu.memref_slice %arg4[%select_n3A_113, %select_n3A_129, %dma_wait3A_153, %dma_wait3A_154] : memref<8x16x512x512xf32, #tpu.memory_space<hbm>> -> memref<1x1x8x512xf32, #tpu.memory_space<hbm>>
    %dma_wait3A_156 = tpu.memref_squeeze %dma_wait3A_155 : memref<1x1x8x512xf32, #tpu.memory_space<hbm>> -> memref<8x512xf32, #tpu.memory_space<hbm>>
    tpu.wait_dma2 semaphore(%arg15 : memref<!tpu.dma_semaphore, #tpu.memory_space<semaphore_mem>>) src(%arg9 : memref<8x512xf32, #tpu.memory_space<vmem>>) dst(%dma_wait3A_156 : memref<8x512xf32, #tpu.memory_space<hbm>>)
    %add3A_157 = arith.constant 1 : i32
    %add3A_158 = arith.addi %select_n3A_129, %add3A_157 : i32
    %dma_wait3A_159 = arith.constant 0 : i32
    %dma_wait3A_160 = arith.constant 0 : i32
    %dma_wait3A_161 = tpu.memref_slice %arg4[%select_n3A_113, %add3A_158, %dma_wait3A_159, %dma_wait3A_160] : memref<8x16x512x512xf32, #tpu.memory_space<hbm>> -> memref<1x1x8x512xf32, #tpu.memory_space<hbm>>
    %dma_wait3A_162 = tpu.memref_squeeze %dma_wait3A_161 : memref<1x1x8x512xf32, #tpu.memory_space<hbm>> -> memref<8x512xf32, #tpu.memory_space<hbm>>
    %dma_wait3A_163 = arith.constant 0 : i32
    %dma_wait3A_164 = arith.constant 0 : i32
    %dma_wait3A_165 = tpu.memref_slice %arg4[%select_n3A_113, %add3A_158, %dma_wait3A_163, %dma_wait3A_164] : memref<8x16x512x512xf32, #tpu.memory_space<hbm>> -> memref<1x1x8x512xf32, #tpu.memory_space<hbm>>
    %dma_wait3A_166 = tpu.memref_squeeze %dma_wait3A_165 : memref<1x1x8x512xf32, #tpu.memory_space<hbm>> -> memref<8x512xf32, #tpu.memory_space<hbm>>
    tpu.wait_dma2 semaphore(%arg15 : memref<!tpu.dma_semaphore, #tpu.memory_space<semaphore_mem>>) src(%arg10 : memref<8x512xf32, #tpu.memory_space<vmem>>) dst(%dma_wait3A_166 : memref<8x512xf32, #tpu.memory_space<hbm>>)
    %dma_wait3A_167 = arith.constant 0 : i32
    %dma_wait3A_168 = arith.constant 0 : i32
    %dma_wait3A_169 = tpu.memref_slice %arg4[%select_n3A_113, %select_n3A_129, %dma_wait3A_167, %dma_wait3A_168] : memref<8x16x512x512xf32, #tpu.memory_space<hbm>> -> memref<1x1x8x512xf32, #tpu.memory_space<hbm>>
    %dma_wait3A_170 = tpu.memref_squeeze %dma_wait3A_169 : memref<1x1x8x512xf32, #tpu.memory_space<hbm>> -> memref<8x512xf32, #tpu.memory_space<hbm>>
    %dma_wait3A_171 = arith.constant 0 : i32
    %dma_wait3A_172 = arith.constant 0 : i32
    %dma_wait3A_173 = tpu.memref_slice %arg4[%select_n3A_113, %select_n3A_129, %dma_wait3A_171, %dma_wait3A_172] : memref<8x16x512x512xf32, #tpu.memory_space<hbm>> -> memref<1x1x8x512xf32, #tpu.memory_space<hbm>>
    %dma_wait3A_174 = tpu.memref_squeeze %dma_wait3A_173 : memref<1x1x8x512xf32, #tpu.memory_space<hbm>> -> memref<8x512xf32, #tpu.memory_space<hbm>>
    tpu.wait_dma2 semaphore(%arg16 : memref<!tpu.dma_semaphore, #tpu.memory_space<semaphore_mem>>) src(%arg11 : memref<8x512xf32, #tpu.memory_space<vmem>>) dst(%dma_wait3A_174 : memref<8x512xf32, #tpu.memory_space<hbm>>)
    %add3A_175 = arith.constant 1 : i32
    %add3A_176 = arith.addi %select_n3A_129, %add3A_175 : i32
    %dma_wait3A_177 = arith.constant 0 : i32
    %dma_wait3A_178 = arith.constant 0 : i32
    %dma_wait3A_179 = tpu.memref_slice %arg4[%select_n3A_113, %add3A_176, %dma_wait3A_177, %dma_wait3A_178] : memref<8x16x512x512xf32, #tpu.memory_space<hbm>> -> memref<1x1x8x512xf32, #tpu.memory_space<hbm>>
    %dma_wait3A_180 = tpu.memref_squeeze %dma_wait3A_179 : memref<1x1x8x512xf32, #tpu.memory_space<hbm>> -> memref<8x512xf32, #tpu.memory_space<hbm>>
    %dma_wait3A_181 = arith.constant 0 : i32
    %dma_wait3A_182 = arith.constant 0 : i32
    %dma_wait3A_183 = tpu.memref_slice %arg4[%select_n3A_113, %add3A_176, %dma_wait3A_181, %dma_wait3A_182] : memref<8x16x512x512xf32, #tpu.memory_space<hbm>> -> memref<1x1x8x512xf32, #tpu.memory_space<hbm>>
    %dma_wait3A_184 = tpu.memref_squeeze %dma_wait3A_183 : memref<1x1x8x512xf32, #tpu.memory_space<hbm>> -> memref<8x512xf32, #tpu.memory_space<hbm>>
    tpu.wait_dma2 semaphore(%arg16 : memref<!tpu.dma_semaphore, #tpu.memory_space<semaphore_mem>>) src(%arg12 : memref<8x512xf32, #tpu.memory_space<vmem>>) dst(%dma_wait3A_184 : memref<8x512xf32, #tpu.memory_space<hbm>>)
    return
  }
}

#map = affine_map<(d0, d1) -> (0, 0, 0)>
#map1 = affine_map<(d0, d1) -> (0)>
module attributes {stable_mosaic.version = 14 : i64} {
  func.func @_relay_body(%arg0: i32, %arg1: i32, %arg2: memref<8x16x50000xf32, #tpu.memory_space<hbm>>, %arg3: memref<8x16x80xf32, #tpu.memory_space<hbm>>, %arg4: memref<6400000xf32, #tpu.memory_space<hbm>>, %arg5: memref<8x3328xf32, #tpu.memory_space<vmem>>, %arg6: memref<!tpu.dma_semaphore, #tpu.memory_space<semaphore_mem>>) attributes {dimension_semantics = [#tpu.dimension_semantics<core_parallel>, #tpu.dimension_semantics<subcore_parallel>], iteration_bounds = array<i64: 2, 16>, scalar_prefetch = 0 : i64, scratch_operands = 2 : i64, tpu.core_type = #tpu.core_type<sc_vector_subcore>, window_params = [{transform_indices = #map}, {transform_indices = #map}, {transform_indices = #map1}]} {
    %mul3A = arith.constant 2 : i32
    %mul3A_0 = arith.muli %arg1, %mul3A : i32
    %add3A = arith.addi %mul3A_0, %arg0 : i32
    %scan3A = arith.constant 0 : i32
    %scan3A_1 = arith.constant 0 : i32
    %scan3A_2 = arith.constant 8 : i32
    %scan3A_3 = arith.addi %scan3A_1, %scan3A_2 : i32
    %scan3A_4 = arith.constant 1 : i32
    %scan3A_5 = scf.for %scan3A_9 = %scan3A_1 to %scan3A_3 step %scan3A_4 iter_args(%scan3A_10 = %scan3A) -> (i32)  : i32 {
      %mul3A_11 = arith.constant 32 : i32
      %mul3A_12 = arith.muli %scan3A_9, %mul3A_11 : i32
      %add3A_13 = arith.addi %add3A, %mul3A_12 : i32
      %lt3A_14 = arith.constant 240 : i32
      %lt3A_15 = arith.cmpi slt, %add3A_13, %lt3A_14 : i32
      %convert_element_type3A_16 = arith.extui %lt3A_15 : i1 to i32
      %cond3A_17 = arith.constant 0 : i32
      %cond3A_18 = arith.cmpi ne, %convert_element_type3A_16, %cond3A_17 : i32
      scf.if %cond3A_18 {
        %jit3A = arith.constant 30 : i32
        %div3A = arith.divsi %add3A_13, %jit3A : i32
        %sign3A = arith.constant 0 : i32
        %sign3A_20 = arith.cmpi sgt, %add3A_13, %sign3A : i32
        %sign3A_21 = arith.extui %sign3A_20 : i1 to i32
        %sign3A_22 = arith.constant 0 : i32
        %sign3A_23 = arith.cmpi slt, %add3A_13, %sign3A_22 : i32
        %sign3A_24 = arith.extui %sign3A_23 : i1 to i32
        %sign3A_25 = arith.subi %sign3A_21, %sign3A_24 : i32
        %sign3A_26 = arith.constant 0 : i32
        %sign3A_27 = arith.cmpi sgt, %jit3A, %sign3A_26 : i32
        %sign3A_28 = arith.extui %sign3A_27 : i1 to i32
        %sign3A_29 = arith.constant 0 : i32
        %sign3A_30 = arith.cmpi slt, %jit3A, %sign3A_29 : i32
        %sign3A_31 = arith.extui %sign3A_30 : i1 to i32
        %sign3A_32 = arith.subi %sign3A_28, %sign3A_31 : i32
        %ne3A = arith.cmpi ne, %sign3A_25, %sign3A_32 : i32
        %rem3A = arith.remsi %add3A_13, %jit3A : i32
        %ne3A_33 = arith.constant 0 : i32
        %ne3A_34 = arith.cmpi ne, %rem3A, %ne3A_33 : i32
        %and3A = arith.andi %ne3A, %ne3A_34 : i1
        %sub3A = arith.constant 1 : i32
        %sub3A_35 = arith.subi %div3A, %sub3A : i32
        %select_n3A = arith.select %and3A, %sub3A_35, %div3A : i32
        %jit3A_36 = arith.constant 30 : i32
        %eq3A = arith.constant 0 : i32
        %eq3A_37 = arith.cmpi eq, %jit3A_36, %eq3A : i32
        %jit3A_38 = arith.constant 1 : i32
        %select_n3A_39 = arith.select %eq3A_37, %jit3A_38, %jit3A_36 : i32
        %rem3A_40 = arith.remsi %add3A_13, %select_n3A_39 : i32
        %ne3A_41 = arith.constant 0 : i32
        %ne3A_42 = arith.cmpi ne, %rem3A_40, %ne3A_41 : i32
        %lt3A_43 = arith.constant 0 : i32
        %lt3A_44 = arith.cmpi slt, %rem3A_40, %lt3A_43 : i32
        %lt3A_45 = arith.constant 0 : i32
        %lt3A_46 = arith.cmpi slt, %select_n3A_39, %lt3A_45 : i32
        %ne3A_47 = arith.xori %lt3A_44, %lt3A_46 : i1
        %and3A_48 = arith.andi %ne3A_47, %ne3A_42 : i1
        %add3A_49 = arith.addi %rem3A_40, %select_n3A_39 : i32
        %select_n3A_50 = arith.select %and3A_48, %add3A_49, %rem3A_40 : i32
        %jit3A_51 = arith.constant 15 : i32
        %div3A_52 = arith.divsi %select_n3A_50, %jit3A_51 : i32
        %sign3A_53 = arith.constant 0 : i32
        %sign3A_54 = arith.cmpi sgt, %select_n3A_50, %sign3A_53 : i32
        %sign3A_55 = arith.extui %sign3A_54 : i1 to i32
        %sign3A_56 = arith.constant 0 : i32
        %sign3A_57 = arith.cmpi slt, %select_n3A_50, %sign3A_56 : i32
        %sign3A_58 = arith.extui %sign3A_57 : i1 to i32
        %sign3A_59 = arith.subi %sign3A_55, %sign3A_58 : i32
        %sign3A_60 = arith.constant 0 : i32
        %sign3A_61 = arith.cmpi sgt, %jit3A_51, %sign3A_60 : i32
        %sign3A_62 = arith.extui %sign3A_61 : i1 to i32
        %sign3A_63 = arith.constant 0 : i32
        %sign3A_64 = arith.cmpi slt, %jit3A_51, %sign3A_63 : i32
        %sign3A_65 = arith.extui %sign3A_64 : i1 to i32
        %sign3A_66 = arith.subi %sign3A_62, %sign3A_65 : i32
        %ne3A_67 = arith.cmpi ne, %sign3A_59, %sign3A_66 : i32
        %rem3A_68 = arith.remsi %select_n3A_50, %jit3A_51 : i32
        %ne3A_69 = arith.constant 0 : i32
        %ne3A_70 = arith.cmpi ne, %rem3A_68, %ne3A_69 : i32
        %and3A_71 = arith.andi %ne3A_67, %ne3A_70 : i1
        %sub3A_72 = arith.constant 1 : i32
        %sub3A_73 = arith.subi %div3A_52, %sub3A_72 : i32
        %select_n3A_74 = arith.select %and3A_71, %sub3A_73, %div3A_52 : i32
        %jit3A_75 = arith.constant 15 : i32
        %eq3A_76 = arith.constant 0 : i32
        %eq3A_77 = arith.cmpi eq, %jit3A_75, %eq3A_76 : i32
        %jit3A_78 = arith.constant 1 : i32
        %select_n3A_79 = arith.select %eq3A_77, %jit3A_78, %jit3A_75 : i32
        %rem3A_80 = arith.remsi %select_n3A_50, %select_n3A_79 : i32
        %ne3A_81 = arith.constant 0 : i32
        %ne3A_82 = arith.cmpi ne, %rem3A_80, %ne3A_81 : i32
        %lt3A_83 = arith.constant 0 : i32
        %lt3A_84 = arith.cmpi slt, %rem3A_80, %lt3A_83 : i32
        %lt3A_85 = arith.constant 0 : i32
        %lt3A_86 = arith.cmpi slt, %select_n3A_79, %lt3A_85 : i32
        %ne3A_87 = arith.xori %lt3A_84, %lt3A_86 : i1
        %and3A_88 = arith.andi %ne3A_87, %ne3A_82 : i1
        %add3A_89 = arith.addi %rem3A_80, %select_n3A_79 : i32
        %select_n3A_90 = arith.select %and3A_88, %add3A_89, %rem3A_80 : i32
        %mul3A_91 = arith.constant 3328 : i32
        %mul3A_92 = arith.muli %select_n3A_90, %mul3A_91 : i32
        %multiple_of3A = tpu.assume_multiple %mul3A_92, 128 : i32
        %mul3A_93 = arith.constant 8 : i32
        %mul3A_94 = arith.muli %select_n3A_74, %mul3A_93 : i32
        %multiple_of3A_95 = tpu.assume_multiple %mul3A_94, 8 : i32
        "tpu.region"() ({
          %run_scoped3A = tpu.sem_alloc : memref<!tpu.dma_semaphore, #tpu.memory_space<semaphore_mem>>
          %dma_start3A_342 = arith.constant 0 : i32
          %dma_start3A_343 = arith.constant 0 : i32
          %dma_start3A_344 = tpu.memref_slice %arg5[%dma_start3A_342, %dma_start3A_343] : memref<8x3328xf32, #tpu.memory_space<vmem>> -> memref<8x3328xf32, #tpu.memory_space<vmem>>
          %dma_start3A_345 = tpu.memref_slice %arg2[%select_n3A, %multiple_of3A_95, %multiple_of3A] : memref<8x16x50000xf32, #tpu.memory_space<hbm>> -> memref<1x8x3328xf32, #tpu.memory_space<hbm>>
          %dma_start3A_346 = tpu.memref_squeeze %dma_start3A_345 : memref<1x8x3328xf32, #tpu.memory_space<hbm>> -> memref<8x3328xf32, #tpu.memory_space<hbm>>
          %dma_start3A_347 = arith.constant 0 : i32
          %dma_start3A_348 = arith.constant 0 : i32
          %dma_start3A_349 = tpu.memref_slice %arg5[%dma_start3A_347, %dma_start3A_348] : memref<8x3328xf32, #tpu.memory_space<vmem>> -> memref<8x3328xf32, #tpu.memory_space<vmem>>
          %dma_start3A_350 = tpu.memref_slice %arg2[%select_n3A, %multiple_of3A_95, %multiple_of3A] : memref<8x16x50000xf32, #tpu.memory_space<hbm>> -> memref<1x8x3328xf32, #tpu.memory_space<hbm>>
          %dma_start3A_351 = tpu.memref_squeeze %dma_start3A_350 : memref<1x8x3328xf32, #tpu.memory_space<hbm>> -> memref<8x3328xf32, #tpu.memory_space<hbm>>
          tpu.enqueue_dma source(%dma_start3A_351 : memref<8x3328xf32, #tpu.memory_space<hbm>>) target(%dma_start3A_349 : memref<8x3328xf32, #tpu.memory_space<vmem>>) target_semaphore(%run_scoped3A : memref<!tpu.dma_semaphore, #tpu.memory_space<semaphore_mem>>)
          %dma_wait3A_352 = arith.constant 0 : i32
          %dma_wait3A_353 = arith.constant 0 : i32
          %dma_wait3A_354 = tpu.memref_slice %arg5[%dma_wait3A_352, %dma_wait3A_353] : memref<8x3328xf32, #tpu.memory_space<vmem>> -> memref<8x3328xf32, #tpu.memory_space<vmem>>
          %dma_wait3A_355 = tpu.memref_slice %arg2[%select_n3A, %multiple_of3A_95, %multiple_of3A] : memref<8x16x50000xf32, #tpu.memory_space<hbm>> -> memref<1x8x3328xf32, #tpu.memory_space<hbm>>
          %dma_wait3A_356 = tpu.memref_squeeze %dma_wait3A_355 : memref<1x8x3328xf32, #tpu.memory_space<hbm>> -> memref<8x3328xf32, #tpu.memory_space<hbm>>
          %dma_wait3A_357 = arith.constant 0 : i32
          %dma_wait3A_358 = arith.constant 0 : i32
          %dma_wait3A_359 = tpu.memref_slice %arg5[%dma_wait3A_357, %dma_wait3A_358] : memref<8x3328xf32, #tpu.memory_space<vmem>> -> memref<8x3328xf32, #tpu.memory_space<vmem>>
          %dma_wait3A_360 = tpu.memref_slice %arg2[%select_n3A, %multiple_of3A_95, %multiple_of3A] : memref<8x16x50000xf32, #tpu.memory_space<hbm>> -> memref<1x8x3328xf32, #tpu.memory_space<hbm>>
          %dma_wait3A_361 = tpu.memref_squeeze %dma_wait3A_360 : memref<1x8x3328xf32, #tpu.memory_space<hbm>> -> memref<8x3328xf32, #tpu.memory_space<hbm>>
          tpu.wait_dma2 semaphore(%run_scoped3A : memref<!tpu.dma_semaphore, #tpu.memory_space<semaphore_mem>>) src(%dma_wait3A_361 : memref<8x3328xf32, #tpu.memory_space<hbm>>) dst(%dma_wait3A_359 : memref<8x3328xf32, #tpu.memory_space<vmem>>)
          tpu.yield
        }) : () -> ()
        %mul3A_96 = arith.constant 16 : i32
        %mul3A_97 = arith.muli %select_n3A, %mul3A_96 : i32
        %mul3A_98 = arith.constant 8 : i32
        %mul3A_99 = arith.muli %select_n3A_74, %mul3A_98 : i32
        %add3A_100 = arith.addi %mul3A_97, %mul3A_99 : i32
        %add3A_101 = arith.constant 0 : i32
        %add3A_102 = arith.addi %add3A_100, %add3A_101 : i32
        %mul3A_103 = arith.constant 50000 : i32
        %mul3A_104 = arith.muli %add3A_102, %mul3A_103 : i32
        %add3A_105 = arith.addi %mul3A_104, %multiple_of3A : i32
        %multiple_of3A_106 = tpu.assume_multiple %add3A_105, 8 : i32
        %dma_start3A = arith.constant 0 : i32
        %dma_start3A_107 = arith.constant 0 : i32
        %dma_start3A_108 = tpu.memref_slice %arg5[%dma_start3A, %dma_start3A_107] : memref<8x3328xf32, #tpu.memory_space<vmem>> -> memref<1x3328xf32, #tpu.memory_space<vmem>>
        %dma_start3A_109 = tpu.memref_squeeze %dma_start3A_108 : memref<1x3328xf32, #tpu.memory_space<vmem>> -> memref<3328xf32, #tpu.memory_space<vmem>>
        %dma_start3A_110 = tpu.memref_slice %arg4[%multiple_of3A_106] : memref<6400000xf32, #tpu.memory_space<hbm>> -> memref<3328xf32, #tpu.memory_space<hbm>>
        %dma_start3A_111 = tpu.memref_slice %arg4[%multiple_of3A_106] : memref<6400000xf32, #tpu.memory_space<hbm>> -> memref<3328xf32, #tpu.memory_space<hbm>>
        %dma_start3A_112 = arith.constant 0 : i32
        %dma_start3A_113 = tpu.memref_slice %arg5[%dma_start3A, %dma_start3A_112] : memref<8x3328xf32, #tpu.memory_space<vmem>> -> memref<1x3328xf32, #tpu.memory_space<vmem>>
        %dma_start3A_114 = tpu.memref_squeeze %dma_start3A_113 : memref<1x3328xf32, #tpu.memory_space<vmem>> -> memref<3328xf32, #tpu.memory_space<vmem>>
        tpu.enqueue_dma source(%dma_start3A_114 : memref<3328xf32, #tpu.memory_space<vmem>>) target(%dma_start3A_111 : memref<3328xf32, #tpu.memory_space<hbm>>) target_semaphore(%arg6 : memref<!tpu.dma_semaphore, #tpu.memory_space<semaphore_mem>>)
        %mul3A_115 = arith.constant 16 : i32
        %mul3A_116 = arith.muli %select_n3A, %mul3A_115 : i32
        %mul3A_117 = arith.constant 8 : i32
        %mul3A_118 = arith.muli %select_n3A_74, %mul3A_117 : i32
        %add3A_119 = arith.addi %mul3A_116, %mul3A_118 : i32
        %add3A_120 = arith.constant 1 : i32
        %add3A_121 = arith.addi %add3A_119, %add3A_120 : i32
        %mul3A_122 = arith.constant 50000 : i32
        %mul3A_123 = arith.muli %add3A_121, %mul3A_122 : i32
        %add3A_124 = arith.addi %mul3A_123, %multiple_of3A : i32
        %multiple_of3A_125 = tpu.assume_multiple %add3A_124, 8 : i32
        %dma_start3A_126 = arith.constant 1 : i32
        %dma_start3A_127 = arith.constant 0 : i32
        %dma_start3A_128 = tpu.memref_slice %arg5[%dma_start3A_126, %dma_start3A_127] : memref<8x3328xf32, #tpu.memory_space<vmem>> -> memref<1x3328xf32, #tpu.memory_space<vmem>>
        %dma_start3A_129 = tpu.memref_squeeze %dma_start3A_128 : memref<1x3328xf32, #tpu.memory_space<vmem>> -> memref<3328xf32, #tpu.memory_space<vmem>>
        %dma_start3A_130 = tpu.memref_slice %arg4[%multiple_of3A_125] : memref<6400000xf32, #tpu.memory_space<hbm>> -> memref<3328xf32, #tpu.memory_space<hbm>>
        %dma_start3A_131 = tpu.memref_slice %arg4[%multiple_of3A_125] : memref<6400000xf32, #tpu.memory_space<hbm>> -> memref<3328xf32, #tpu.memory_space<hbm>>
        %dma_start3A_132 = arith.constant 0 : i32
        %dma_start3A_133 = tpu.memref_slice %arg5[%dma_start3A_126, %dma_start3A_132] : memref<8x3328xf32, #tpu.memory_space<vmem>> -> memref<1x3328xf32, #tpu.memory_space<vmem>>
        %dma_start3A_134 = tpu.memref_squeeze %dma_start3A_133 : memref<1x3328xf32, #tpu.memory_space<vmem>> -> memref<3328xf32, #tpu.memory_space<vmem>>
        tpu.enqueue_dma source(%dma_start3A_134 : memref<3328xf32, #tpu.memory_space<vmem>>) target(%dma_start3A_131 : memref<3328xf32, #tpu.memory_space<hbm>>) target_semaphore(%arg6 : memref<!tpu.dma_semaphore, #tpu.memory_space<semaphore_mem>>)
        %mul3A_135 = arith.constant 16 : i32
        %mul3A_136 = arith.muli %select_n3A, %mul3A_135 : i32
        %mul3A_137 = arith.constant 8 : i32
        %mul3A_138 = arith.muli %select_n3A_74, %mul3A_137 : i32
        %add3A_139 = arith.addi %mul3A_136, %mul3A_138 : i32
        %add3A_140 = arith.constant 2 : i32
        %add3A_141 = arith.addi %add3A_139, %add3A_140 : i32
        %mul3A_142 = arith.constant 50000 : i32
        %mul3A_143 = arith.muli %add3A_141, %mul3A_142 : i32
        %add3A_144 = arith.addi %mul3A_143, %multiple_of3A : i32
        %multiple_of3A_145 = tpu.assume_multiple %add3A_144, 8 : i32
        %dma_start3A_146 = arith.constant 2 : i32
        %dma_start3A_147 = arith.constant 0 : i32
        %dma_start3A_148 = tpu.memref_slice %arg5[%dma_start3A_146, %dma_start3A_147] : memref<8x3328xf32, #tpu.memory_space<vmem>> -> memref<1x3328xf32, #tpu.memory_space<vmem>>
        %dma_start3A_149 = tpu.memref_squeeze %dma_start3A_148 : memref<1x3328xf32, #tpu.memory_space<vmem>> -> memref<3328xf32, #tpu.memory_space<vmem>>
        %dma_start3A_150 = tpu.memref_slice %arg4[%multiple_of3A_145] : memref<6400000xf32, #tpu.memory_space<hbm>> -> memref<3328xf32, #tpu.memory_space<hbm>>
        %dma_start3A_151 = tpu.memref_slice %arg4[%multiple_of3A_145] : memref<6400000xf32, #tpu.memory_space<hbm>> -> memref<3328xf32, #tpu.memory_space<hbm>>
        %dma_start3A_152 = arith.constant 0 : i32
        %dma_start3A_153 = tpu.memref_slice %arg5[%dma_start3A_146, %dma_start3A_152] : memref<8x3328xf32, #tpu.memory_space<vmem>> -> memref<1x3328xf32, #tpu.memory_space<vmem>>
        %dma_start3A_154 = tpu.memref_squeeze %dma_start3A_153 : memref<1x3328xf32, #tpu.memory_space<vmem>> -> memref<3328xf32, #tpu.memory_space<vmem>>
        tpu.enqueue_dma source(%dma_start3A_154 : memref<3328xf32, #tpu.memory_space<vmem>>) target(%dma_start3A_151 : memref<3328xf32, #tpu.memory_space<hbm>>) target_semaphore(%arg6 : memref<!tpu.dma_semaphore, #tpu.memory_space<semaphore_mem>>)
        %mul3A_155 = arith.constant 16 : i32
        %mul3A_156 = arith.muli %select_n3A, %mul3A_155 : i32
        %mul3A_157 = arith.constant 8 : i32
        %mul3A_158 = arith.muli %select_n3A_74, %mul3A_157 : i32
        %add3A_159 = arith.addi %mul3A_156, %mul3A_158 : i32
        %add3A_160 = arith.constant 3 : i32
        %add3A_161 = arith.addi %add3A_159, %add3A_160 : i32
        %mul3A_162 = arith.constant 50000 : i32
        %mul3A_163 = arith.muli %add3A_161, %mul3A_162 : i32
        %add3A_164 = arith.addi %mul3A_163, %multiple_of3A : i32
        %multiple_of3A_165 = tpu.assume_multiple %add3A_164, 8 : i32
        %dma_start3A_166 = arith.constant 3 : i32
        %dma_start3A_167 = arith.constant 0 : i32
        %dma_start3A_168 = tpu.memref_slice %arg5[%dma_start3A_166, %dma_start3A_167] : memref<8x3328xf32, #tpu.memory_space<vmem>> -> memref<1x3328xf32, #tpu.memory_space<vmem>>
        %dma_start3A_169 = tpu.memref_squeeze %dma_start3A_168 : memref<1x3328xf32, #tpu.memory_space<vmem>> -> memref<3328xf32, #tpu.memory_space<vmem>>
        %dma_start3A_170 = tpu.memref_slice %arg4[%multiple_of3A_165] : memref<6400000xf32, #tpu.memory_space<hbm>> -> memref<3328xf32, #tpu.memory_space<hbm>>
        %dma_start3A_171 = tpu.memref_slice %arg4[%multiple_of3A_165] : memref<6400000xf32, #tpu.memory_space<hbm>> -> memref<3328xf32, #tpu.memory_space<hbm>>
        %dma_start3A_172 = arith.constant 0 : i32
        %dma_start3A_173 = tpu.memref_slice %arg5[%dma_start3A_166, %dma_start3A_172] : memref<8x3328xf32, #tpu.memory_space<vmem>> -> memref<1x3328xf32, #tpu.memory_space<vmem>>
        %dma_start3A_174 = tpu.memref_squeeze %dma_start3A_173 : memref<1x3328xf32, #tpu.memory_space<vmem>> -> memref<3328xf32, #tpu.memory_space<vmem>>
        tpu.enqueue_dma source(%dma_start3A_174 : memref<3328xf32, #tpu.memory_space<vmem>>) target(%dma_start3A_171 : memref<3328xf32, #tpu.memory_space<hbm>>) target_semaphore(%arg6 : memref<!tpu.dma_semaphore, #tpu.memory_space<semaphore_mem>>)
        %mul3A_175 = arith.constant 16 : i32
        %mul3A_176 = arith.muli %select_n3A, %mul3A_175 : i32
        %mul3A_177 = arith.constant 8 : i32
        %mul3A_178 = arith.muli %select_n3A_74, %mul3A_177 : i32
        %add3A_179 = arith.addi %mul3A_176, %mul3A_178 : i32
        %add3A_180 = arith.constant 4 : i32
        %add3A_181 = arith.addi %add3A_179, %add3A_180 : i32
        %mul3A_182 = arith.constant 50000 : i32
        %mul3A_183 = arith.muli %add3A_181, %mul3A_182 : i32
        %add3A_184 = arith.addi %mul3A_183, %multiple_of3A : i32
        %multiple_of3A_185 = tpu.assume_multiple %add3A_184, 8 : i32
        %dma_start3A_186 = arith.constant 4 : i32
        %dma_start3A_187 = arith.constant 0 : i32
        %dma_start3A_188 = tpu.memref_slice %arg5[%dma_start3A_186, %dma_start3A_187] : memref<8x3328xf32, #tpu.memory_space<vmem>> -> memref<1x3328xf32, #tpu.memory_space<vmem>>
        %dma_start3A_189 = tpu.memref_squeeze %dma_start3A_188 : memref<1x3328xf32, #tpu.memory_space<vmem>> -> memref<3328xf32, #tpu.memory_space<vmem>>
        %dma_start3A_190 = tpu.memref_slice %arg4[%multiple_of3A_185] : memref<6400000xf32, #tpu.memory_space<hbm>> -> memref<3328xf32, #tpu.memory_space<hbm>>
        %dma_start3A_191 = tpu.memref_slice %arg4[%multiple_of3A_185] : memref<6400000xf32, #tpu.memory_space<hbm>> -> memref<3328xf32, #tpu.memory_space<hbm>>
        %dma_start3A_192 = arith.constant 0 : i32
        %dma_start3A_193 = tpu.memref_slice %arg5[%dma_start3A_186, %dma_start3A_192] : memref<8x3328xf32, #tpu.memory_space<vmem>> -> memref<1x3328xf32, #tpu.memory_space<vmem>>
        %dma_start3A_194 = tpu.memref_squeeze %dma_start3A_193 : memref<1x3328xf32, #tpu.memory_space<vmem>> -> memref<3328xf32, #tpu.memory_space<vmem>>
        tpu.enqueue_dma source(%dma_start3A_194 : memref<3328xf32, #tpu.memory_space<vmem>>) target(%dma_start3A_191 : memref<3328xf32, #tpu.memory_space<hbm>>) target_semaphore(%arg6 : memref<!tpu.dma_semaphore, #tpu.memory_space<semaphore_mem>>)
        %mul3A_195 = arith.constant 16 : i32
        %mul3A_196 = arith.muli %select_n3A, %mul3A_195 : i32
        %mul3A_197 = arith.constant 8 : i32
        %mul3A_198 = arith.muli %select_n3A_74, %mul3A_197 : i32
        %add3A_199 = arith.addi %mul3A_196, %mul3A_198 : i32
        %add3A_200 = arith.constant 5 : i32
        %add3A_201 = arith.addi %add3A_199, %add3A_200 : i32
        %mul3A_202 = arith.constant 50000 : i32
        %mul3A_203 = arith.muli %add3A_201, %mul3A_202 : i32
        %add3A_204 = arith.addi %mul3A_203, %multiple_of3A : i32
        %multiple_of3A_205 = tpu.assume_multiple %add3A_204, 8 : i32
        %dma_start3A_206 = arith.constant 5 : i32
        %dma_start3A_207 = arith.constant 0 : i32
        %dma_start3A_208 = tpu.memref_slice %arg5[%dma_start3A_206, %dma_start3A_207] : memref<8x3328xf32, #tpu.memory_space<vmem>> -> memref<1x3328xf32, #tpu.memory_space<vmem>>
        %dma_start3A_209 = tpu.memref_squeeze %dma_start3A_208 : memref<1x3328xf32, #tpu.memory_space<vmem>> -> memref<3328xf32, #tpu.memory_space<vmem>>
        %dma_start3A_210 = tpu.memref_slice %arg4[%multiple_of3A_205] : memref<6400000xf32, #tpu.memory_space<hbm>> -> memref<3328xf32, #tpu.memory_space<hbm>>
        %dma_start3A_211 = tpu.memref_slice %arg4[%multiple_of3A_205] : memref<6400000xf32, #tpu.memory_space<hbm>> -> memref<3328xf32, #tpu.memory_space<hbm>>
        %dma_start3A_212 = arith.constant 0 : i32
        %dma_start3A_213 = tpu.memref_slice %arg5[%dma_start3A_206, %dma_start3A_212] : memref<8x3328xf32, #tpu.memory_space<vmem>> -> memref<1x3328xf32, #tpu.memory_space<vmem>>
        %dma_start3A_214 = tpu.memref_squeeze %dma_start3A_213 : memref<1x3328xf32, #tpu.memory_space<vmem>> -> memref<3328xf32, #tpu.memory_space<vmem>>
        tpu.enqueue_dma source(%dma_start3A_214 : memref<3328xf32, #tpu.memory_space<vmem>>) target(%dma_start3A_211 : memref<3328xf32, #tpu.memory_space<hbm>>) target_semaphore(%arg6 : memref<!tpu.dma_semaphore, #tpu.memory_space<semaphore_mem>>)
        %mul3A_215 = arith.constant 16 : i32
        %mul3A_216 = arith.muli %select_n3A, %mul3A_215 : i32
        %mul3A_217 = arith.constant 8 : i32
        %mul3A_218 = arith.muli %select_n3A_74, %mul3A_217 : i32
        %add3A_219 = arith.addi %mul3A_216, %mul3A_218 : i32
        %add3A_220 = arith.constant 6 : i32
        %add3A_221 = arith.addi %add3A_219, %add3A_220 : i32
        %mul3A_222 = arith.constant 50000 : i32
        %mul3A_223 = arith.muli %add3A_221, %mul3A_222 : i32
        %add3A_224 = arith.addi %mul3A_223, %multiple_of3A : i32
        %multiple_of3A_225 = tpu.assume_multiple %add3A_224, 8 : i32
        %dma_start3A_226 = arith.constant 6 : i32
        %dma_start3A_227 = arith.constant 0 : i32
        %dma_start3A_228 = tpu.memref_slice %arg5[%dma_start3A_226, %dma_start3A_227] : memref<8x3328xf32, #tpu.memory_space<vmem>> -> memref<1x3328xf32, #tpu.memory_space<vmem>>
        %dma_start3A_229 = tpu.memref_squeeze %dma_start3A_228 : memref<1x3328xf32, #tpu.memory_space<vmem>> -> memref<3328xf32, #tpu.memory_space<vmem>>
        %dma_start3A_230 = tpu.memref_slice %arg4[%multiple_of3A_225] : memref<6400000xf32, #tpu.memory_space<hbm>> -> memref<3328xf32, #tpu.memory_space<hbm>>
        %dma_start3A_231 = tpu.memref_slice %arg4[%multiple_of3A_225] : memref<6400000xf32, #tpu.memory_space<hbm>> -> memref<3328xf32, #tpu.memory_space<hbm>>
        %dma_start3A_232 = arith.constant 0 : i32
        %dma_start3A_233 = tpu.memref_slice %arg5[%dma_start3A_226, %dma_start3A_232] : memref<8x3328xf32, #tpu.memory_space<vmem>> -> memref<1x3328xf32, #tpu.memory_space<vmem>>
        %dma_start3A_234 = tpu.memref_squeeze %dma_start3A_233 : memref<1x3328xf32, #tpu.memory_space<vmem>> -> memref<3328xf32, #tpu.memory_space<vmem>>
        tpu.enqueue_dma source(%dma_start3A_234 : memref<3328xf32, #tpu.memory_space<vmem>>) target(%dma_start3A_231 : memref<3328xf32, #tpu.memory_space<hbm>>) target_semaphore(%arg6 : memref<!tpu.dma_semaphore, #tpu.memory_space<semaphore_mem>>)
        %mul3A_235 = arith.constant 16 : i32
        %mul3A_236 = arith.muli %select_n3A, %mul3A_235 : i32
        %mul3A_237 = arith.constant 8 : i32
        %mul3A_238 = arith.muli %select_n3A_74, %mul3A_237 : i32
        %add3A_239 = arith.addi %mul3A_236, %mul3A_238 : i32
        %add3A_240 = arith.constant 7 : i32
        %add3A_241 = arith.addi %add3A_239, %add3A_240 : i32
        %mul3A_242 = arith.constant 50000 : i32
        %mul3A_243 = arith.muli %add3A_241, %mul3A_242 : i32
        %add3A_244 = arith.addi %mul3A_243, %multiple_of3A : i32
        %multiple_of3A_245 = tpu.assume_multiple %add3A_244, 8 : i32
        %dma_start3A_246 = arith.constant 7 : i32
        %dma_start3A_247 = arith.constant 0 : i32
        %dma_start3A_248 = tpu.memref_slice %arg5[%dma_start3A_246, %dma_start3A_247] : memref<8x3328xf32, #tpu.memory_space<vmem>> -> memref<1x3328xf32, #tpu.memory_space<vmem>>
        %dma_start3A_249 = tpu.memref_squeeze %dma_start3A_248 : memref<1x3328xf32, #tpu.memory_space<vmem>> -> memref<3328xf32, #tpu.memory_space<vmem>>
        %dma_start3A_250 = tpu.memref_slice %arg4[%multiple_of3A_245] : memref<6400000xf32, #tpu.memory_space<hbm>> -> memref<3328xf32, #tpu.memory_space<hbm>>
        %dma_start3A_251 = tpu.memref_slice %arg4[%multiple_of3A_245] : memref<6400000xf32, #tpu.memory_space<hbm>> -> memref<3328xf32, #tpu.memory_space<hbm>>
        %dma_start3A_252 = arith.constant 0 : i32
        %dma_start3A_253 = tpu.memref_slice %arg5[%dma_start3A_246, %dma_start3A_252] : memref<8x3328xf32, #tpu.memory_space<vmem>> -> memref<1x3328xf32, #tpu.memory_space<vmem>>
        %dma_start3A_254 = tpu.memref_squeeze %dma_start3A_253 : memref<1x3328xf32, #tpu.memory_space<vmem>> -> memref<3328xf32, #tpu.memory_space<vmem>>
        tpu.enqueue_dma source(%dma_start3A_254 : memref<3328xf32, #tpu.memory_space<vmem>>) target(%dma_start3A_251 : memref<3328xf32, #tpu.memory_space<hbm>>) target_semaphore(%arg6 : memref<!tpu.dma_semaphore, #tpu.memory_space<semaphore_mem>>)
        %dma_wait3A = arith.constant 0 : i32
        %dma_wait3A_255 = arith.constant 0 : i32
        %dma_wait3A_256 = tpu.memref_slice %arg5[%dma_wait3A, %dma_wait3A_255] : memref<8x3328xf32, #tpu.memory_space<vmem>> -> memref<1x3328xf32, #tpu.memory_space<vmem>>
        %dma_wait3A_257 = tpu.memref_squeeze %dma_wait3A_256 : memref<1x3328xf32, #tpu.memory_space<vmem>> -> memref<3328xf32, #tpu.memory_space<vmem>>
        %dma_wait3A_258 = arith.constant 0 : i32
        %dma_wait3A_259 = tpu.memref_slice %arg4[%dma_wait3A_258] : memref<6400000xf32, #tpu.memory_space<hbm>> -> memref<3328xf32, #tpu.memory_space<hbm>>
        %dma_wait3A_260 = arith.constant 0 : i32
        %dma_wait3A_261 = tpu.memref_slice %arg4[%dma_wait3A_260] : memref<6400000xf32, #tpu.memory_space<hbm>> -> memref<3328xf32, #tpu.memory_space<hbm>>
        %dma_wait3A_262 = arith.constant 0 : i32
        %dma_wait3A_263 = tpu.memref_slice %arg5[%dma_wait3A, %dma_wait3A_262] : memref<8x3328xf32, #tpu.memory_space<vmem>> -> memref<1x3328xf32, #tpu.memory_space<vmem>>
        %dma_wait3A_264 = tpu.memref_squeeze %dma_wait3A_263 : memref<1x3328xf32, #tpu.memory_space<vmem>> -> memref<3328xf32, #tpu.memory_space<vmem>>
        tpu.wait_dma2 semaphore(%arg6 : memref<!tpu.dma_semaphore, #tpu.memory_space<semaphore_mem>>) src(%dma_wait3A_264 : memref<3328xf32, #tpu.memory_space<vmem>>) dst(%dma_wait3A_261 : memref<3328xf32, #tpu.memory_space<hbm>>)
        %dma_wait3A_265 = arith.constant 0 : i32
        %dma_wait3A_266 = arith.constant 0 : i32
        %dma_wait3A_267 = tpu.memref_slice %arg5[%dma_wait3A_265, %dma_wait3A_266] : memref<8x3328xf32, #tpu.memory_space<vmem>> -> memref<1x3328xf32, #tpu.memory_space<vmem>>
        %dma_wait3A_268 = tpu.memref_squeeze %dma_wait3A_267 : memref<1x3328xf32, #tpu.memory_space<vmem>> -> memref<3328xf32, #tpu.memory_space<vmem>>
        %dma_wait3A_269 = arith.constant 0 : i32
        %dma_wait3A_270 = tpu.memref_slice %arg4[%dma_wait3A_269] : memref<6400000xf32, #tpu.memory_space<hbm>> -> memref<3328xf32, #tpu.memory_space<hbm>>
        %dma_wait3A_271 = arith.constant 0 : i32
        %dma_wait3A_272 = tpu.memref_slice %arg4[%dma_wait3A_271] : memref<6400000xf32, #tpu.memory_space<hbm>> -> memref<3328xf32, #tpu.memory_space<hbm>>
        %dma_wait3A_273 = arith.constant 0 : i32
        %dma_wait3A_274 = tpu.memref_slice %arg5[%dma_wait3A_265, %dma_wait3A_273] : memref<8x3328xf32, #tpu.memory_space<vmem>> -> memref<1x3328xf32, #tpu.memory_space<vmem>>
        %dma_wait3A_275 = tpu.memref_squeeze %dma_wait3A_274 : memref<1x3328xf32, #tpu.memory_space<vmem>> -> memref<3328xf32, #tpu.memory_space<vmem>>
        tpu.wait_dma2 semaphore(%arg6 : memref<!tpu.dma_semaphore, #tpu.memory_space<semaphore_mem>>) src(%dma_wait3A_275 : memref<3328xf32, #tpu.memory_space<vmem>>) dst(%dma_wait3A_272 : memref<3328xf32, #tpu.memory_space<hbm>>)
        %dma_wait3A_276 = arith.constant 0 : i32
        %dma_wait3A_277 = arith.constant 0 : i32
        %dma_wait3A_278 = tpu.memref_slice %arg5[%dma_wait3A_276, %dma_wait3A_277] : memref<8x3328xf32, #tpu.memory_space<vmem>> -> memref<1x3328xf32, #tpu.memory_space<vmem>>
        %dma_wait3A_279 = tpu.memref_squeeze %dma_wait3A_278 : memref<1x3328xf32, #tpu.memory_space<vmem>> -> memref<3328xf32, #tpu.memory_space<vmem>>
        %dma_wait3A_280 = arith.constant 0 : i32
        %dma_wait3A_281 = tpu.memref_slice %arg4[%dma_wait3A_280] : memref<6400000xf32, #tpu.memory_space<hbm>> -> memref<3328xf32, #tpu.memory_space<hbm>>
        %dma_wait3A_282 = arith.constant 0 : i32
        %dma_wait3A_283 = tpu.memref_slice %arg4[%dma_wait3A_282] : memref<6400000xf32, #tpu.memory_space<hbm>> -> memref<3328xf32, #tpu.memory_space<hbm>>
        %dma_wait3A_284 = arith.constant 0 : i32
        %dma_wait3A_285 = tpu.memref_slice %arg5[%dma_wait3A_276, %dma_wait3A_284] : memref<8x3328xf32, #tpu.memory_space<vmem>> -> memref<1x3328xf32, #tpu.memory_space<vmem>>
        %dma_wait3A_286 = tpu.memref_squeeze %dma_wait3A_285 : memref<1x3328xf32, #tpu.memory_space<vmem>> -> memref<3328xf32, #tpu.memory_space<vmem>>
        tpu.wait_dma2 semaphore(%arg6 : memref<!tpu.dma_semaphore, #tpu.memory_space<semaphore_mem>>) src(%dma_wait3A_286 : memref<3328xf32, #tpu.memory_space<vmem>>) dst(%dma_wait3A_283 : memref<3328xf32, #tpu.memory_space<hbm>>)
        %dma_wait3A_287 = arith.constant 0 : i32
        %dma_wait3A_288 = arith.constant 0 : i32
        %dma_wait3A_289 = tpu.memref_slice %arg5[%dma_wait3A_287, %dma_wait3A_288] : memref<8x3328xf32, #tpu.memory_space<vmem>> -> memref<1x3328xf32, #tpu.memory_space<vmem>>
        %dma_wait3A_290 = tpu.memref_squeeze %dma_wait3A_289 : memref<1x3328xf32, #tpu.memory_space<vmem>> -> memref<3328xf32, #tpu.memory_space<vmem>>
        %dma_wait3A_291 = arith.constant 0 : i32
        %dma_wait3A_292 = tpu.memref_slice %arg4[%dma_wait3A_291] : memref<6400000xf32, #tpu.memory_space<hbm>> -> memref<3328xf32, #tpu.memory_space<hbm>>
        %dma_wait3A_293 = arith.constant 0 : i32
        %dma_wait3A_294 = tpu.memref_slice %arg4[%dma_wait3A_293] : memref<6400000xf32, #tpu.memory_space<hbm>> -> memref<3328xf32, #tpu.memory_space<hbm>>
        %dma_wait3A_295 = arith.constant 0 : i32
        %dma_wait3A_296 = tpu.memref_slice %arg5[%dma_wait3A_287, %dma_wait3A_295] : memref<8x3328xf32, #tpu.memory_space<vmem>> -> memref<1x3328xf32, #tpu.memory_space<vmem>>
        %dma_wait3A_297 = tpu.memref_squeeze %dma_wait3A_296 : memref<1x3328xf32, #tpu.memory_space<vmem>> -> memref<3328xf32, #tpu.memory_space<vmem>>
        tpu.wait_dma2 semaphore(%arg6 : memref<!tpu.dma_semaphore, #tpu.memory_space<semaphore_mem>>) src(%dma_wait3A_297 : memref<3328xf32, #tpu.memory_space<vmem>>) dst(%dma_wait3A_294 : memref<3328xf32, #tpu.memory_space<hbm>>)
        %dma_wait3A_298 = arith.constant 0 : i32
        %dma_wait3A_299 = arith.constant 0 : i32
        %dma_wait3A_300 = tpu.memref_slice %arg5[%dma_wait3A_298, %dma_wait3A_299] : memref<8x3328xf32, #tpu.memory_space<vmem>> -> memref<1x3328xf32, #tpu.memory_space<vmem>>
        %dma_wait3A_301 = tpu.memref_squeeze %dma_wait3A_300 : memref<1x3328xf32, #tpu.memory_space<vmem>> -> memref<3328xf32, #tpu.memory_space<vmem>>
        %dma_wait3A_302 = arith.constant 0 : i32
        %dma_wait3A_303 = tpu.memref_slice %arg4[%dma_wait3A_302] : memref<6400000xf32, #tpu.memory_space<hbm>> -> memref<3328xf32, #tpu.memory_space<hbm>>
        %dma_wait3A_304 = arith.constant 0 : i32
        %dma_wait3A_305 = tpu.memref_slice %arg4[%dma_wait3A_304] : memref<6400000xf32, #tpu.memory_space<hbm>> -> memref<3328xf32, #tpu.memory_space<hbm>>
        %dma_wait3A_306 = arith.constant 0 : i32
        %dma_wait3A_307 = tpu.memref_slice %arg5[%dma_wait3A_298, %dma_wait3A_306] : memref<8x3328xf32, #tpu.memory_space<vmem>> -> memref<1x3328xf32, #tpu.memory_space<vmem>>
        %dma_wait3A_308 = tpu.memref_squeeze %dma_wait3A_307 : memref<1x3328xf32, #tpu.memory_space<vmem>> -> memref<3328xf32, #tpu.memory_space<vmem>>
        tpu.wait_dma2 semaphore(%arg6 : memref<!tpu.dma_semaphore, #tpu.memory_space<semaphore_mem>>) src(%dma_wait3A_308 : memref<3328xf32, #tpu.memory_space<vmem>>) dst(%dma_wait3A_305 : memref<3328xf32, #tpu.memory_space<hbm>>)
        %dma_wait3A_309 = arith.constant 0 : i32
        %dma_wait3A_310 = arith.constant 0 : i32
        %dma_wait3A_311 = tpu.memref_slice %arg5[%dma_wait3A_309, %dma_wait3A_310] : memref<8x3328xf32, #tpu.memory_space<vmem>> -> memref<1x3328xf32, #tpu.memory_space<vmem>>
        %dma_wait3A_312 = tpu.memref_squeeze %dma_wait3A_311 : memref<1x3328xf32, #tpu.memory_space<vmem>> -> memref<3328xf32, #tpu.memory_space<vmem>>
        %dma_wait3A_313 = arith.constant 0 : i32
        %dma_wait3A_314 = tpu.memref_slice %arg4[%dma_wait3A_313] : memref<6400000xf32, #tpu.memory_space<hbm>> -> memref<3328xf32, #tpu.memory_space<hbm>>
        %dma_wait3A_315 = arith.constant 0 : i32
        %dma_wait3A_316 = tpu.memref_slice %arg4[%dma_wait3A_315] : memref<6400000xf32, #tpu.memory_space<hbm>> -> memref<3328xf32, #tpu.memory_space<hbm>>
        %dma_wait3A_317 = arith.constant 0 : i32
        %dma_wait3A_318 = tpu.memref_slice %arg5[%dma_wait3A_309, %dma_wait3A_317] : memref<8x3328xf32, #tpu.memory_space<vmem>> -> memref<1x3328xf32, #tpu.memory_space<vmem>>
        %dma_wait3A_319 = tpu.memref_squeeze %dma_wait3A_318 : memref<1x3328xf32, #tpu.memory_space<vmem>> -> memref<3328xf32, #tpu.memory_space<vmem>>
        tpu.wait_dma2 semaphore(%arg6 : memref<!tpu.dma_semaphore, #tpu.memory_space<semaphore_mem>>) src(%dma_wait3A_319 : memref<3328xf32, #tpu.memory_space<vmem>>) dst(%dma_wait3A_316 : memref<3328xf32, #tpu.memory_space<hbm>>)
        %dma_wait3A_320 = arith.constant 0 : i32
        %dma_wait3A_321 = arith.constant 0 : i32
        %dma_wait3A_322 = tpu.memref_slice %arg5[%dma_wait3A_320, %dma_wait3A_321] : memref<8x3328xf32, #tpu.memory_space<vmem>> -> memref<1x3328xf32, #tpu.memory_space<vmem>>
        %dma_wait3A_323 = tpu.memref_squeeze %dma_wait3A_322 : memref<1x3328xf32, #tpu.memory_space<vmem>> -> memref<3328xf32, #tpu.memory_space<vmem>>
        %dma_wait3A_324 = arith.constant 0 : i32
        %dma_wait3A_325 = tpu.memref_slice %arg4[%dma_wait3A_324] : memref<6400000xf32, #tpu.memory_space<hbm>> -> memref<3328xf32, #tpu.memory_space<hbm>>
        %dma_wait3A_326 = arith.constant 0 : i32
        %dma_wait3A_327 = tpu.memref_slice %arg4[%dma_wait3A_326] : memref<6400000xf32, #tpu.memory_space<hbm>> -> memref<3328xf32, #tpu.memory_space<hbm>>
        %dma_wait3A_328 = arith.constant 0 : i32
        %dma_wait3A_329 = tpu.memref_slice %arg5[%dma_wait3A_320, %dma_wait3A_328] : memref<8x3328xf32, #tpu.memory_space<vmem>> -> memref<1x3328xf32, #tpu.memory_space<vmem>>
        %dma_wait3A_330 = tpu.memref_squeeze %dma_wait3A_329 : memref<1x3328xf32, #tpu.memory_space<vmem>> -> memref<3328xf32, #tpu.memory_space<vmem>>
        tpu.wait_dma2 semaphore(%arg6 : memref<!tpu.dma_semaphore, #tpu.memory_space<semaphore_mem>>) src(%dma_wait3A_330 : memref<3328xf32, #tpu.memory_space<vmem>>) dst(%dma_wait3A_327 : memref<3328xf32, #tpu.memory_space<hbm>>)
        %dma_wait3A_331 = arith.constant 0 : i32
        %dma_wait3A_332 = arith.constant 0 : i32
        %dma_wait3A_333 = tpu.memref_slice %arg5[%dma_wait3A_331, %dma_wait3A_332] : memref<8x3328xf32, #tpu.memory_space<vmem>> -> memref<1x3328xf32, #tpu.memory_space<vmem>>
        %dma_wait3A_334 = tpu.memref_squeeze %dma_wait3A_333 : memref<1x3328xf32, #tpu.memory_space<vmem>> -> memref<3328xf32, #tpu.memory_space<vmem>>
        %dma_wait3A_335 = arith.constant 0 : i32
        %dma_wait3A_336 = tpu.memref_slice %arg4[%dma_wait3A_335] : memref<6400000xf32, #tpu.memory_space<hbm>> -> memref<3328xf32, #tpu.memory_space<hbm>>
        %dma_wait3A_337 = arith.constant 0 : i32
        %dma_wait3A_338 = tpu.memref_slice %arg4[%dma_wait3A_337] : memref<6400000xf32, #tpu.memory_space<hbm>> -> memref<3328xf32, #tpu.memory_space<hbm>>
        %dma_wait3A_339 = arith.constant 0 : i32
        %dma_wait3A_340 = tpu.memref_slice %arg5[%dma_wait3A_331, %dma_wait3A_339] : memref<8x3328xf32, #tpu.memory_space<vmem>> -> memref<1x3328xf32, #tpu.memory_space<vmem>>
        %dma_wait3A_341 = tpu.memref_squeeze %dma_wait3A_340 : memref<1x3328xf32, #tpu.memory_space<vmem>> -> memref<3328xf32, #tpu.memory_space<vmem>>
        tpu.wait_dma2 semaphore(%arg6 : memref<!tpu.dma_semaphore, #tpu.memory_space<semaphore_mem>>) src(%dma_wait3A_341 : memref<3328xf32, #tpu.memory_space<vmem>>) dst(%dma_wait3A_338 : memref<3328xf32, #tpu.memory_space<hbm>>)
      } else {
      }
      %scan3A_19 = arith.constant 0 : i32
      scf.yield %scan3A_19 : i32
    }
    %scan3A_6 = arith.constant 8 : i32
    %lt3A = arith.constant 16 : i32
    %lt3A_7 = arith.cmpi slt, %add3A, %lt3A : i32
    %convert_element_type3A = arith.extui %lt3A_7 : i1 to i32
    %cond3A = arith.constant 0 : i32
    %cond3A_8 = arith.cmpi ne, %convert_element_type3A, %cond3A : i32
    scf.if %cond3A_8 {
      %jit3A = arith.constant 2 : i32
      %div3A = arith.divsi %add3A, %jit3A : i32
      %sign3A = arith.constant 0 : i32
      %sign3A_9 = arith.cmpi sgt, %add3A, %sign3A : i32
      %sign3A_10 = arith.extui %sign3A_9 : i1 to i32
      %sign3A_11 = arith.constant 0 : i32
      %sign3A_12 = arith.cmpi slt, %add3A, %sign3A_11 : i32
      %sign3A_13 = arith.extui %sign3A_12 : i1 to i32
      %sign3A_14 = arith.subi %sign3A_10, %sign3A_13 : i32
      %sign3A_15 = arith.constant 0 : i32
      %sign3A_16 = arith.cmpi sgt, %jit3A, %sign3A_15 : i32
      %sign3A_17 = arith.extui %sign3A_16 : i1 to i32
      %sign3A_18 = arith.constant 0 : i32
      %sign3A_19 = arith.cmpi slt, %jit3A, %sign3A_18 : i32
      %sign3A_20 = arith.extui %sign3A_19 : i1 to i32
      %sign3A_21 = arith.subi %sign3A_17, %sign3A_20 : i32
      %ne3A = arith.cmpi ne, %sign3A_14, %sign3A_21 : i32
      %rem3A = arith.remsi %add3A, %jit3A : i32
      %ne3A_22 = arith.constant 0 : i32
      %ne3A_23 = arith.cmpi ne, %rem3A, %ne3A_22 : i32
      %and3A = arith.andi %ne3A, %ne3A_23 : i1
      %sub3A = arith.constant 1 : i32
      %sub3A_24 = arith.subi %div3A, %sub3A : i32
      %select_n3A = arith.select %and3A, %sub3A_24, %div3A : i32
      %jit3A_25 = arith.constant 2 : i32
      %eq3A = arith.constant 0 : i32
      %eq3A_26 = arith.cmpi eq, %jit3A_25, %eq3A : i32
      %jit3A_27 = arith.constant 1 : i32
      %select_n3A_28 = arith.select %eq3A_26, %jit3A_27, %jit3A_25 : i32
      %rem3A_29 = arith.remsi %add3A, %select_n3A_28 : i32
      %ne3A_30 = arith.constant 0 : i32
      %ne3A_31 = arith.cmpi ne, %rem3A_29, %ne3A_30 : i32
      %lt3A_32 = arith.constant 0 : i32
      %lt3A_33 = arith.cmpi slt, %rem3A_29, %lt3A_32 : i32
      %lt3A_34 = arith.constant 0 : i32
      %lt3A_35 = arith.cmpi slt, %select_n3A_28, %lt3A_34 : i32
      %ne3A_36 = arith.xori %lt3A_33, %lt3A_35 : i1
      %and3A_37 = arith.andi %ne3A_36, %ne3A_31 : i1
      %add3A_38 = arith.addi %rem3A_29, %select_n3A_28 : i32
      %select_n3A_39 = arith.select %and3A_37, %add3A_38, %rem3A_29 : i32
      %mul3A_40 = arith.constant 8 : i32
      %mul3A_41 = arith.muli %select_n3A_39, %mul3A_40 : i32
      %multiple_of3A = tpu.assume_multiple %mul3A_41, 8 : i32
      "tpu.region"() ({
        %run_scoped3A = tpu.sem_alloc : memref<!tpu.dma_semaphore, #tpu.memory_space<semaphore_mem>>
        %dma_start3A_296 = arith.constant 0 : i32
        %dma_start3A_297 = arith.constant 0 : i32
        %dma_start3A_298 = tpu.memref_slice %arg5[%dma_start3A_296, %dma_start3A_297] : memref<8x3328xf32, #tpu.memory_space<vmem>> -> memref<8x80xf32, #tpu.memory_space<vmem>>
        %dma_start3A_299 = arith.constant 0 : i32
        %dma_start3A_300 = tpu.memref_slice %arg3[%select_n3A, %multiple_of3A, %dma_start3A_299] : memref<8x16x80xf32, #tpu.memory_space<hbm>> -> memref<1x8x80xf32, #tpu.memory_space<hbm>>
        %dma_start3A_301 = tpu.memref_squeeze %dma_start3A_300 : memref<1x8x80xf32, #tpu.memory_space<hbm>> -> memref<8x80xf32, #tpu.memory_space<hbm>>
        %dma_start3A_302 = arith.constant 0 : i32
        %dma_start3A_303 = arith.constant 0 : i32
        %dma_start3A_304 = tpu.memref_slice %arg5[%dma_start3A_302, %dma_start3A_303] : memref<8x3328xf32, #tpu.memory_space<vmem>> -> memref<8x80xf32, #tpu.memory_space<vmem>>
        %dma_start3A_305 = arith.constant 0 : i32
        %dma_start3A_306 = tpu.memref_slice %arg3[%select_n3A, %multiple_of3A, %dma_start3A_305] : memref<8x16x80xf32, #tpu.memory_space<hbm>> -> memref<1x8x80xf32, #tpu.memory_space<hbm>>
        %dma_start3A_307 = tpu.memref_squeeze %dma_start3A_306 : memref<1x8x80xf32, #tpu.memory_space<hbm>> -> memref<8x80xf32, #tpu.memory_space<hbm>>
        tpu.enqueue_dma source(%dma_start3A_307 : memref<8x80xf32, #tpu.memory_space<hbm>>) target(%dma_start3A_304 : memref<8x80xf32, #tpu.memory_space<vmem>>) target_semaphore(%run_scoped3A : memref<!tpu.dma_semaphore, #tpu.memory_space<semaphore_mem>>)
        %dma_wait3A_308 = arith.constant 0 : i32
        %dma_wait3A_309 = arith.constant 0 : i32
        %dma_wait3A_310 = tpu.memref_slice %arg5[%dma_wait3A_308, %dma_wait3A_309] : memref<8x3328xf32, #tpu.memory_space<vmem>> -> memref<8x80xf32, #tpu.memory_space<vmem>>
        %dma_wait3A_311 = arith.constant 0 : i32
        %dma_wait3A_312 = tpu.memref_slice %arg3[%select_n3A, %multiple_of3A, %dma_wait3A_311] : memref<8x16x80xf32, #tpu.memory_space<hbm>> -> memref<1x8x80xf32, #tpu.memory_space<hbm>>
        %dma_wait3A_313 = tpu.memref_squeeze %dma_wait3A_312 : memref<1x8x80xf32, #tpu.memory_space<hbm>> -> memref<8x80xf32, #tpu.memory_space<hbm>>
        %dma_wait3A_314 = arith.constant 0 : i32
        %dma_wait3A_315 = arith.constant 0 : i32
        %dma_wait3A_316 = tpu.memref_slice %arg5[%dma_wait3A_314, %dma_wait3A_315] : memref<8x3328xf32, #tpu.memory_space<vmem>> -> memref<8x80xf32, #tpu.memory_space<vmem>>
        %dma_wait3A_317 = arith.constant 0 : i32
        %dma_wait3A_318 = tpu.memref_slice %arg3[%select_n3A, %multiple_of3A, %dma_wait3A_317] : memref<8x16x80xf32, #tpu.memory_space<hbm>> -> memref<1x8x80xf32, #tpu.memory_space<hbm>>
        %dma_wait3A_319 = tpu.memref_squeeze %dma_wait3A_318 : memref<1x8x80xf32, #tpu.memory_space<hbm>> -> memref<8x80xf32, #tpu.memory_space<hbm>>
        tpu.wait_dma2 semaphore(%run_scoped3A : memref<!tpu.dma_semaphore, #tpu.memory_space<semaphore_mem>>) src(%dma_wait3A_319 : memref<8x80xf32, #tpu.memory_space<hbm>>) dst(%dma_wait3A_316 : memref<8x80xf32, #tpu.memory_space<vmem>>)
        tpu.yield
      }) : () -> ()
      %mul3A_42 = arith.constant 16 : i32
      %mul3A_43 = arith.muli %select_n3A, %mul3A_42 : i32
      %mul3A_44 = arith.constant 8 : i32
      %mul3A_45 = arith.muli %select_n3A_39, %mul3A_44 : i32
      %add3A_46 = arith.addi %mul3A_43, %mul3A_45 : i32
      %add3A_47 = arith.constant 0 : i32
      %add3A_48 = arith.addi %add3A_46, %add3A_47 : i32
      %mul3A_49 = arith.constant 50000 : i32
      %mul3A_50 = arith.muli %add3A_48, %mul3A_49 : i32
      %add3A_51 = arith.constant 49920 : i32
      %add3A_52 = arith.addi %mul3A_50, %add3A_51 : i32
      %multiple_of3A_53 = tpu.assume_multiple %add3A_52, 8 : i32
      %dma_start3A = arith.constant 0 : i32
      %dma_start3A_54 = arith.constant 0 : i32
      %dma_start3A_55 = tpu.memref_slice %arg5[%dma_start3A, %dma_start3A_54] : memref<8x3328xf32, #tpu.memory_space<vmem>> -> memref<1x80xf32, #tpu.memory_space<vmem>>
      %dma_start3A_56 = tpu.memref_squeeze %dma_start3A_55 : memref<1x80xf32, #tpu.memory_space<vmem>> -> memref<80xf32, #tpu.memory_space<vmem>>
      %dma_start3A_57 = tpu.memref_slice %arg4[%multiple_of3A_53] : memref<6400000xf32, #tpu.memory_space<hbm>> -> memref<80xf32, #tpu.memory_space<hbm>>
      %dma_start3A_58 = tpu.memref_slice %arg4[%multiple_of3A_53] : memref<6400000xf32, #tpu.memory_space<hbm>> -> memref<80xf32, #tpu.memory_space<hbm>>
      %dma_start3A_59 = arith.constant 0 : i32
      %dma_start3A_60 = tpu.memref_slice %arg5[%dma_start3A, %dma_start3A_59] : memref<8x3328xf32, #tpu.memory_space<vmem>> -> memref<1x80xf32, #tpu.memory_space<vmem>>
      %dma_start3A_61 = tpu.memref_squeeze %dma_start3A_60 : memref<1x80xf32, #tpu.memory_space<vmem>> -> memref<80xf32, #tpu.memory_space<vmem>>
      tpu.enqueue_dma source(%dma_start3A_61 : memref<80xf32, #tpu.memory_space<vmem>>) target(%dma_start3A_58 : memref<80xf32, #tpu.memory_space<hbm>>) target_semaphore(%arg6 : memref<!tpu.dma_semaphore, #tpu.memory_space<semaphore_mem>>)
      %mul3A_62 = arith.constant 16 : i32
      %mul3A_63 = arith.muli %select_n3A, %mul3A_62 : i32
      %mul3A_64 = arith.constant 8 : i32
      %mul3A_65 = arith.muli %select_n3A_39, %mul3A_64 : i32
      %add3A_66 = arith.addi %mul3A_63, %mul3A_65 : i32
      %add3A_67 = arith.constant 1 : i32
      %add3A_68 = arith.addi %add3A_66, %add3A_67 : i32
      %mul3A_69 = arith.constant 50000 : i32
      %mul3A_70 = arith.muli %add3A_68, %mul3A_69 : i32
      %add3A_71 = arith.constant 49920 : i32
      %add3A_72 = arith.addi %mul3A_70, %add3A_71 : i32
      %multiple_of3A_73 = tpu.assume_multiple %add3A_72, 8 : i32
      %dma_start3A_74 = arith.constant 1 : i32
      %dma_start3A_75 = arith.constant 0 : i32
      %dma_start3A_76 = tpu.memref_slice %arg5[%dma_start3A_74, %dma_start3A_75] : memref<8x3328xf32, #tpu.memory_space<vmem>> -> memref<1x80xf32, #tpu.memory_space<vmem>>
      %dma_start3A_77 = tpu.memref_squeeze %dma_start3A_76 : memref<1x80xf32, #tpu.memory_space<vmem>> -> memref<80xf32, #tpu.memory_space<vmem>>
      %dma_start3A_78 = tpu.memref_slice %arg4[%multiple_of3A_73] : memref<6400000xf32, #tpu.memory_space<hbm>> -> memref<80xf32, #tpu.memory_space<hbm>>
      %dma_start3A_79 = tpu.memref_slice %arg4[%multiple_of3A_73] : memref<6400000xf32, #tpu.memory_space<hbm>> -> memref<80xf32, #tpu.memory_space<hbm>>
      %dma_start3A_80 = arith.constant 0 : i32
      %dma_start3A_81 = tpu.memref_slice %arg5[%dma_start3A_74, %dma_start3A_80] : memref<8x3328xf32, #tpu.memory_space<vmem>> -> memref<1x80xf32, #tpu.memory_space<vmem>>
      %dma_start3A_82 = tpu.memref_squeeze %dma_start3A_81 : memref<1x80xf32, #tpu.memory_space<vmem>> -> memref<80xf32, #tpu.memory_space<vmem>>
      tpu.enqueue_dma source(%dma_start3A_82 : memref<80xf32, #tpu.memory_space<vmem>>) target(%dma_start3A_79 : memref<80xf32, #tpu.memory_space<hbm>>) target_semaphore(%arg6 : memref<!tpu.dma_semaphore, #tpu.memory_space<semaphore_mem>>)
      %mul3A_83 = arith.constant 16 : i32
      %mul3A_84 = arith.muli %select_n3A, %mul3A_83 : i32
      %mul3A_85 = arith.constant 8 : i32
      %mul3A_86 = arith.muli %select_n3A_39, %mul3A_85 : i32
      %add3A_87 = arith.addi %mul3A_84, %mul3A_86 : i32
      %add3A_88 = arith.constant 2 : i32
      %add3A_89 = arith.addi %add3A_87, %add3A_88 : i32
      %mul3A_90 = arith.constant 50000 : i32
      %mul3A_91 = arith.muli %add3A_89, %mul3A_90 : i32
      %add3A_92 = arith.constant 49920 : i32
      %add3A_93 = arith.addi %mul3A_91, %add3A_92 : i32
      %multiple_of3A_94 = tpu.assume_multiple %add3A_93, 8 : i32
      %dma_start3A_95 = arith.constant 2 : i32
      %dma_start3A_96 = arith.constant 0 : i32
      %dma_start3A_97 = tpu.memref_slice %arg5[%dma_start3A_95, %dma_start3A_96] : memref<8x3328xf32, #tpu.memory_space<vmem>> -> memref<1x80xf32, #tpu.memory_space<vmem>>
      %dma_start3A_98 = tpu.memref_squeeze %dma_start3A_97 : memref<1x80xf32, #tpu.memory_space<vmem>> -> memref<80xf32, #tpu.memory_space<vmem>>
      %dma_start3A_99 = tpu.memref_slice %arg4[%multiple_of3A_94] : memref<6400000xf32, #tpu.memory_space<hbm>> -> memref<80xf32, #tpu.memory_space<hbm>>
      %dma_start3A_100 = tpu.memref_slice %arg4[%multiple_of3A_94] : memref<6400000xf32, #tpu.memory_space<hbm>> -> memref<80xf32, #tpu.memory_space<hbm>>
      %dma_start3A_101 = arith.constant 0 : i32
      %dma_start3A_102 = tpu.memref_slice %arg5[%dma_start3A_95, %dma_start3A_101] : memref<8x3328xf32, #tpu.memory_space<vmem>> -> memref<1x80xf32, #tpu.memory_space<vmem>>
      %dma_start3A_103 = tpu.memref_squeeze %dma_start3A_102 : memref<1x80xf32, #tpu.memory_space<vmem>> -> memref<80xf32, #tpu.memory_space<vmem>>
      tpu.enqueue_dma source(%dma_start3A_103 : memref<80xf32, #tpu.memory_space<vmem>>) target(%dma_start3A_100 : memref<80xf32, #tpu.memory_space<hbm>>) target_semaphore(%arg6 : memref<!tpu.dma_semaphore, #tpu.memory_space<semaphore_mem>>)
      %mul3A_104 = arith.constant 16 : i32
      %mul3A_105 = arith.muli %select_n3A, %mul3A_104 : i32
      %mul3A_106 = arith.constant 8 : i32
      %mul3A_107 = arith.muli %select_n3A_39, %mul3A_106 : i32
      %add3A_108 = arith.addi %mul3A_105, %mul3A_107 : i32
      %add3A_109 = arith.constant 3 : i32
      %add3A_110 = arith.addi %add3A_108, %add3A_109 : i32
      %mul3A_111 = arith.constant 50000 : i32
      %mul3A_112 = arith.muli %add3A_110, %mul3A_111 : i32
      %add3A_113 = arith.constant 49920 : i32
      %add3A_114 = arith.addi %mul3A_112, %add3A_113 : i32
      %multiple_of3A_115 = tpu.assume_multiple %add3A_114, 8 : i32
      %dma_start3A_116 = arith.constant 3 : i32
      %dma_start3A_117 = arith.constant 0 : i32
      %dma_start3A_118 = tpu.memref_slice %arg5[%dma_start3A_116, %dma_start3A_117] : memref<8x3328xf32, #tpu.memory_space<vmem>> -> memref<1x80xf32, #tpu.memory_space<vmem>>
      %dma_start3A_119 = tpu.memref_squeeze %dma_start3A_118 : memref<1x80xf32, #tpu.memory_space<vmem>> -> memref<80xf32, #tpu.memory_space<vmem>>
      %dma_start3A_120 = tpu.memref_slice %arg4[%multiple_of3A_115] : memref<6400000xf32, #tpu.memory_space<hbm>> -> memref<80xf32, #tpu.memory_space<hbm>>
      %dma_start3A_121 = tpu.memref_slice %arg4[%multiple_of3A_115] : memref<6400000xf32, #tpu.memory_space<hbm>> -> memref<80xf32, #tpu.memory_space<hbm>>
      %dma_start3A_122 = arith.constant 0 : i32
      %dma_start3A_123 = tpu.memref_slice %arg5[%dma_start3A_116, %dma_start3A_122] : memref<8x3328xf32, #tpu.memory_space<vmem>> -> memref<1x80xf32, #tpu.memory_space<vmem>>
      %dma_start3A_124 = tpu.memref_squeeze %dma_start3A_123 : memref<1x80xf32, #tpu.memory_space<vmem>> -> memref<80xf32, #tpu.memory_space<vmem>>
      tpu.enqueue_dma source(%dma_start3A_124 : memref<80xf32, #tpu.memory_space<vmem>>) target(%dma_start3A_121 : memref<80xf32, #tpu.memory_space<hbm>>) target_semaphore(%arg6 : memref<!tpu.dma_semaphore, #tpu.memory_space<semaphore_mem>>)
      %mul3A_125 = arith.constant 16 : i32
      %mul3A_126 = arith.muli %select_n3A, %mul3A_125 : i32
      %mul3A_127 = arith.constant 8 : i32
      %mul3A_128 = arith.muli %select_n3A_39, %mul3A_127 : i32
      %add3A_129 = arith.addi %mul3A_126, %mul3A_128 : i32
      %add3A_130 = arith.constant 4 : i32
      %add3A_131 = arith.addi %add3A_129, %add3A_130 : i32
      %mul3A_132 = arith.constant 50000 : i32
      %mul3A_133 = arith.muli %add3A_131, %mul3A_132 : i32
      %add3A_134 = arith.constant 49920 : i32
      %add3A_135 = arith.addi %mul3A_133, %add3A_134 : i32
      %multiple_of3A_136 = tpu.assume_multiple %add3A_135, 8 : i32
      %dma_start3A_137 = arith.constant 4 : i32
      %dma_start3A_138 = arith.constant 0 : i32
      %dma_start3A_139 = tpu.memref_slice %arg5[%dma_start3A_137, %dma_start3A_138] : memref<8x3328xf32, #tpu.memory_space<vmem>> -> memref<1x80xf32, #tpu.memory_space<vmem>>
      %dma_start3A_140 = tpu.memref_squeeze %dma_start3A_139 : memref<1x80xf32, #tpu.memory_space<vmem>> -> memref<80xf32, #tpu.memory_space<vmem>>
      %dma_start3A_141 = tpu.memref_slice %arg4[%multiple_of3A_136] : memref<6400000xf32, #tpu.memory_space<hbm>> -> memref<80xf32, #tpu.memory_space<hbm>>
      %dma_start3A_142 = tpu.memref_slice %arg4[%multiple_of3A_136] : memref<6400000xf32, #tpu.memory_space<hbm>> -> memref<80xf32, #tpu.memory_space<hbm>>
      %dma_start3A_143 = arith.constant 0 : i32
      %dma_start3A_144 = tpu.memref_slice %arg5[%dma_start3A_137, %dma_start3A_143] : memref<8x3328xf32, #tpu.memory_space<vmem>> -> memref<1x80xf32, #tpu.memory_space<vmem>>
      %dma_start3A_145 = tpu.memref_squeeze %dma_start3A_144 : memref<1x80xf32, #tpu.memory_space<vmem>> -> memref<80xf32, #tpu.memory_space<vmem>>
      tpu.enqueue_dma source(%dma_start3A_145 : memref<80xf32, #tpu.memory_space<vmem>>) target(%dma_start3A_142 : memref<80xf32, #tpu.memory_space<hbm>>) target_semaphore(%arg6 : memref<!tpu.dma_semaphore, #tpu.memory_space<semaphore_mem>>)
      %mul3A_146 = arith.constant 16 : i32
      %mul3A_147 = arith.muli %select_n3A, %mul3A_146 : i32
      %mul3A_148 = arith.constant 8 : i32
      %mul3A_149 = arith.muli %select_n3A_39, %mul3A_148 : i32
      %add3A_150 = arith.addi %mul3A_147, %mul3A_149 : i32
      %add3A_151 = arith.constant 5 : i32
      %add3A_152 = arith.addi %add3A_150, %add3A_151 : i32
      %mul3A_153 = arith.constant 50000 : i32
      %mul3A_154 = arith.muli %add3A_152, %mul3A_153 : i32
      %add3A_155 = arith.constant 49920 : i32
      %add3A_156 = arith.addi %mul3A_154, %add3A_155 : i32
      %multiple_of3A_157 = tpu.assume_multiple %add3A_156, 8 : i32
      %dma_start3A_158 = arith.constant 5 : i32
      %dma_start3A_159 = arith.constant 0 : i32
      %dma_start3A_160 = tpu.memref_slice %arg5[%dma_start3A_158, %dma_start3A_159] : memref<8x3328xf32, #tpu.memory_space<vmem>> -> memref<1x80xf32, #tpu.memory_space<vmem>>
      %dma_start3A_161 = tpu.memref_squeeze %dma_start3A_160 : memref<1x80xf32, #tpu.memory_space<vmem>> -> memref<80xf32, #tpu.memory_space<vmem>>
      %dma_start3A_162 = tpu.memref_slice %arg4[%multiple_of3A_157] : memref<6400000xf32, #tpu.memory_space<hbm>> -> memref<80xf32, #tpu.memory_space<hbm>>
      %dma_start3A_163 = tpu.memref_slice %arg4[%multiple_of3A_157] : memref<6400000xf32, #tpu.memory_space<hbm>> -> memref<80xf32, #tpu.memory_space<hbm>>
      %dma_start3A_164 = arith.constant 0 : i32
      %dma_start3A_165 = tpu.memref_slice %arg5[%dma_start3A_158, %dma_start3A_164] : memref<8x3328xf32, #tpu.memory_space<vmem>> -> memref<1x80xf32, #tpu.memory_space<vmem>>
      %dma_start3A_166 = tpu.memref_squeeze %dma_start3A_165 : memref<1x80xf32, #tpu.memory_space<vmem>> -> memref<80xf32, #tpu.memory_space<vmem>>
      tpu.enqueue_dma source(%dma_start3A_166 : memref<80xf32, #tpu.memory_space<vmem>>) target(%dma_start3A_163 : memref<80xf32, #tpu.memory_space<hbm>>) target_semaphore(%arg6 : memref<!tpu.dma_semaphore, #tpu.memory_space<semaphore_mem>>)
      %mul3A_167 = arith.constant 16 : i32
      %mul3A_168 = arith.muli %select_n3A, %mul3A_167 : i32
      %mul3A_169 = arith.constant 8 : i32
      %mul3A_170 = arith.muli %select_n3A_39, %mul3A_169 : i32
      %add3A_171 = arith.addi %mul3A_168, %mul3A_170 : i32
      %add3A_172 = arith.constant 6 : i32
      %add3A_173 = arith.addi %add3A_171, %add3A_172 : i32
      %mul3A_174 = arith.constant 50000 : i32
      %mul3A_175 = arith.muli %add3A_173, %mul3A_174 : i32
      %add3A_176 = arith.constant 49920 : i32
      %add3A_177 = arith.addi %mul3A_175, %add3A_176 : i32
      %multiple_of3A_178 = tpu.assume_multiple %add3A_177, 8 : i32
      %dma_start3A_179 = arith.constant 6 : i32
      %dma_start3A_180 = arith.constant 0 : i32
      %dma_start3A_181 = tpu.memref_slice %arg5[%dma_start3A_179, %dma_start3A_180] : memref<8x3328xf32, #tpu.memory_space<vmem>> -> memref<1x80xf32, #tpu.memory_space<vmem>>
      %dma_start3A_182 = tpu.memref_squeeze %dma_start3A_181 : memref<1x80xf32, #tpu.memory_space<vmem>> -> memref<80xf32, #tpu.memory_space<vmem>>
      %dma_start3A_183 = tpu.memref_slice %arg4[%multiple_of3A_178] : memref<6400000xf32, #tpu.memory_space<hbm>> -> memref<80xf32, #tpu.memory_space<hbm>>
      %dma_start3A_184 = tpu.memref_slice %arg4[%multiple_of3A_178] : memref<6400000xf32, #tpu.memory_space<hbm>> -> memref<80xf32, #tpu.memory_space<hbm>>
      %dma_start3A_185 = arith.constant 0 : i32
      %dma_start3A_186 = tpu.memref_slice %arg5[%dma_start3A_179, %dma_start3A_185] : memref<8x3328xf32, #tpu.memory_space<vmem>> -> memref<1x80xf32, #tpu.memory_space<vmem>>
      %dma_start3A_187 = tpu.memref_squeeze %dma_start3A_186 : memref<1x80xf32, #tpu.memory_space<vmem>> -> memref<80xf32, #tpu.memory_space<vmem>>
      tpu.enqueue_dma source(%dma_start3A_187 : memref<80xf32, #tpu.memory_space<vmem>>) target(%dma_start3A_184 : memref<80xf32, #tpu.memory_space<hbm>>) target_semaphore(%arg6 : memref<!tpu.dma_semaphore, #tpu.memory_space<semaphore_mem>>)
      %mul3A_188 = arith.constant 16 : i32
      %mul3A_189 = arith.muli %select_n3A, %mul3A_188 : i32
      %mul3A_190 = arith.constant 8 : i32
      %mul3A_191 = arith.muli %select_n3A_39, %mul3A_190 : i32
      %add3A_192 = arith.addi %mul3A_189, %mul3A_191 : i32
      %add3A_193 = arith.constant 7 : i32
      %add3A_194 = arith.addi %add3A_192, %add3A_193 : i32
      %mul3A_195 = arith.constant 50000 : i32
      %mul3A_196 = arith.muli %add3A_194, %mul3A_195 : i32
      %add3A_197 = arith.constant 49920 : i32
      %add3A_198 = arith.addi %mul3A_196, %add3A_197 : i32
      %multiple_of3A_199 = tpu.assume_multiple %add3A_198, 8 : i32
      %dma_start3A_200 = arith.constant 7 : i32
      %dma_start3A_201 = arith.constant 0 : i32
      %dma_start3A_202 = tpu.memref_slice %arg5[%dma_start3A_200, %dma_start3A_201] : memref<8x3328xf32, #tpu.memory_space<vmem>> -> memref<1x80xf32, #tpu.memory_space<vmem>>
      %dma_start3A_203 = tpu.memref_squeeze %dma_start3A_202 : memref<1x80xf32, #tpu.memory_space<vmem>> -> memref<80xf32, #tpu.memory_space<vmem>>
      %dma_start3A_204 = tpu.memref_slice %arg4[%multiple_of3A_199] : memref<6400000xf32, #tpu.memory_space<hbm>> -> memref<80xf32, #tpu.memory_space<hbm>>
      %dma_start3A_205 = tpu.memref_slice %arg4[%multiple_of3A_199] : memref<6400000xf32, #tpu.memory_space<hbm>> -> memref<80xf32, #tpu.memory_space<hbm>>
      %dma_start3A_206 = arith.constant 0 : i32
      %dma_start3A_207 = tpu.memref_slice %arg5[%dma_start3A_200, %dma_start3A_206] : memref<8x3328xf32, #tpu.memory_space<vmem>> -> memref<1x80xf32, #tpu.memory_space<vmem>>
      %dma_start3A_208 = tpu.memref_squeeze %dma_start3A_207 : memref<1x80xf32, #tpu.memory_space<vmem>> -> memref<80xf32, #tpu.memory_space<vmem>>
      tpu.enqueue_dma source(%dma_start3A_208 : memref<80xf32, #tpu.memory_space<vmem>>) target(%dma_start3A_205 : memref<80xf32, #tpu.memory_space<hbm>>) target_semaphore(%arg6 : memref<!tpu.dma_semaphore, #tpu.memory_space<semaphore_mem>>)
      %dma_wait3A = arith.constant 0 : i32
      %dma_wait3A_209 = arith.constant 0 : i32
      %dma_wait3A_210 = tpu.memref_slice %arg5[%dma_wait3A, %dma_wait3A_209] : memref<8x3328xf32, #tpu.memory_space<vmem>> -> memref<1x80xf32, #tpu.memory_space<vmem>>
      %dma_wait3A_211 = tpu.memref_squeeze %dma_wait3A_210 : memref<1x80xf32, #tpu.memory_space<vmem>> -> memref<80xf32, #tpu.memory_space<vmem>>
      %dma_wait3A_212 = arith.constant 0 : i32
      %dma_wait3A_213 = tpu.memref_slice %arg4[%dma_wait3A_212] : memref<6400000xf32, #tpu.memory_space<hbm>> -> memref<80xf32, #tpu.memory_space<hbm>>
      %dma_wait3A_214 = arith.constant 0 : i32
      %dma_wait3A_215 = tpu.memref_slice %arg4[%dma_wait3A_214] : memref<6400000xf32, #tpu.memory_space<hbm>> -> memref<80xf32, #tpu.memory_space<hbm>>
      %dma_wait3A_216 = arith.constant 0 : i32
      %dma_wait3A_217 = tpu.memref_slice %arg5[%dma_wait3A, %dma_wait3A_216] : memref<8x3328xf32, #tpu.memory_space<vmem>> -> memref<1x80xf32, #tpu.memory_space<vmem>>
      %dma_wait3A_218 = tpu.memref_squeeze %dma_wait3A_217 : memref<1x80xf32, #tpu.memory_space<vmem>> -> memref<80xf32, #tpu.memory_space<vmem>>
      tpu.wait_dma2 semaphore(%arg6 : memref<!tpu.dma_semaphore, #tpu.memory_space<semaphore_mem>>) src(%dma_wait3A_218 : memref<80xf32, #tpu.memory_space<vmem>>) dst(%dma_wait3A_215 : memref<80xf32, #tpu.memory_space<hbm>>)
      %dma_wait3A_219 = arith.constant 0 : i32
      %dma_wait3A_220 = arith.constant 0 : i32
      %dma_wait3A_221 = tpu.memref_slice %arg5[%dma_wait3A_219, %dma_wait3A_220] : memref<8x3328xf32, #tpu.memory_space<vmem>> -> memref<1x80xf32, #tpu.memory_space<vmem>>
      %dma_wait3A_222 = tpu.memref_squeeze %dma_wait3A_221 : memref<1x80xf32, #tpu.memory_space<vmem>> -> memref<80xf32, #tpu.memory_space<vmem>>
      %dma_wait3A_223 = arith.constant 0 : i32
      %dma_wait3A_224 = tpu.memref_slice %arg4[%dma_wait3A_223] : memref<6400000xf32, #tpu.memory_space<hbm>> -> memref<80xf32, #tpu.memory_space<hbm>>
      %dma_wait3A_225 = arith.constant 0 : i32
      %dma_wait3A_226 = tpu.memref_slice %arg4[%dma_wait3A_225] : memref<6400000xf32, #tpu.memory_space<hbm>> -> memref<80xf32, #tpu.memory_space<hbm>>
      %dma_wait3A_227 = arith.constant 0 : i32
      %dma_wait3A_228 = tpu.memref_slice %arg5[%dma_wait3A_219, %dma_wait3A_227] : memref<8x3328xf32, #tpu.memory_space<vmem>> -> memref<1x80xf32, #tpu.memory_space<vmem>>
      %dma_wait3A_229 = tpu.memref_squeeze %dma_wait3A_228 : memref<1x80xf32, #tpu.memory_space<vmem>> -> memref<80xf32, #tpu.memory_space<vmem>>
      tpu.wait_dma2 semaphore(%arg6 : memref<!tpu.dma_semaphore, #tpu.memory_space<semaphore_mem>>) src(%dma_wait3A_229 : memref<80xf32, #tpu.memory_space<vmem>>) dst(%dma_wait3A_226 : memref<80xf32, #tpu.memory_space<hbm>>)
      %dma_wait3A_230 = arith.constant 0 : i32
      %dma_wait3A_231 = arith.constant 0 : i32
      %dma_wait3A_232 = tpu.memref_slice %arg5[%dma_wait3A_230, %dma_wait3A_231] : memref<8x3328xf32, #tpu.memory_space<vmem>> -> memref<1x80xf32, #tpu.memory_space<vmem>>
      %dma_wait3A_233 = tpu.memref_squeeze %dma_wait3A_232 : memref<1x80xf32, #tpu.memory_space<vmem>> -> memref<80xf32, #tpu.memory_space<vmem>>
      %dma_wait3A_234 = arith.constant 0 : i32
      %dma_wait3A_235 = tpu.memref_slice %arg4[%dma_wait3A_234] : memref<6400000xf32, #tpu.memory_space<hbm>> -> memref<80xf32, #tpu.memory_space<hbm>>
      %dma_wait3A_236 = arith.constant 0 : i32
      %dma_wait3A_237 = tpu.memref_slice %arg4[%dma_wait3A_236] : memref<6400000xf32, #tpu.memory_space<hbm>> -> memref<80xf32, #tpu.memory_space<hbm>>
      %dma_wait3A_238 = arith.constant 0 : i32
      %dma_wait3A_239 = tpu.memref_slice %arg5[%dma_wait3A_230, %dma_wait3A_238] : memref<8x3328xf32, #tpu.memory_space<vmem>> -> memref<1x80xf32, #tpu.memory_space<vmem>>
      %dma_wait3A_240 = tpu.memref_squeeze %dma_wait3A_239 : memref<1x80xf32, #tpu.memory_space<vmem>> -> memref<80xf32, #tpu.memory_space<vmem>>
      tpu.wait_dma2 semaphore(%arg6 : memref<!tpu.dma_semaphore, #tpu.memory_space<semaphore_mem>>) src(%dma_wait3A_240 : memref<80xf32, #tpu.memory_space<vmem>>) dst(%dma_wait3A_237 : memref<80xf32, #tpu.memory_space<hbm>>)
      %dma_wait3A_241 = arith.constant 0 : i32
      %dma_wait3A_242 = arith.constant 0 : i32
      %dma_wait3A_243 = tpu.memref_slice %arg5[%dma_wait3A_241, %dma_wait3A_242] : memref<8x3328xf32, #tpu.memory_space<vmem>> -> memref<1x80xf32, #tpu.memory_space<vmem>>
      %dma_wait3A_244 = tpu.memref_squeeze %dma_wait3A_243 : memref<1x80xf32, #tpu.memory_space<vmem>> -> memref<80xf32, #tpu.memory_space<vmem>>
      %dma_wait3A_245 = arith.constant 0 : i32
      %dma_wait3A_246 = tpu.memref_slice %arg4[%dma_wait3A_245] : memref<6400000xf32, #tpu.memory_space<hbm>> -> memref<80xf32, #tpu.memory_space<hbm>>
      %dma_wait3A_247 = arith.constant 0 : i32
      %dma_wait3A_248 = tpu.memref_slice %arg4[%dma_wait3A_247] : memref<6400000xf32, #tpu.memory_space<hbm>> -> memref<80xf32, #tpu.memory_space<hbm>>
      %dma_wait3A_249 = arith.constant 0 : i32
      %dma_wait3A_250 = tpu.memref_slice %arg5[%dma_wait3A_241, %dma_wait3A_249] : memref<8x3328xf32, #tpu.memory_space<vmem>> -> memref<1x80xf32, #tpu.memory_space<vmem>>
      %dma_wait3A_251 = tpu.memref_squeeze %dma_wait3A_250 : memref<1x80xf32, #tpu.memory_space<vmem>> -> memref<80xf32, #tpu.memory_space<vmem>>
      tpu.wait_dma2 semaphore(%arg6 : memref<!tpu.dma_semaphore, #tpu.memory_space<semaphore_mem>>) src(%dma_wait3A_251 : memref<80xf32, #tpu.memory_space<vmem>>) dst(%dma_wait3A_248 : memref<80xf32, #tpu.memory_space<hbm>>)
      %dma_wait3A_252 = arith.constant 0 : i32
      %dma_wait3A_253 = arith.constant 0 : i32
      %dma_wait3A_254 = tpu.memref_slice %arg5[%dma_wait3A_252, %dma_wait3A_253] : memref<8x3328xf32, #tpu.memory_space<vmem>> -> memref<1x80xf32, #tpu.memory_space<vmem>>
      %dma_wait3A_255 = tpu.memref_squeeze %dma_wait3A_254 : memref<1x80xf32, #tpu.memory_space<vmem>> -> memref<80xf32, #tpu.memory_space<vmem>>
      %dma_wait3A_256 = arith.constant 0 : i32
      %dma_wait3A_257 = tpu.memref_slice %arg4[%dma_wait3A_256] : memref<6400000xf32, #tpu.memory_space<hbm>> -> memref<80xf32, #tpu.memory_space<hbm>>
      %dma_wait3A_258 = arith.constant 0 : i32
      %dma_wait3A_259 = tpu.memref_slice %arg4[%dma_wait3A_258] : memref<6400000xf32, #tpu.memory_space<hbm>> -> memref<80xf32, #tpu.memory_space<hbm>>
      %dma_wait3A_260 = arith.constant 0 : i32
      %dma_wait3A_261 = tpu.memref_slice %arg5[%dma_wait3A_252, %dma_wait3A_260] : memref<8x3328xf32, #tpu.memory_space<vmem>> -> memref<1x80xf32, #tpu.memory_space<vmem>>
      %dma_wait3A_262 = tpu.memref_squeeze %dma_wait3A_261 : memref<1x80xf32, #tpu.memory_space<vmem>> -> memref<80xf32, #tpu.memory_space<vmem>>
      tpu.wait_dma2 semaphore(%arg6 : memref<!tpu.dma_semaphore, #tpu.memory_space<semaphore_mem>>) src(%dma_wait3A_262 : memref<80xf32, #tpu.memory_space<vmem>>) dst(%dma_wait3A_259 : memref<80xf32, #tpu.memory_space<hbm>>)
      %dma_wait3A_263 = arith.constant 0 : i32
      %dma_wait3A_264 = arith.constant 0 : i32
      %dma_wait3A_265 = tpu.memref_slice %arg5[%dma_wait3A_263, %dma_wait3A_264] : memref<8x3328xf32, #tpu.memory_space<vmem>> -> memref<1x80xf32, #tpu.memory_space<vmem>>
      %dma_wait3A_266 = tpu.memref_squeeze %dma_wait3A_265 : memref<1x80xf32, #tpu.memory_space<vmem>> -> memref<80xf32, #tpu.memory_space<vmem>>
      %dma_wait3A_267 = arith.constant 0 : i32
      %dma_wait3A_268 = tpu.memref_slice %arg4[%dma_wait3A_267] : memref<6400000xf32, #tpu.memory_space<hbm>> -> memref<80xf32, #tpu.memory_space<hbm>>
      %dma_wait3A_269 = arith.constant 0 : i32
      %dma_wait3A_270 = tpu.memref_slice %arg4[%dma_wait3A_269] : memref<6400000xf32, #tpu.memory_space<hbm>> -> memref<80xf32, #tpu.memory_space<hbm>>
      %dma_wait3A_271 = arith.constant 0 : i32
      %dma_wait3A_272 = tpu.memref_slice %arg5[%dma_wait3A_263, %dma_wait3A_271] : memref<8x3328xf32, #tpu.memory_space<vmem>> -> memref<1x80xf32, #tpu.memory_space<vmem>>
      %dma_wait3A_273 = tpu.memref_squeeze %dma_wait3A_272 : memref<1x80xf32, #tpu.memory_space<vmem>> -> memref<80xf32, #tpu.memory_space<vmem>>
      tpu.wait_dma2 semaphore(%arg6 : memref<!tpu.dma_semaphore, #tpu.memory_space<semaphore_mem>>) src(%dma_wait3A_273 : memref<80xf32, #tpu.memory_space<vmem>>) dst(%dma_wait3A_270 : memref<80xf32, #tpu.memory_space<hbm>>)
      %dma_wait3A_274 = arith.constant 0 : i32
      %dma_wait3A_275 = arith.constant 0 : i32
      %dma_wait3A_276 = tpu.memref_slice %arg5[%dma_wait3A_274, %dma_wait3A_275] : memref<8x3328xf32, #tpu.memory_space<vmem>> -> memref<1x80xf32, #tpu.memory_space<vmem>>
      %dma_wait3A_277 = tpu.memref_squeeze %dma_wait3A_276 : memref<1x80xf32, #tpu.memory_space<vmem>> -> memref<80xf32, #tpu.memory_space<vmem>>
      %dma_wait3A_278 = arith.constant 0 : i32
      %dma_wait3A_279 = tpu.memref_slice %arg4[%dma_wait3A_278] : memref<6400000xf32, #tpu.memory_space<hbm>> -> memref<80xf32, #tpu.memory_space<hbm>>
      %dma_wait3A_280 = arith.constant 0 : i32
      %dma_wait3A_281 = tpu.memref_slice %arg4[%dma_wait3A_280] : memref<6400000xf32, #tpu.memory_space<hbm>> -> memref<80xf32, #tpu.memory_space<hbm>>
      %dma_wait3A_282 = arith.constant 0 : i32
      %dma_wait3A_283 = tpu.memref_slice %arg5[%dma_wait3A_274, %dma_wait3A_282] : memref<8x3328xf32, #tpu.memory_space<vmem>> -> memref<1x80xf32, #tpu.memory_space<vmem>>
      %dma_wait3A_284 = tpu.memref_squeeze %dma_wait3A_283 : memref<1x80xf32, #tpu.memory_space<vmem>> -> memref<80xf32, #tpu.memory_space<vmem>>
      tpu.wait_dma2 semaphore(%arg6 : memref<!tpu.dma_semaphore, #tpu.memory_space<semaphore_mem>>) src(%dma_wait3A_284 : memref<80xf32, #tpu.memory_space<vmem>>) dst(%dma_wait3A_281 : memref<80xf32, #tpu.memory_space<hbm>>)
      %dma_wait3A_285 = arith.constant 0 : i32
      %dma_wait3A_286 = arith.constant 0 : i32
      %dma_wait3A_287 = tpu.memref_slice %arg5[%dma_wait3A_285, %dma_wait3A_286] : memref<8x3328xf32, #tpu.memory_space<vmem>> -> memref<1x80xf32, #tpu.memory_space<vmem>>
      %dma_wait3A_288 = tpu.memref_squeeze %dma_wait3A_287 : memref<1x80xf32, #tpu.memory_space<vmem>> -> memref<80xf32, #tpu.memory_space<vmem>>
      %dma_wait3A_289 = arith.constant 0 : i32
      %dma_wait3A_290 = tpu.memref_slice %arg4[%dma_wait3A_289] : memref<6400000xf32, #tpu.memory_space<hbm>> -> memref<80xf32, #tpu.memory_space<hbm>>
      %dma_wait3A_291 = arith.constant 0 : i32
      %dma_wait3A_292 = tpu.memref_slice %arg4[%dma_wait3A_291] : memref<6400000xf32, #tpu.memory_space<hbm>> -> memref<80xf32, #tpu.memory_space<hbm>>
      %dma_wait3A_293 = arith.constant 0 : i32
      %dma_wait3A_294 = tpu.memref_slice %arg5[%dma_wait3A_285, %dma_wait3A_293] : memref<8x3328xf32, #tpu.memory_space<vmem>> -> memref<1x80xf32, #tpu.memory_space<vmem>>
      %dma_wait3A_295 = tpu.memref_squeeze %dma_wait3A_294 : memref<1x80xf32, #tpu.memory_space<vmem>> -> memref<80xf32, #tpu.memory_space<vmem>>
      tpu.wait_dma2 semaphore(%arg6 : memref<!tpu.dma_semaphore, #tpu.memory_space<semaphore_mem>>) src(%dma_wait3A_295 : memref<80xf32, #tpu.memory_space<vmem>>) dst(%dma_wait3A_292 : memref<80xf32, #tpu.memory_space<hbm>>)
    } else {
    }
    return
  }
}

#map = affine_map<(d0, d1) -> (0)>
#map1 = affine_map<(d0, d1) -> (0, 0)>
module attributes {stable_mosaic.version = 14 : i64} {
  func.func @_cidx_body(%arg0: i32, %arg1: i32, %arg2: memref<50000xi32, #tpu.memory_space<hbm>>, %arg3: memref<512x512xi32, #tpu.memory_space<hbm>>, %arg4: memref<262144xi32, #tpu.memory_space<hbm>>, %arg5: memref<50000xi32, #tpu.memory_space<vmem>>, %arg6: memref<8x512xi32, #tpu.memory_space<vmem>>, %arg7: memref<4096xi32, #tpu.memory_space<vmem>>) attributes {dimension_semantics = [#tpu.dimension_semantics<core_parallel>, #tpu.dimension_semantics<subcore_parallel>], iteration_bounds = array<i64: 2, 16>, scalar_prefetch = 0 : i64, scratch_operands = 3 : i64, tpu.core_type = #tpu.core_type<sc_vector_subcore>, window_params = [{transform_indices = #map}, {transform_indices = #map1}, {transform_indices = #map}]} {
    %mul3A = arith.constant 2 : i32
    %mul3A_0 = arith.muli %arg1, %mul3A : i32
    %add3A = arith.addi %mul3A_0, %arg0 : i32
    "tpu.region"() ({
      %run_scoped3A = tpu.sem_alloc : memref<!tpu.dma_semaphore, #tpu.memory_space<semaphore_mem>>
      tpu.enqueue_dma source(%arg2 : memref<50000xi32, #tpu.memory_space<hbm>>) target(%arg5 : memref<50000xi32, #tpu.memory_space<vmem>>) target_semaphore(%run_scoped3A : memref<!tpu.dma_semaphore, #tpu.memory_space<semaphore_mem>>)
      tpu.wait_dma2 semaphore(%run_scoped3A : memref<!tpu.dma_semaphore, #tpu.memory_space<semaphore_mem>>) src(%arg2 : memref<50000xi32, #tpu.memory_space<hbm>>) dst(%arg5 : memref<50000xi32, #tpu.memory_space<vmem>>)
      tpu.yield
    }) : () -> ()
    %mul3A_1 = arith.constant 8192 : i32
    %mul3A_2 = arith.muli %add3A, %mul3A_1 : i32
    %add3A_3 = arith.constant 0 : i32
    %add3A_4 = arith.addi %mul3A_2, %add3A_3 : i32
    %jit3A = arith.constant 512 : i32
    %div3A = arith.divsi %add3A_4, %jit3A : i32
    %sign3A = arith.constant 0 : i32
    %sign3A_5 = arith.cmpi sgt, %add3A_4, %sign3A : i32
    %sign3A_6 = arith.extui %sign3A_5 : i1 to i32
    %sign3A_7 = arith.constant 0 : i32
    %sign3A_8 = arith.cmpi slt, %add3A_4, %sign3A_7 : i32
    %sign3A_9 = arith.extui %sign3A_8 : i1 to i32
    %sign3A_10 = arith.subi %sign3A_6, %sign3A_9 : i32
    %sign3A_11 = arith.constant 0 : i32
    %sign3A_12 = arith.cmpi sgt, %jit3A, %sign3A_11 : i32
    %sign3A_13 = arith.extui %sign3A_12 : i1 to i32
    %sign3A_14 = arith.constant 0 : i32
    %sign3A_15 = arith.cmpi slt, %jit3A, %sign3A_14 : i32
    %sign3A_16 = arith.extui %sign3A_15 : i1 to i32
    %sign3A_17 = arith.subi %sign3A_13, %sign3A_16 : i32
    %ne3A = arith.cmpi ne, %sign3A_10, %sign3A_17 : i32
    %rem3A = arith.remsi %add3A_4, %jit3A : i32
    %ne3A_18 = arith.constant 0 : i32
    %ne3A_19 = arith.cmpi ne, %rem3A, %ne3A_18 : i32
    %and3A = arith.andi %ne3A, %ne3A_19 : i1
    %sub3A = arith.constant 1 : i32
    %sub3A_20 = arith.subi %div3A, %sub3A : i32
    %select_n3A = arith.select %and3A, %sub3A_20, %div3A : i32
    %multiple_of3A = tpu.assume_multiple %select_n3A, 8 : i32
    "tpu.region"() ({
      %run_scoped3A = tpu.sem_alloc : memref<!tpu.dma_semaphore, #tpu.memory_space<semaphore_mem>>
      %dma_start3A = arith.constant 0 : i32
      %dma_start3A_55 = tpu.memref_slice %arg3[%multiple_of3A, %dma_start3A] : memref<512x512xi32, #tpu.memory_space<hbm>> -> memref<8x512xi32, #tpu.memory_space<hbm>>
      %dma_start3A_56 = arith.constant 0 : i32
      %dma_start3A_57 = tpu.memref_slice %arg3[%multiple_of3A, %dma_start3A_56] : memref<512x512xi32, #tpu.memory_space<hbm>> -> memref<8x512xi32, #tpu.memory_space<hbm>>
      tpu.enqueue_dma source(%dma_start3A_57 : memref<8x512xi32, #tpu.memory_space<hbm>>) target(%arg6 : memref<8x512xi32, #tpu.memory_space<vmem>>) target_semaphore(%run_scoped3A : memref<!tpu.dma_semaphore, #tpu.memory_space<semaphore_mem>>)
      %dma_wait3A = arith.constant 0 : i32
      %dma_wait3A_58 = tpu.memref_slice %arg3[%multiple_of3A, %dma_wait3A] : memref<512x512xi32, #tpu.memory_space<hbm>> -> memref<8x512xi32, #tpu.memory_space<hbm>>
      %dma_wait3A_59 = arith.constant 0 : i32
      %dma_wait3A_60 = tpu.memref_slice %arg3[%multiple_of3A, %dma_wait3A_59] : memref<512x512xi32, #tpu.memory_space<hbm>> -> memref<8x512xi32, #tpu.memory_space<hbm>>
      tpu.wait_dma2 semaphore(%run_scoped3A : memref<!tpu.dma_semaphore, #tpu.memory_space<semaphore_mem>>) src(%dma_wait3A_60 : memref<8x512xi32, #tpu.memory_space<hbm>>) dst(%arg6 : memref<8x512xi32, #tpu.memory_space<vmem>>)
      tpu.yield
    }) : () -> ()
    %parallel_loop3A = arith.constant 0 : i32
    %parallel_loop3A_21 = arith.constant 256 : i32
    %parallel_loop3A_22 = arith.constant 1 : i32
    scf.for %parallel_loop3A_55 = %parallel_loop3A to %parallel_loop3A_21 step %parallel_loop3A_22  : i32 {
      %parallel_loop3A_56 = arith.constant 32 : i32
      %parallel_loop3A_57 = arith.divsi %parallel_loop3A_55, %parallel_loop3A_56 : i32
      %parallel_loop3A_58 = arith.constant 0 : i32
      %parallel_loop3A_59 = arith.cmpi sgt, %parallel_loop3A_55, %parallel_loop3A_58 : i32
      %parallel_loop3A_60 = arith.extui %parallel_loop3A_59 : i1 to i32
      %parallel_loop3A_61 = arith.constant 0 : i32
      %parallel_loop3A_62 = arith.cmpi slt, %parallel_loop3A_55, %parallel_loop3A_61 : i32
      %parallel_loop3A_63 = arith.extui %parallel_loop3A_62 : i1 to i32
      %parallel_loop3A_64 = arith.subi %parallel_loop3A_60, %parallel_loop3A_63 : i32
      %parallel_loop3A_65 = arith.constant 0 : i32
      %parallel_loop3A_66 = arith.cmpi sgt, %parallel_loop3A_56, %parallel_loop3A_65 : i32
      %parallel_loop3A_67 = arith.extui %parallel_loop3A_66 : i1 to i32
      %parallel_loop3A_68 = arith.constant 0 : i32
      %parallel_loop3A_69 = arith.cmpi slt, %parallel_loop3A_56, %parallel_loop3A_68 : i32
      %parallel_loop3A_70 = arith.extui %parallel_loop3A_69 : i1 to i32
      %parallel_loop3A_71 = arith.subi %parallel_loop3A_67, %parallel_loop3A_70 : i32
      %parallel_loop3A_72 = arith.cmpi ne, %parallel_loop3A_64, %parallel_loop3A_71 : i32
      %parallel_loop3A_73 = arith.remsi %parallel_loop3A_55, %parallel_loop3A_56 : i32
      %parallel_loop3A_74 = arith.constant 0 : i32
      %parallel_loop3A_75 = arith.cmpi ne, %parallel_loop3A_73, %parallel_loop3A_74 : i32
      %parallel_loop3A_76 = arith.andi %parallel_loop3A_72, %parallel_loop3A_75 : i1
      %parallel_loop3A_77 = arith.constant 1 : i32
      %parallel_loop3A_78 = arith.subi %parallel_loop3A_57, %parallel_loop3A_77 : i32
      %parallel_loop3A_79 = arith.select %parallel_loop3A_76, %parallel_loop3A_78, %parallel_loop3A_57 : i32
      %parallel_loop3A_80 = arith.constant 32 : i32
      %parallel_loop3A_81 = arith.constant 0 : i32
      %parallel_loop3A_82 = arith.cmpi eq, %parallel_loop3A_80, %parallel_loop3A_81 : i32
      %parallel_loop3A_83 = arith.constant 1 : i32
      %parallel_loop3A_84 = arith.select %parallel_loop3A_82, %parallel_loop3A_83, %parallel_loop3A_80 : i32
      %parallel_loop3A_85 = arith.remsi %parallel_loop3A_55, %parallel_loop3A_84 : i32
      %parallel_loop3A_86 = arith.constant 0 : i32
      %parallel_loop3A_87 = arith.cmpi ne, %parallel_loop3A_85, %parallel_loop3A_86 : i32
      %parallel_loop3A_88 = arith.constant 0 : i32
      %parallel_loop3A_89 = arith.cmpi slt, %parallel_loop3A_85, %parallel_loop3A_88 : i32
      %parallel_loop3A_90 = arith.constant 0 : i32
      %parallel_loop3A_91 = arith.cmpi slt, %parallel_loop3A_84, %parallel_loop3A_90 : i32
      %parallel_loop3A_92 = arith.xori %parallel_loop3A_89, %parallel_loop3A_91 : i1
      %parallel_loop3A_93 = arith.andi %parallel_loop3A_92, %parallel_loop3A_87 : i1
      %parallel_loop3A_94 = arith.addi %parallel_loop3A_85, %parallel_loop3A_84 : i32
      %parallel_loop3A_95 = arith.select %parallel_loop3A_93, %parallel_loop3A_94, %parallel_loop3A_85 : i32
      %parallel_loop3A_96 = arith.constant 16 : i32
      %parallel_loop3A_97 = arith.muli %parallel_loop3A_95, %parallel_loop3A_96 : i32
      %parallel_loop3A_98 = arith.index_cast %parallel_loop3A_79 : i32 to index
      %parallel_loop3A_99 = arith.index_cast %parallel_loop3A_97 : i32 to index
      %parallel_loop3A_100 = tpu.vector_load %arg6[%parallel_loop3A_98, %parallel_loop3A_99] {strides = array<i32>} : memref<8x512xi32, #tpu.memory_space<vmem>>, vector<16xi32>,
      %parallel_loop3A_101 = tpu.vector_load_idx %arg5[%parallel_loop3A_100] : memref<50000xi32, #tpu.memory_space<vmem>>[vector<16xi32>], vector<16xi32>,
      %parallel_loop3A_102 = arith.constant 16 : i32
      %parallel_loop3A_103 = arith.muli %parallel_loop3A_55, %parallel_loop3A_102 : i32
      %parallel_loop3A_104 = arith.index_cast %parallel_loop3A_103 : i32 to index
      %parallel_loop3A_105 = tpu.vector_load %arg7[%parallel_loop3A_104] {strides = array<i32>} : memref<4096xi32, #tpu.memory_space<vmem>>, vector<16xi32>,
      tpu.vector_store %arg7[%parallel_loop3A_104], %parallel_loop3A_101 {strides = array<i32>} : memref<4096xi32, #tpu.memory_space<vmem>>, vector<16xi32>,
    } {sc.loop_unroll_factor = 8 : i64, sc.parallel_access}
    "tpu.region"() ({
      %run_scoped3A = tpu.sem_alloc : memref<!tpu.dma_semaphore, #tpu.memory_space<semaphore_mem>>
      %dma_start3A = tpu.memref_slice %arg4[%add3A_4] : memref<262144xi32, #tpu.memory_space<hbm>> -> memref<4096xi32, #tpu.memory_space<hbm>>
      %dma_start3A_55 = tpu.memref_slice %arg4[%add3A_4] : memref<262144xi32, #tpu.memory_space<hbm>> -> memref<4096xi32, #tpu.memory_space<hbm>>
      tpu.enqueue_dma source(%arg7 : memref<4096xi32, #tpu.memory_space<vmem>>) target(%dma_start3A_55 : memref<4096xi32, #tpu.memory_space<hbm>>) target_semaphore(%run_scoped3A : memref<!tpu.dma_semaphore, #tpu.memory_space<semaphore_mem>>)
      %dma_wait3A = tpu.memref_slice %arg4[%add3A_4] : memref<262144xi32, #tpu.memory_space<hbm>> -> memref<4096xi32, #tpu.memory_space<hbm>>
      %dma_wait3A_56 = tpu.memref_slice %arg4[%add3A_4] : memref<262144xi32, #tpu.memory_space<hbm>> -> memref<4096xi32, #tpu.memory_space<hbm>>
      tpu.wait_dma2 semaphore(%run_scoped3A : memref<!tpu.dma_semaphore, #tpu.memory_space<semaphore_mem>>) src(%arg7 : memref<4096xi32, #tpu.memory_space<vmem>>) dst(%dma_wait3A_56 : memref<4096xi32, #tpu.memory_space<hbm>>)
      tpu.yield
    }) : () -> ()
    %mul3A_23 = arith.constant 8192 : i32
    %mul3A_24 = arith.muli %add3A, %mul3A_23 : i32
    %add3A_25 = arith.constant 4096 : i32
    %add3A_26 = arith.addi %mul3A_24, %add3A_25 : i32
    %jit3A_27 = arith.constant 512 : i32
    %div3A_28 = arith.divsi %add3A_26, %jit3A_27 : i32
    %sign3A_29 = arith.constant 0 : i32
    %sign3A_30 = arith.cmpi sgt, %add3A_26, %sign3A_29 : i32
    %sign3A_31 = arith.extui %sign3A_30 : i1 to i32
    %sign3A_32 = arith.constant 0 : i32
    %sign3A_33 = arith.cmpi slt, %add3A_26, %sign3A_32 : i32
    %sign3A_34 = arith.extui %sign3A_33 : i1 to i32
    %sign3A_35 = arith.subi %sign3A_31, %sign3A_34 : i32
    %sign3A_36 = arith.constant 0 : i32
    %sign3A_37 = arith.cmpi sgt, %jit3A_27, %sign3A_36 : i32
    %sign3A_38 = arith.extui %sign3A_37 : i1 to i32
    %sign3A_39 = arith.constant 0 : i32
    %sign3A_40 = arith.cmpi slt, %jit3A_27, %sign3A_39 : i32
    %sign3A_41 = arith.extui %sign3A_40 : i1 to i32
    %sign3A_42 = arith.subi %sign3A_38, %sign3A_41 : i32
    %ne3A_43 = arith.cmpi ne, %sign3A_35, %sign3A_42 : i32
    %rem3A_44 = arith.remsi %add3A_26, %jit3A_27 : i32
    %ne3A_45 = arith.constant 0 : i32
    %ne3A_46 = arith.cmpi ne, %rem3A_44, %ne3A_45 : i32
    %and3A_47 = arith.andi %ne3A_43, %ne3A_46 : i1
    %sub3A_48 = arith.constant 1 : i32
    %sub3A_49 = arith.subi %div3A_28, %sub3A_48 : i32
    %select_n3A_50 = arith.select %and3A_47, %sub3A_49, %div3A_28 : i32
    %multiple_of3A_51 = tpu.assume_multiple %select_n3A_50, 8 : i32
    "tpu.region"() ({
      %run_scoped3A = tpu.sem_alloc : memref<!tpu.dma_semaphore, #tpu.memory_space<semaphore_mem>>
      %dma_start3A = arith.constant 0 : i32
      %dma_start3A_55 = tpu.memref_slice %arg3[%multiple_of3A_51, %dma_start3A] : memref<512x512xi32, #tpu.memory_space<hbm>> -> memref<8x512xi32, #tpu.memory_space<hbm>>
      %dma_start3A_56 = arith.constant 0 : i32
      %dma_start3A_57 = tpu.memref_slice %arg3[%multiple_of3A_51, %dma_start3A_56] : memref<512x512xi32, #tpu.memory_space<hbm>> -> memref<8x512xi32, #tpu.memory_space<hbm>>
      tpu.enqueue_dma source(%dma_start3A_57 : memref<8x512xi32, #tpu.memory_space<hbm>>) target(%arg6 : memref<8x512xi32, #tpu.memory_space<vmem>>) target_semaphore(%run_scoped3A : memref<!tpu.dma_semaphore, #tpu.memory_space<semaphore_mem>>)
      %dma_wait3A = arith.constant 0 : i32
      %dma_wait3A_58 = tpu.memref_slice %arg3[%multiple_of3A_51, %dma_wait3A] : memref<512x512xi32, #tpu.memory_space<hbm>> -> memref<8x512xi32, #tpu.memory_space<hbm>>
      %dma_wait3A_59 = arith.constant 0 : i32
      %dma_wait3A_60 = tpu.memref_slice %arg3[%multiple_of3A_51, %dma_wait3A_59] : memref<512x512xi32, #tpu.memory_space<hbm>> -> memref<8x512xi32, #tpu.memory_space<hbm>>
      tpu.wait_dma2 semaphore(%run_scoped3A : memref<!tpu.dma_semaphore, #tpu.memory_space<semaphore_mem>>) src(%dma_wait3A_60 : memref<8x512xi32, #tpu.memory_space<hbm>>) dst(%arg6 : memref<8x512xi32, #tpu.memory_space<vmem>>)
      tpu.yield
    }) : () -> ()
    %parallel_loop3A_52 = arith.constant 0 : i32
    %parallel_loop3A_53 = arith.constant 256 : i32
    %parallel_loop3A_54 = arith.constant 1 : i32
    scf.for %parallel_loop3A_55 = %parallel_loop3A_52 to %parallel_loop3A_53 step %parallel_loop3A_54  : i32 {
      %parallel_loop3A_56 = arith.constant 32 : i32
      %parallel_loop3A_57 = arith.divsi %parallel_loop3A_55, %parallel_loop3A_56 : i32
      %parallel_loop3A_58 = arith.constant 0 : i32
      %parallel_loop3A_59 = arith.cmpi sgt, %parallel_loop3A_55, %parallel_loop3A_58 : i32
      %parallel_loop3A_60 = arith.extui %parallel_loop3A_59 : i1 to i32
      %parallel_loop3A_61 = arith.constant 0 : i32
      %parallel_loop3A_62 = arith.cmpi slt, %parallel_loop3A_55, %parallel_loop3A_61 : i32
      %parallel_loop3A_63 = arith.extui %parallel_loop3A_62 : i1 to i32
      %parallel_loop3A_64 = arith.subi %parallel_loop3A_60, %parallel_loop3A_63 : i32
      %parallel_loop3A_65 = arith.constant 0 : i32
      %parallel_loop3A_66 = arith.cmpi sgt, %parallel_loop3A_56, %parallel_loop3A_65 : i32
      %parallel_loop3A_67 = arith.extui %parallel_loop3A_66 : i1 to i32
      %parallel_loop3A_68 = arith.constant 0 : i32
      %parallel_loop3A_69 = arith.cmpi slt, %parallel_loop3A_56, %parallel_loop3A_68 : i32
      %parallel_loop3A_70 = arith.extui %parallel_loop3A_69 : i1 to i32
      %parallel_loop3A_71 = arith.subi %parallel_loop3A_67, %parallel_loop3A_70 : i32
      %parallel_loop3A_72 = arith.cmpi ne, %parallel_loop3A_64, %parallel_loop3A_71 : i32
      %parallel_loop3A_73 = arith.remsi %parallel_loop3A_55, %parallel_loop3A_56 : i32
      %parallel_loop3A_74 = arith.constant 0 : i32
      %parallel_loop3A_75 = arith.cmpi ne, %parallel_loop3A_73, %parallel_loop3A_74 : i32
      %parallel_loop3A_76 = arith.andi %parallel_loop3A_72, %parallel_loop3A_75 : i1
      %parallel_loop3A_77 = arith.constant 1 : i32
      %parallel_loop3A_78 = arith.subi %parallel_loop3A_57, %parallel_loop3A_77 : i32
      %parallel_loop3A_79 = arith.select %parallel_loop3A_76, %parallel_loop3A_78, %parallel_loop3A_57 : i32
      %parallel_loop3A_80 = arith.constant 32 : i32
      %parallel_loop3A_81 = arith.constant 0 : i32
      %parallel_loop3A_82 = arith.cmpi eq, %parallel_loop3A_80, %parallel_loop3A_81 : i32
      %parallel_loop3A_83 = arith.constant 1 : i32
      %parallel_loop3A_84 = arith.select %parallel_loop3A_82, %parallel_loop3A_83, %parallel_loop3A_80 : i32
      %parallel_loop3A_85 = arith.remsi %parallel_loop3A_55, %parallel_loop3A_84 : i32
      %parallel_loop3A_86 = arith.constant 0 : i32
      %parallel_loop3A_87 = arith.cmpi ne, %parallel_loop3A_85, %parallel_loop3A_86 : i32
      %parallel_loop3A_88 = arith.constant 0 : i32
      %parallel_loop3A_89 = arith.cmpi slt, %parallel_loop3A_85, %parallel_loop3A_88 : i32
      %parallel_loop3A_90 = arith.constant 0 : i32
      %parallel_loop3A_91 = arith.cmpi slt, %parallel_loop3A_84, %parallel_loop3A_90 : i32
      %parallel_loop3A_92 = arith.xori %parallel_loop3A_89, %parallel_loop3A_91 : i1
      %parallel_loop3A_93 = arith.andi %parallel_loop3A_92, %parallel_loop3A_87 : i1
      %parallel_loop3A_94 = arith.addi %parallel_loop3A_85, %parallel_loop3A_84 : i32
      %parallel_loop3A_95 = arith.select %parallel_loop3A_93, %parallel_loop3A_94, %parallel_loop3A_85 : i32
      %parallel_loop3A_96 = arith.constant 16 : i32
      %parallel_loop3A_97 = arith.muli %parallel_loop3A_95, %parallel_loop3A_96 : i32
      %parallel_loop3A_98 = arith.index_cast %parallel_loop3A_79 : i32 to index
      %parallel_loop3A_99 = arith.index_cast %parallel_loop3A_97 : i32 to index
      %parallel_loop3A_100 = tpu.vector_load %arg6[%parallel_loop3A_98, %parallel_loop3A_99] {strides = array<i32>} : memref<8x512xi32, #tpu.memory_space<vmem>>, vector<16xi32>,
      %parallel_loop3A_101 = tpu.vector_load_idx %arg5[%parallel_loop3A_100] : memref<50000xi32, #tpu.memory_space<vmem>>[vector<16xi32>], vector<16xi32>,
      %parallel_loop3A_102 = arith.constant 16 : i32
      %parallel_loop3A_103 = arith.muli %parallel_loop3A_55, %parallel_loop3A_102 : i32
      %parallel_loop3A_104 = arith.index_cast %parallel_loop3A_103 : i32 to index
      %parallel_loop3A_105 = tpu.vector_load %arg7[%parallel_loop3A_104] {strides = array<i32>} : memref<4096xi32, #tpu.memory_space<vmem>>, vector<16xi32>,
      tpu.vector_store %arg7[%parallel_loop3A_104], %parallel_loop3A_101 {strides = array<i32>} : memref<4096xi32, #tpu.memory_space<vmem>>, vector<16xi32>,
    } {sc.loop_unroll_factor = 8 : i64, sc.parallel_access}
    "tpu.region"() ({
      %run_scoped3A = tpu.sem_alloc : memref<!tpu.dma_semaphore, #tpu.memory_space<semaphore_mem>>
      %dma_start3A = tpu.memref_slice %arg4[%add3A_26] : memref<262144xi32, #tpu.memory_space<hbm>> -> memref<4096xi32, #tpu.memory_space<hbm>>
      %dma_start3A_55 = tpu.memref_slice %arg4[%add3A_26] : memref<262144xi32, #tpu.memory_space<hbm>> -> memref<4096xi32, #tpu.memory_space<hbm>>
      tpu.enqueue_dma source(%arg7 : memref<4096xi32, #tpu.memory_space<vmem>>) target(%dma_start3A_55 : memref<4096xi32, #tpu.memory_space<hbm>>) target_semaphore(%run_scoped3A : memref<!tpu.dma_semaphore, #tpu.memory_space<semaphore_mem>>)
      %dma_wait3A = tpu.memref_slice %arg4[%add3A_26] : memref<262144xi32, #tpu.memory_space<hbm>> -> memref<4096xi32, #tpu.memory_space<hbm>>
      %dma_wait3A_56 = tpu.memref_slice %arg4[%add3A_26] : memref<262144xi32, #tpu.memory_space<hbm>> -> memref<4096xi32, #tpu.memory_space<hbm>>
      tpu.wait_dma2 semaphore(%run_scoped3A : memref<!tpu.dma_semaphore, #tpu.memory_space<semaphore_mem>>) src(%arg7 : memref<4096xi32, #tpu.memory_space<vmem>>) dst(%dma_wait3A_56 : memref<4096xi32, #tpu.memory_space<hbm>>)
      tpu.yield
    }) : () -> ()
    return
  }
}

</mosaic_0001>

<sc_bundles>
// kernel: kernel.11.cloned.1.call-start
scs
__scs_entry_jumppad:
0x0: {  	(pc) =	sbr.rel $0x88, $3  }
0x1: {  	(tag) =	ssettag $0x0;
	lr =	simm.s32 $0x1  }
0x2: {  	[smem:$0x3F9E] =	sst lr;
	_ =	strace $0xD0000000  }
0x3: {  	_ = 	snop  }
0x4: {  	_ = 	snop  }
0x5: {  	_ = 	snop  }
0x6: {  	_ = 	snop  }
0x7: {  	_ = 	snop  }
__scs_overlays_trampoline_lowered:
0x8: {  	[smem:$0x3FAD] =	sst s0  }
0x9: {  	[smem:$0x3FAE] =	sst s1  }
0xa: {  	[smem:$0x3FAF] =	sst s2  }
0xb: {  	[smem:$0x3FB0] =	sst s3  }
0xc: {  	[smem:$0x3FB1] =	sst s4  }
0xd: {  	[smem:$0x3FB2] =	sst s5  }
0xe: {  	[smem:$0x3FB3] =	sst s6  }
0xf: {  	[smem:$0x3FB4] =	sst s7  }
0x10: {  	[smem:$0x3FB5] =	sst s8  }
0x11: {  	[smem:$0x3FB6] =	sst s9;
	s0 =	simm.s32 @!p0 $0x0  }
0x12: {  	s1 =	sld [smem:$0x3F9C];
	s0 =	simm.s32 @p0 $0x1  }
0x13: {  	[smem:$0x3FB7] =	sst s0;
	s0 =	simm.s32 @!p1 $0x0  }
0x14: {  	s2 =	sld [smem:$0x3F9B];
	s0 =	simm.s32 @p1 $0x1  }
0x15: {  	[smem:$0x3FB8] =	sst s0;
	s0 =	simm.s32 @!p2 $0x0  }
0x16: {  	s3 =	sld [smem:$0x3FDB];
	s0 =	simm.s32 @p2 $0x1  }
0x17: {  	s4 =	simm.s32 $0x1BF5;
	[smem:$0x3FBA] =	sst s0  }
0x18: {  	s0 =	sld [smem:$0x3F9D];
	_ =	swait.ge [sflag:s4], $0x0  }
0x19: {  	s7 =	sld [smem:$0x3F9E]  }
0x1a: {  	s8 =	sadd.s32 $0xFFFFE003, lr  }
0x1b: {  	s9 =	sadd.s32 $0xFFFFFEF7, lr;
	s5 =	simm.s32 $0xFFFFFFFF;
	p2 =	slt.u32 s8, $0xFFFFF086  }
0x1c: {  	p1 =	slt.u32 s9, $0xF7A;
	s5 =	simm.s32 @!p2 $0x0  }
0x1d: {  	s5 =	simm.s32 @p1 $0x1;
	p0 =	seq.s32 s7, s2  }
0x1e: {  	s7 =	smul.u32 @!p0 $0xF7A, s2;
	p2 =	seq.s32 @!p0 s5, $0x0  }
0x1f: {  	s9 =	smul.u32 $0xF7A, s1;
	s8 =	simm.s32 @!p0 $0x1BF5;
	p2 =	por !p2, p0  }
0x20: {  	[sflag:s8] =	ssyncset.s32 @!p0 $0xFFFFF086;
	s6 =	sadd.s32 @!p0 s3, s7;
	s7 =	simm.s32 @!p0 $0x108  }
0x21: {  	s3 =	sadd.s32 s3, s9;
	s6 =	sadd.s32 @!p0 $0x88, s6;
	s7 =	simm.s32 @p2 $0x1082  }
0x22: {  	[simem:s7], [sflag:s8] =	dma.local @!p0 [hbm:s6], $0xF7A  }
0x23: {  	s9 =	sor.u32 $0xD0000000, s2;
	s6 =	simm.s32 $0x108;
	_ =	swait.ge @!p0 [sflag:s8], $0x0  }
0x24: {  	s3 =	sadd.s32 $0x88, s3;
	s6 =	simm.s32 @!p1 $0x1082;
	[sflag:s4] =	ssyncset.s32 $0xFFFFF086  }
0x25: {  	[simem:s6], [sflag:s4] =	dma.local [hbm:s3], $0xF7A  }
0x26: {  	[smem:$0x3F9E] =	sst s1;
	(tag) =	ssettag s2;
	_ =	strace s9  }
0x27: {  	s1 =	sld [smem:$0x3FAE]  }
0x28: {  	s2 =	sld [smem:$0x3FAF]  }
0x29: {  	s4 =	sld [smem:$0x3FB1]  }
0x2a: {  	p0 =	seq.s32 s5, $0x0;
	s5 =	sld [smem:$0x3FB2]  }
0x2b: {  	s6 =	sld [smem:$0x3FB3]  }
0x2c: {  	s7 =	sld [smem:$0x3FB4]  }
0x2d: {  	s3 =	simm.s32 $0x108;
	s8 =	sld [smem:$0x3FB5]  }
0x2e: {  	s3 =	simm.s32 @!p0 $0x1082;
	s9 =	sld [smem:$0x3FB6]  }
0x2f: {  	lr =	sadd.s32 s0, s3;
	s0 =	sld [smem:$0x3FAD]  }
0x30: {  	s3 =	sld [smem:$0x3FB0]  }
0x31: {  	[smem:$0x3FB9] =	sst s10  }
0x32: {  	s10 =	sld [smem:$0x3FB7];
	_ =	sdelay $0x3  }
0x33: {  	p0 =	seq.s32 s10, $0x1;
	s10 =	sld [smem:$0x3FB9];
	_ =	sdelay $0x3  }
0x34: {  	[smem:$0x3FB9] =	sst s10  }
0x35: {  	s10 =	sld [smem:$0x3FB8];
	_ =	sdelay $0x3  }
0x36: {  	p1 =	seq.s32 s10, $0x1;
	s10 =	sld [smem:$0x3FB9];
	_ =	sdelay $0x3  }
0x37: {  	[smem:$0x3FB9] =	sst s10  }
0x38: {  	s10 =	sld [smem:$0x3FBA]  }
0x39: {  	_ = 	snop;
	(pc) =	sbr.ind lr, $3  }
0x3a: {  	_ = 	snop  }
0x3b: {  	_ = 	snop  }
0x3c: {  	p2 =	seq.s32 s10, $0x1;
	s10 =	sld [smem:$0x3FB9]  }
0x3d: {  	_ =	shalt  }
0x3e: {  	_ =	shalt  }
0x3f: {  	_ =	shalt  }
0x40: {  	_ =	shalt  }
0x41: {  	_ =	shalt  }
0x42: {  	_ =	shalt  }
0x43: {  	_ =	shalt  }
0x44: {  	_ =	shalt  }
0x45: {  	_ =	shalt  }
0x46: {  	_ =	shalt  }
0x47: {  	_ =	shalt  }
0x48: {  	_ =	shalt  }
0x49: {  	_ =	shalt  }
0x4a: {  	_ =	shalt  }
0x4b: {  	_ =	shalt  }
0x4c: {  	_ =	shalt  }
0x4d: {  	_ =	shalt  }
0x4e: {  	_ =	shalt  }
0x4f: {  	_ =	shalt  }
0x50: {  	_ =	shalt  }
0x51: {  	_ =	shalt  }
0x52: {  	_ =	shalt  }
0x53: {  	_ =	shalt  }
0x54: {  	_ =	shalt  }
0x55: {  	_ =	shalt  }
0x56: {  	_ =	shalt  }
0x57: {  	_ =	shalt  }
0x58: {  	_ =	shalt  }
0x59: {  	_ =	shalt  }
0x5a: {  	_ =	shalt  }
0x5b: {  	_ =	shalt  }
0x5c: {  	_ =	shalt  }
0x5d: {  	_ =	shalt  }
0x5e: {  	_ =	shalt  }
0x5f: {  	_ =	shalt  }
0x60: {  	_ =	shalt  }
0x61: {  	_ =	shalt  }
0x62: {  	_ =	shalt  }
0x63: {  	_ =	shalt  }
0x64: {  	_ =	shalt  }
0x65: {  	_ =	shalt  }
0x66: {  	_ =	shalt  }
0x67: {  	_ =	shalt  }
0x68: {  	_ =	shalt  }
0x69: {  	_ =	shalt  }
0x6a: {  	_ =	shalt  }
0x6b: {  	_ =	shalt  }
0x6c: {  	_ =	shalt  }
0x6d: {  	_ =	shalt  }
0x6e: {  	_ =	shalt  }
0x6f: {  	_ =	shalt  }
0x70: {  	_ =	shalt  }
0x71: {  	_ =	shalt  }
0x72: {  	_ =	shalt  }
0x73: {  	_ =	shalt  }
0x74: {  	_ =	shalt  }
0x75: {  	_ =	shalt  }
0x76: {  	_ =	shalt  }
0x77: {  	_ =	shalt  }
0x78: {  	_ =	shalt  }
0x79: {  	_ =	shalt  }
0x7a: {  	_ =	shalt  }
0x7b: {  	_ =	shalt  }
0x7c: {  	_ =	shalt  }
0x7d: {  	_ =	shalt  }
0x7e: {  	_ =	shalt  }
0x7f: {  	_ =	shalt  }
0x80: {  	_ =	shalt  }
0x81: {  	_ =	shalt  }
0x82: {  	_ =	shalt  }
0x83: {  	_ =	shalt  }
0x84: {  	_ =	shalt  }
0x85: {  	_ =	shalt  }
0x86: {  	_ =	shalt  }
0x87: {  	_ =	shalt  }
.Lfunc_end0:
.L_simem_size_0:
called_computation.2_lowered:
.L_overlay_start_0:
0x88: {  	s2 =	sld [smem:$0x3FD9]  }
0x89: {  	s3 =	sld [smem:$0x3FFE];
	_ =	sdelay $0x1  }
0x8a: {  	s1 =	srdreg.scid  }
0x8b: {  	s0 =	sand.u32 $0x1, s1  }
0x8c: {  	s16 =	sshll.u32 s0, $0xA;
	s2 =	sadd.s32 s3, s2  }
0x8d: {  	s2 =	sadd.s32 s2, s16  }
0x8e: {  	[smem:$0x3FC5] =	sst s2  }
0x8f: {  	_ = 	snop  }
0x90: {  	(tm) =	ssettm $0x1  }
0x91: {  	s17 =	sld [smem:$0x3FFB];
	_ =	sdelay $0x3  }
0x92: {  	_ =	strace s17  }
0x93: {  	s2 =	sld [smem:$0x3FFC];
	_ =	sdelay $0x3  }
0x94: {  	_ =	strace s2  }
0x95: {  	s2 =	sld [smem:$0x3FFD];
	_ =	sdelay $0x3  }
0x96: {  	_ =	strace s2  }
0x97: {  	_ =	strace $0x8FFFFFFF  }
0x98: {  	s18 =	sld [smem:$0x3FDB];
	_ =	sdelay $0x1  }
0x99: {  	s19 =	simm.s32 $_scs_section_size  }
0x9a: {  	s4 =	simm.s32 $_size__tile_overlayer_lowered;
	s5 =	simm.s32 $_tile_overlayer_lowered  }
0x9b: {  	s22 =	simm.s32 $0x1BFF;
	s21 =	sshll.u32 s5, $0x1;
	s2 =	sadd.s32 s19, s18  }
0x9c: {  	s6 =	simm.s32 $0x0;
	s20 =	sshll.u32 s4, $0x1;
	s4 =	sadd.s32 s21, s2  }
0x9d: {  	[timem:s6], [sflag:s22] =	dma.local [hbm:s4], s20  }
0x9e: {  	_ =	swait.ge [sflag:s22], s20  }
0x9f: {  	s3 =	ssub.s32 $0x0, s20;
	[sflag:s22] =	ssyncset.done $0x0  }
0xa0: {  	[sflag:s22] =	ssyncadd.s32 s3;
	_ =	sdelay $0x1  }
0xa1: {  	s23 =	simm.s32 $0x1B8B  }
0xa2: {  	_ =	swait.ge [sflag:s23], $0x1  }
0xa3: {  	[sflag:s23] =	ssyncset.done $0x0  }
0xa4: {  	s25 =	simm.s32 $0x1B8E;
	s24 =	sld [smem:$0x3FFE];
	[sflag:s23] =	ssyncadd.s32 $0xFFFFFFFF  }
0xa5: {  	s26 =	simm.s32 $execute0_lowered;
	[smem:$0x3FD2] =	sst s25  }
0xa6: {  	s4 =	sshll.u32 s26, $0x1;
	_ =	strace $0x8000004C;
	[dreg:$0x1] =	wrdreg $0xFFFFFFFF  }
0xa7: {  	s28 =	simm.s32 $_size_execute0_lowered;
	s2 =	sadd.s32 s2, s4;
	[dreg:$0x0] =	wrdreg $0x0  }
0xa8: {  	s4 =	sshll.u32 s28, $0x1;
	[dreg:$0x2] =	wrdreg s2  }
0xa9: {  	[dreg:$0x3] =	wrdreg s4  }
0xaa: {  	[dreg:$0x4] =	wrdreg $0xC0  }
0xab: {  	_ =	task [dreg:s6], $0x5FFFF  }
0xac: {  	[dreg:$0x1] =	wrdreg $0xFFFFFFFF  }
0xad: {  	[dreg:$0x0] =	wrdreg $0x60  }
0xae: {  	[dreg:$0x2] =	wrdreg s24  }
0xaf: {  	[dreg:$0x3] =	wrdreg $0x9  }
0xb0: {  	_ =	task.clear_ibuf [dreg:s6], $0x4FFFF;
	_ =	strace $0x9000004C  }
0xb1: {  	s29 =	simm.s32 $0x9;
	_ =	strace $0x8000004E  }
0xb2: {  	_ =	swait.ge [sflag:s29], $0x1  }
0xb3: {  	[sflag:s29] =	ssyncadd.s32 $0xFFFFFFFF  }
0xb4: {  	_ =	strace $0x9000004E  }
0xb5: {  	_ =	sfence  }
0xb6: {  	s30 =	sld [smem:$0x0];
	_ =	sdelay $0x2  }
0xb7: {  	s31 =	sshll.u32 s1, $0xD;
	s1 =	sshrl.u32 s1, $0x2  }
0xb8: {  	s3 =	sand.u32 $0x4000, s31;
	s1 =	sadd.s32 s1, s30  }
0xb9: {  	s0 =	sor.u32 s3, s0;
	s1 =	sshll.u32 s1, $0x11  }
0xba: {  	s0 =	sor.u32 s1, s0  }
0xbb: {  	s0 =	sadd.s32 $0x8F2B, s0  }
0xbc: {  	[sflag:s0] =	ssyncadd.remote.s32 $0x1  }
0xbd: {  	_ =	sfence.sel $0xFFFF  }
0xbe: {  	[dreg:$0x0] =	wrdreg $0xFFFFFFFF;
	(pc) =	sbr.abs _section_cstart, $3  }
0xbf: {  	[dreg:$0x1] =	wrdreg $0xFFFFFFFF  }
0xc0: {  	_ =	task.clear_ibuf [dreg:s6], $0x2FFFF;
	_ =	strace $0x9FFFFFFF  }
0xc1: {  	(tm) =	ssettm $0x7FFFFFFF  }
tec
execute0_lowered:
.L_overlay_start_1:
0x0: {  	(tag) =	ssettag $0x1  }
0x1: {  	s0 =	rddreg [dreg:$0x0];
	s2 =	simm.s32 $0x0;
	s1 =	srdreg.scid  }
0x2: {  	s10 =	stileid.u32;
	[smem:$0x7FF] =	sst s2;
	s1 =	sand.u32 $0x1, s1  }
0x3: {  	s3 =	sshll.u32 s10, $0x1;
	s6 =	sadd.s32 $0x11200, s0;
	s20 =	sadd.s32 $0x8C00, s0  }
0x4: {  	s4 =	sadd.s32 $0xD4800, s0;
	s24 =	sshll.u32 s10, $0x15;
	s0 =	sadd.s32 $0x9000, s0  }
0x5: {  	_ =	strace $0x8000004D;
	s5 =	sor.u32 s1, s3;
	s1 =	ssub.s32 $0x2, s1  }
0x6: {  	[dreg:$0x2] =	wrdreg s20;
	s7 =	smul.u32 $0x30D40, s5;
	s8 =	sshrl.u32 s1, $0x1  }
0x7: {  	s9 =	smul.u32 $0x61A8, s5;
	s21 =	sshll.u32 s5, $0x2;
	s5 =	sshll.u32 s5, $0x14  }
0x8: {  	[dreg:$0x7] =	wrdreg s0;
	s1 =	ssub.s32 s1, s8;
	s5 =	sand.u32 $0x300000, s5  }
0x9: {  	s8 =	sor.u32 $0x2, s21;
	s7 =	sshrl.u32 s7, $0x3;
	s22 =	sadd.s32 s6, s9  }
0xa: {  	s9 =	sand.u32 $0x1C00000, s24;
	s31 =	smax.u32 s1, $0x1;
	[dreg:$0x3] =	wrdreg s22  }
0xb: {  	s7 =	sadd.s32 s6, s7;
	s25 =	sor.u32 s9, s5;
	[dreg:$0xc] =	wrdreg s31  }
0xc: {  	s26 =	smul.u32 $0x186A, s8;
	s23 =	sadd.s32 $0x186A, s7;
	[dreg:$0x5] =	wrdreg s25  }
0xd: {  	s3 =	sor.u32 $0x40000, s25;
	[dreg:$0x4] =	wrdreg s23  }
0xe: {  	s8 =	sshll.u32 s8, $0x12;
	s29 =	sadd.s32 s6, s26;
	[dreg:$0x6] =	wrdreg s3  }
0xf: {  	s28 =	sand.u32 $0x380000, s8;
	s30 =	sadd.s32 $0x493E, s7;
	[dreg:$0x8] =	wrdreg s29  }
0x10: {  	s0 =	sor.u32 s9, s28;
	[dreg:$0x9] =	wrdreg s30  }
0x11: {  	[dreg:$0xa] =	wrdreg s0;
	s0 =	sor.u32 $0x40000, s0  }
0x12: {  	s16 =	simm.s32 $0xC350;
	s3 =	simm.s32 $0x0;
	[dreg:$0xb] =	wrdreg s0  }
.LBB2_1:
0x13: {  	[dreg:$0xd] =	wrdreg s3  }
0x14: {  	s0 =	rddreg [dreg:$0x3];
	s1 =	simm.s32 $0x5  }
0x15: {  	[tilespmem:s2], [sflag:$0x5] =	stream.linear.gather [hbm4b:s0+s2], $0xC350, $0x38;
	[tilespmem:$0x1E6A0] =	vst v63  }
0x16: {  	_ =	swait.ge [sflag:s1], $0xC350  }
0x17: {  	[sflag:s1] =	ssyncset.done $0x0  }
0x18: {  	s28 =	rddreg [dreg:$0x4];
	[sflag:s1] =	ssyncadd.s32 $0xFFFF3CB0  }
0x19: {  	[tilespmem:s16], [sflag:$0x5] =	stream.linear.gather [hbm4b:s28+s2], $0xC350, $0x38;
	[tilespmem:$0x1E6A0] =	vst v63  }
0x1a: {  	_ =	swait.ge [sflag:s1], $0xC350  }
0x1b: {  	s31 =	simm.s32 $0x186A0;
	[sflag:s1] =	ssyncset.done $0x0  }
0x1c: {  	s29 =	simm.s32 $0x0;
	s30 =	rddreg [dreg:$0x2];
	[sflag:s1] =	ssyncadd.s32 $0xFFFF3CB0  }
0x1d: {  	[tilespmem:s31], [sflag:$0x1] =	stream.linear.gather [hbm4b:s30+s2], $0x1000, $0x38;
	[tilespmem:$0x1E6A0] =	vst v63  }
.LBB2_2:
0x1e: {  	s1 =	simm.s32 $0x1  }
0x1f: {  	s30 =	sshllo.u32 s29, $0x1;
	s11 =	simm.s32 $0x196A0;
	_ =	swait.ge [sflag:s1], $0x1000  }
0x20: {  	s0 =	sshll.u32 s30, $0x9;
	[sflag:s1] =	ssyncset.done $0x0;
	s10 =	rddreg [dreg:$0x2]  }
0x21: {  	p0 =	seq.s32 s29, $0x0;
	[sflag:s1] =	ssyncadd.s32 $0xFFFFF000;
	s0 =	sadd.s32 s10, s0  }
0x22: {  	[tilespmem:s11], [sflag:$0x2] =	stream.linear.gather [hbm4b:s0+s2], $0x1000, $0x38;
	[tilespmem:$0x1E6A0] =	vst v63  }
0x23: {  	s0 =	simm.s32 @!p0 $0x3  }
0x24: {  	_ =	swait.ge @!p0 [sflag:s0], $0x1000  }
0x25: {  	[sflag:s0] =	ssyncset.done @!p0 $0x0  }
0x26: {  	[sflag:s0] =	ssyncadd.s32 @!p0 $0xFFFFF000  }
0x27: {  	_ =	swait.ge @!p0 [sflag:s0], $0x1000  }
0x28: {  	[sflag:s0] =	ssyncset.done @!p0 $0x0  }
0x29: {  	s12 =	simm.s32 $0x18720;
	[sflag:s0] =	ssyncadd.s32 @!p0 $0xFFFFF000  }
0x2a: {  	v0 =	vld [tilespmem:s12+$0x70]  }
0x2b: {  	v1 =	vld [tilespmem:s12+$0xFFFFFF90]  }
0x2c: {  	v2 =	vld [tilespmem:s12+$0xFFFFFFA0]  }
0x2d: {  	v3 =	vld [tilespmem:s12+$0xFFFFFFB0]  }
0x2e: {  	v4 =	vld [tilespmem:s12+$0xFFFFFFC0]  }
0x2f: {  	v5 =	vld [tilespmem:s12+$0xFFFFFFD0]  }
0x30: {  	v6 =	vld [tilespmem:s12+$0xFFFFFFE0]  }
0x31: {  	v7 =	vld [tilespmem:s12+$0xFFFFFFF0]  }
0x32: {  	v9 =	vld [tilespmem:s12+$0x0]  }
0x33: {  	v10 =	vld [tilespmem:s12+$0x10]  }
0x34: {  	v11 =	vld [tilespmem:s12+$0x20]  }
0x35: {  	v12 =	vld [tilespmem:s12+$0x30]  }
0x36: {  	v13 =	vld [tilespmem:s12+$0x40]  }
0x37: {  	v14 =	vld [tilespmem:s12+$0x50]  }
0x38: {  	v15 =	vld [tilespmem:s12+$0x60]  }
0x39: {  	v8 =	vld.idx.msk [tilespmem:v0+s2+$0x0], $0xffff  }
0x3a: {  	v16 =	vld.idx.msk [tilespmem:v1+s2+$0x0], $0xffff  }
0x3b: {  	v17 =	vld.idx.msk [tilespmem:v2+s2+$0x0], $0xffff  }
0x3c: {  	v18 =	vld.idx.msk [tilespmem:v3+s2+$0x0], $0xffff  }
0x3d: {  	s31 =	simm.s32 $0xF0;
	s13 =	simm.s32 $0x0;
	v19 =	vld.idx.msk [tilespmem:v4+s2+$0x0], $0xffff  }
0x3e: {  	s14 =	simm.s32 $0x10;
	s5 =	sand.u32 $0x1F0, s31;
	s1 =	sand.u32 $0xE00, s13;
	v20 =	vld.idx.msk [tilespmem:v5+s2+$0x0], $0xffff  }
0x3f: {  	s6 =	simm.s32 $0x20;
	s5 =	sor.u32 s1, s5;
	s0 =	sand.u32 $0x110, s14;
	v60 =	vld.idx.msk [tilespmem:v9+s2+$0x0], $0xffff  }
0x40: {  	s20 =	simm.s32 $0x50;
	s6 =	sand.u32 $0x120, s6;
	s8 =	sor.u32 s1, s0;
	v61 =	vld.idx.msk [tilespmem:v10+s2+$0x0], $0xffff;
	[tilespmem:s5+$0x1A6A0] =	vst v8  }
0x41: {  	s15 =	simm.s32 $0x40;
	s18 =	sor.u32 s1, s6;
	s6 =	sand.u32 $0x150, s20;
	[tilespmem:s8+$0x1A6A0] =	vst v16;
	v0 =	vld.idx.msk [tilespmem:v0+s16+$0x0], $0xffff  }
0x42: {  	s22 =	simm.s32 $0x80;
	s0 =	sand.u32 $0x140, s15;
	s15 =	sor.u32 s1, s6;
	v8 =	vld [tilespmem:s12+$0xFFFFFF80];
	[tilespmem:s18+$0x1A6A0] =	vst v17  }
0x43: {  	s6 =	sand.u32 $0x180, s22;
	s14 =	sor.u32 s1, s0;
	[tilespmem:s15+$0x1A6A0] =	vst v20;
	v1 =	vld.idx.msk [tilespmem:v1+s16+$0x0], $0xffff  }
0x44: {  	s10 =	simm.s32 $0x90;
	s19 =	sor.u32 s1, s6;
	[tilespmem:s14+$0x1A6A0] =	vst v19;
	v5 =	vld.idx.msk [tilespmem:v5+s16+$0x0], $0xffff  }
0x45: {  	s10 =	sand.u32 $0x190, s10;
	v59 =	vld.idx.msk [tilespmem:v7+s2+$0x0], $0xffff;
	[tilespmem:s19+$0x1A6A0] =	vst v60  }
0x46: {  	s6 =	sor.u32 s1, s10;
	[tilespmem:s5+$0x1B6A0] =	vst v0;
	v0 =	vld.idx.msk [tilespmem:v6+s2+$0x0], $0xffff  }
0x47: {  	s7 =	simm.s32 $0x30;
	v62 =	vld.idx.msk [tilespmem:v11+s2+$0x0], $0xffff;
	[tilespmem:s6+$0x1A6A0] =	vst v61  }
0x48: {  	s9 =	simm.s32 $0x60;
	s17 =	sand.u32 $0x130, s7;
	v63 =	vld.idx.msk [tilespmem:v15+s2+$0x0], $0xffff;
	[tilespmem:s8+$0x1B6A0] =	vst v1  }
0x49: {  	s21 =	simm.s32 $0x70;
	s9 =	sand.u32 $0x160, s9;
	s5 =	sor.u32 s1, s17;
	v1 =	vld.idx.msk [tilespmem:v4+s16+$0x0], $0xffff;
	[tilespmem:s15+$0x1B6A0] =	vst v5  }
0x4a: {  	s23 =	simm.s32 $0xA0;
	s9 =	sor.u32 s1, s9;
	s0 =	sand.u32 $0x170, s21;
	[tilespmem:s5+$0x1A6A0] =	vst v18;
	v21 =	vld.idx.msk [tilespmem:v8+s2+$0x0], $0xffff  }
0x4b: {  	s17 =	sor.u32 s1, s0;
	s8 =	sand.u32 $0x1A0, s23;
	[tilespmem:s9+$0x1A6A0] =	vst v0;
	v0 =	vld.idx.msk [tilespmem:v2+s16+$0x0], $0xffff  }
0x4c: {  	[tilespmem:s17+$0x1A6A0] =	vst v59;
	s10 =	sor.u32 s1, s8;
	v3 =	vld.idx.msk [tilespmem:v3+s16+$0x0], $0xffff  }
0x4d: {  	[tilespmem:s10+$0x1A6A0] =	vst v62;
	v7 =	vld.idx.msk [tilespmem:v7+s16+$0x0], $0xffff  }
0x4e: {  	s0 =	simm.s32 $0x1A6A0;
	v4 =	vld.idx.msk [tilespmem:v13+s2+$0x0], $0xffff;
	[tilespmem:s14+$0x1B6A0] =	vst v1  }
0x4f: {  	v2 =	vld.idx.msk [tilespmem:v12+s2+$0x0], $0xffff;
	[tilespmem:s0+$0x0] =	vst v21  }
0x50: {  	s25 =	simm.s32 $0xC0;
	[tilespmem:s18+$0x1B6A0] =	vst v0;
	v0 =	vld.idx.msk [tilespmem:v14+s2+$0x0], $0xffff  }
0x51: {  	s24 =	simm.s32 $0xB0;
	v1 =	vld.idx.msk [tilespmem:v11+s16+$0x0], $0xffff;
	[tilespmem:s5+$0x1B6A0] =	vst v3;
	s5 =	sand.u32 $0x1C0, s25  }
0x52: {  	s26 =	simm.s32 $0xD0;
	s7 =	sand.u32 $0x1B0, s24;
	v3 =	vld.idx.msk [tilespmem:v6+s16+$0x0], $0xffff;
	[tilespmem:s17+$0x1B6A0] =	vst v7;
	s14 =	sor.u32 s1, s5  }
0x53: {  	s28 =	simm.s32 $0xE0;
	s11 =	sor.u32 s1, s7;
	s7 =	sand.u32 $0x1D0, s26;
	v6 =	vld.idx.msk [tilespmem:v8+s16+$0x0], $0xffff;
	[tilespmem:s14+$0x1A6A0] =	vst v4  }
0x54: {  	s15 =	sor.u32 s1, s7;
	s5 =	sand.u32 $0x1E0, s28;
	v4 =	vld.idx.msk [tilespmem:v9+s16+$0x0], $0xffff;
	[tilespmem:s11+$0x1A6A0] =	vst v2  }
0x55: {  	s25 =	sor.u32 s1, s5;
	[tilespmem:s15+$0x1A6A0] =	vst v0;
	v0 =	vld.idx.msk [tilespmem:v10+s16+$0x0], $0xffff  }
0x56: {  	[tilespmem:s25+$0x1A6A0] =	vst v63;
	v2 =	vld.idx.msk [tilespmem:v12+s16+$0x0], $0xffff  }
0x57: {  	s1 =	simm.s32 $0x1B6A0;
	v9 =	vld.idx.msk [tilespmem:v15+s16+$0x0], $0xffff;
	[tilespmem:s9+$0x1B6A0] =	vst v3  }
0x58: {  	v3 =	vld.idx.msk [tilespmem:v13+s16+$0x0], $0xffff;
	[tilespmem:s1+$0x0] =	vst v6  }
0x59: {  	s17 =	simm.s32 $0x0;
	s5 =	simm.s32 $0x18820;
	[tilespmem:s19+$0x1B6A0] =	vst v4;
	v8 =	vld.idx.msk [tilespmem:v14+s16+$0x0], $0xffff  }
.LBB2_3:
0x5a: {  	v11 =	vld [tilespmem:s5+$0x70];
	s17 =	sadd.s32 $0x10, s17;
	[tilespmem:s6+$0x1B6A0] =	vst v0  }
0x5b: {  	v4 =	vld [tilespmem:s5+$0xFFFFFF90];
	p0 =	slt.u32 s17, $0xF0;
	[tilespmem:s10+$0x1B6A0] =	vst v1  }
0x5c: {  	v5 =	vld [tilespmem:s5+$0xFFFFFFA0];
	[tilespmem:s11+$0x1B6A0] =	vst v2  }
0x5d: {  	v6 =	vld [tilespmem:s5+$0xFFFFFFB0];
	[tilespmem:s14+$0x1B6A0] =	vst v3  }
0x5e: {  	v7 =	vld [tilespmem:s5+$0xFFFFFFC0];
	[tilespmem:s15+$0x1B6A0] =	vst v8  }
0x5f: {  	v8 =	vld [tilespmem:s5+$0xFFFFFFD0];
	[tilespmem:s25+$0x1B6A0] =	vst v9  }
0x60: {  	v2 =	vld [tilespmem:s5+$0xFFFFFFE0]  }
0x61: {  	v0 =	vld [tilespmem:s5+$0xFFFFFFF0]  }
0x62: {  	v12 =	vld.idx.msk [tilespmem:v11+s2+$0x0], $0xffff  }
0x63: {  	v3 =	vld [tilespmem:s5+$0x0]  }
0x64: {  	s31 =	sadd.s32 $0x100, s31;
	v1 =	vld [tilespmem:s5+$0x10]  }
0x65: {  	s6 =	sadd.s32 $0xFFFFFF10, s31;
	s7 =	sadd.s32 $0xFFFFFF20, s31;
	s8 =	sadd.s32 $0xFFFFFF30, s31;
	v9 =	vld [tilespmem:s5+$0x20]  }
0x66: {  	s9 =	sand.u32 $0x1F0, s31;
	s25 =	sand.u32 $0xE00, s6;
	s6 =	sadd.s32 $0xFFFFFF40, s31;
	v10 =	vld [tilespmem:s5+$0x30]  }
0x67: {  	s10 =	sadd.s32 $0xFFFFFF50, s31;
	s11 =	sadd.s32 $0xFFFFFF60, s31;
	s9 =	sor.u32 s25, s9;
	v13 =	vld [tilespmem:s5+$0x40]  }
0x68: {  	s19 =	sadd.s32 $0xFFFFFF90, s31;
	s14 =	sadd.s32 $0xFFFFFF70, s31;
	s15 =	sadd.s32 $0xFFFFFF80, s31;
	v14 =	vld [tilespmem:s5+$0x50];
	[tilespmem:s9+$0x1A6A0] =	vst v12  }
0x69: {  	s20 =	sadd.s32 $0xFFFFFFA0, s31;
	s21 =	sadd.s32 $0xFFFFFFB0, s31;
	s23 =	sadd.s32 $0xFFFFFFC0, s31;
	v11 =	vld.idx.msk [tilespmem:v11+s16+$0x0], $0xffff  }
0x6a: {  	s24 =	sadd.s32 $0xFFFFFFD0, s31;
	s28 =	sadd.s32 $0xFFFFFFE0, s31;
	s12 =	sadd.s32 $0xFFFFFFF0, s31;
	v12 =	vld [tilespmem:s5+$0x60]  }
0x6b: {  	s7 =	sand.u32 $0x110, s7;
	s8 =	sand.u32 $0x120, s8;
	s6 =	sand.u32 $0x130, s6;
	v15 =	vld [tilespmem:s5+$0xFFFFFF80]  }
0x6c: {  	s10 =	sand.u32 $0x140, s10;
	s11 =	sand.u32 $0x150, s11;
	s14 =	sand.u32 $0x160, s14;
	v16 =	vld.idx.msk [tilespmem:v4+s2+$0x0], $0xffff  }
0x6d: {  	s19 =	sand.u32 $0x180, s19;
	s13 =	sand.u32 $0x190, s20;
	s15 =	sand.u32 $0x170, s15;
	v17 =	vld.idx.msk [tilespmem:v5+s2+$0x0], $0xffff  }
0x6e: {  	s3 =	sand.u32 $0x1A0, s21;
	s18 =	sand.u32 $0x1B0, s23;
	s22 =	sand.u32 $0x1C0, s24;
	v18 =	vld.idx.msk [tilespmem:v6+s2+$0x0], $0xffff  }
0x6f: {  	s26 =	sand.u32 $0x1D0, s28;
	s12 =	sand.u32 $0x1E0, s12;
	s24 =	sor.u32 s25, s7;
	v19 =	vld.idx.msk [tilespmem:v7+s2+$0x0], $0xffff;
	[tilespmem:s9+$0x1B6A0] =	vst v11  }
0x70: {  	s8 =	sor.u32 s25, s8;
	s21 =	sor.u32 s25, s10;
	s7 =	sor.u32 s25, s6;
	v11 =	vld.idx.msk [tilespmem:v8+s2+$0x0], $0xffff  }
0x71: {  	s23 =	sor.u32 s25, s11;
	s20 =	sor.u32 s25, s14;
	s28 =	sor.u32 s25, s15;
	v20 =	vld.idx.msk [tilespmem:v2+s2+$0x0], $0xffff  }
0x72: {  	s19 =	sor.u32 s25, s19;
	s10 =	sor.u32 s25, s3;
	s6 =	sor.u32 s25, s13;
	[tilespmem:s24+$0x1A6A0] =	vst v16;
	v16 =	vld.idx.msk [tilespmem:v0+s2+$0x0], $0xffff  }
0x73: {  	s11 =	sor.u32 s25, s18;
	s14 =	sor.u32 s25, s22;
	s15 =	sor.u32 s25, s26;
	v21 =	vld.idx.msk [tilespmem:v15+s2+$0x0], $0xffff;
	[tilespmem:s8+$0x1A6A0] =	vst v17  }
0x74: {  	s25 =	sor.u32 s25, s12;
	[tilespmem:s7+$0x1A6A0] =	vst v18;
	v17 =	vld.idx.msk [tilespmem:v3+s2+$0x0], $0xffff  }
0x75: {  	[tilespmem:s21+$0x1A6A0] =	vst v19;
	v18 =	vld.idx.msk [tilespmem:v1+s2+$0x0], $0xffff  }
0x76: {  	[tilespmem:s23+$0x1A6A0] =	vst v11;
	v11 =	vld.idx.msk [tilespmem:v9+s2+$0x0], $0xffff  }
0x77: {  	[tilespmem:s20+$0x1A6A0] =	vst v20;
	v19 =	vld.idx.msk [tilespmem:v10+s2+$0x0], $0xffff  }
0x78: {  	s0 =	sadd.s32 $0x100, s0;
	[tilespmem:s28+$0x1A6A0] =	vst v16;
	v16 =	vld.idx.msk [tilespmem:v13+s2+$0x0], $0xffff  }
0x79: {  	[tilespmem:s0+$0x0] =	vst v21;
	v20 =	vld.idx.msk [tilespmem:v14+s2+$0x0], $0xffff  }
0x7a: {  	[tilespmem:s19+$0x1A6A0] =	vst v17;
	v17 =	vld.idx.msk [tilespmem:v12+s2+$0x0], $0xffff  }
0x7b: {  	v15 =	vld.idx.msk [tilespmem:v15+s16+$0x0], $0xffff;
	[tilespmem:s6+$0x1A6A0] =	vst v18  }
0x7c: {  	v4 =	vld.idx.msk [tilespmem:v4+s16+$0x0], $0xffff;
	[tilespmem:s10+$0x1A6A0] =	vst v11  }
0x7d: {  	v5 =	vld.idx.msk [tilespmem:v5+s16+$0x0], $0xffff;
	[tilespmem:s11+$0x1A6A0] =	vst v19  }
0x7e: {  	v6 =	vld.idx.msk [tilespmem:v6+s16+$0x0], $0xffff;
	[tilespmem:s14+$0x1A6A0] =	vst v16  }
0x7f: {  	v7 =	vld.idx.msk [tilespmem:v7+s16+$0x0], $0xffff;
	[tilespmem:s15+$0x1A6A0] =	vst v20  }
0x80: {  	s1 =	sadd.s32 $0x100, s1;
	v8 =	vld.idx.msk [tilespmem:v8+s16+$0x0], $0xffff;
	[tilespmem:s25+$0x1A6A0] =	vst v17  }
0x81: {  	[tilespmem:s1+$0x0] =	vst v15;
	v11 =	vld.idx.msk [tilespmem:v2+s16+$0x0], $0xffff  }
0x82: {  	[tilespmem:s24+$0x1B6A0] =	vst v4;
	v4 =	vld.idx.msk [tilespmem:v0+s16+$0x0], $0xffff  }
0x83: {  	[tilespmem:s8+$0x1B6A0] =	vst v5;
	v5 =	vld.idx.msk [tilespmem:v3+s16+$0x0], $0xffff  }
0x84: {  	[tilespmem:s7+$0x1B6A0] =	vst v6;
	v0 =	vld.idx.msk [tilespmem:v1+s16+$0x0], $0xffff  }
.Ltmp0:
0x85: {  	[tilespmem:s21+$0x1B6A0] =	vst v7;
	v1 =	vld.idx.msk [tilespmem:v9+s16+$0x0], $0xffff;
	(pc) =	sbr.rel @p0 .LBB2_3-.Ltmp0, $4  }
0x86: {  	[tilespmem:s23+$0x1B6A0] =	vst v8;
	v2 =	vld.idx.msk [tilespmem:v10+s16+$0x0], $0xffff  }
0x87: {  	[tilespmem:s20+$0x1B6A0] =	vst v11;
	v3 =	vld.idx.msk [tilespmem:v13+s16+$0x0], $0xffff  }
0x88: {  	[tilespmem:s28+$0x1B6A0] =	vst v4;
	v8 =	vld.idx.msk [tilespmem:v14+s16+$0x0], $0xffff  }
0x89: {  	s5 =	sadd.s32 $0x100, s5;
	[tilespmem:s19+$0x1B6A0] =	vst v5;
	v9 =	vld.idx.msk [tilespmem:v12+s16+$0x0], $0xffff  }
0x8a: {  	[tilespmem:s6+$0x1B6A0] =	vst v0  }
0x8b: {  	[tilespmem:s10+$0x1B6A0] =	vst v1  }
0x8c: {  	[tilespmem:s11+$0x1B6A0] =	vst v2  }
0x8d: {  	[tilespmem:s14+$0x1B6A0] =	vst v3  }
0x8e: {  	s0 =	sshll.u32 s29, $0xD;
	s1 =	rddreg [dreg:$0x5];
	[tilespmem:s15+$0x1B6A0] =	vst v8  }
0x8f: {  	s1 =	sor.u32 s1, s0;
	[tilespmem:s25+$0x1B6A0] =	vst v9  }
0x90: {  	s1 =	sshrl.u32 s1, $0x3;
	s9 =	rddreg [dreg:$0x6]  }
0x91: {  	s3 =	simm.s32 $0x1A6A0;
	s1 =	sadd.s32 s4, s1;
	s0 =	sor.u32 s9, s0  }
0x92: {  	[hbm4b:s1+s2] =	stream.linear.scatter [tilespmem:s3], [sflag:$0x3], $0x1000, $0x38;
	[tilespmem:$0x1E6A0] =	vst v63  }
0x93: {  	s10 =	simm.s32 $0x1B6A0;
	s0 =	sshrl.u32 s0, $0x3  }
0x94: {  	p0 =	seq.s32 s29, $0x1F;
	s11 =	simm.s32 $0x2;
	s0 =	sadd.s32 s4, s0  }
0x95: {  	[hbm4b:s0+s2] =	stream.linear.scatter [tilespmem:s10], [sflag:$0x3], $0x1000, $0x38;
	[tilespmem:$0x1E6A0] =	vst v63  }
0x96: {  	p1 =	seq.s32 @!p0 s29, $0x0;
	s3 =	simm.s32 @!p0 $0x186A0;
	_ =	swait.ge [sflag:s11], $0x1000  }
0x97: {  	s0 =	sshll.u32 @!p0 s29, $0xA;
	[sflag:s11] =	ssyncset.done $0x0;
	s1 =	rddreg [dreg:$0x7]  }
0x98: {  	[sflag:s11] =	ssyncadd.s32 $0xFFFFF000;
	s0 =	sadd.s32 @!p0 s0, s1;
	s1 =	simm.s32 @!p0 $0x0  }
0x99: {  	[tilespmem:s3], [sflag:$0x1] =	stream.linear.gather @!p0 [hbm4b:s0+s1], $0x1000, $0x38;
	[tilespmem:$0x1E6A0] =	vst v63  }
0x9a: {  	p0 =	por p0, !p1  }
0x9b: {  	s0 =	simm.s32 @p0 $0x4  }
0x9c: {  	_ =	swait.ge @p0 [sflag:s0], $0x1000  }
0x9d: {  	[sflag:s0] =	ssyncset.done @p0 $0x0  }
0x9e: {  	[sflag:s0] =	ssyncadd.s32 @p0 $0xFFFFF000  }
0x9f: {  	_ =	swait.ge @p0 [sflag:s0], $0x1000  }
0xa0: {  	[sflag:s0] =	ssyncset.done @p0 $0x0  }
0xa1: {  	s12 =	simm.s32 $0x19720;
	[sflag:s0] =	ssyncadd.s32 @p0 $0xFFFFF000  }
0xa2: {  	v0 =	vld [tilespmem:s12+$0x70]  }
0xa3: {  	v1 =	vld [tilespmem:s12+$0xFFFFFF90]  }
0xa4: {  	v2 =	vld [tilespmem:s12+$0xFFFFFFA0]  }
0xa5: {  	v3 =	vld [tilespmem:s12+$0xFFFFFFB0]  }
0xa6: {  	v4 =	vld [tilespmem:s12+$0xFFFFFFC0]  }
0xa7: {  	v5 =	vld [tilespmem:s12+$0xFFFFFFD0]  }
0xa8: {  	v6 =	vld [tilespmem:s12+$0xFFFFFFE0]  }
0xa9: {  	v7 =	vld [tilespmem:s12+$0xFFFFFFF0]  }
0xaa: {  	v9 =	vld [tilespmem:s12+$0x0]  }
0xab: {  	v10 =	vld [tilespmem:s12+$0x10]  }
0xac: {  	v11 =	vld [tilespmem:s12+$0x20]  }
0xad: {  	v12 =	vld [tilespmem:s12+$0x30]  }
0xae: {  	v13 =	vld [tilespmem:s12+$0x40]  }
0xaf: {  	v14 =	vld [tilespmem:s12+$0x50]  }
0xb0: {  	v15 =	vld [tilespmem:s12+$0x60]  }
0xb1: {  	v8 =	vld.idx.msk [tilespmem:v0+s2+$0x0], $0xffff  }
0xb2: {  	v16 =	vld.idx.msk [tilespmem:v1+s2+$0x0], $0xffff  }
0xb3: {  	v17 =	vld.idx.msk [tilespmem:v2+s2+$0x0], $0xffff  }
0xb4: {  	s31 =	simm.s32 $0xF0;
	s13 =	simm.s32 $0x0;
	v18 =	vld.idx.msk [tilespmem:v3+s2+$0x0], $0xffff  }
0xb5: {  	s14 =	sand.u32 $0x1F0, s31;
	s1 =	sand.u32 $0xE00, s13;
	v19 =	vld.idx.msk [tilespmem:v4+s2+$0x0], $0xffff  }
0xb6: {  	s15 =	simm.s32 $0x10;
	s3 =	sor.u32 s1, s14;
	v20 =	vld.idx.msk [tilespmem:v5+s2+$0x0], $0xffff  }
0xb7: {  	s5 =	simm.s32 $0x20;
	s0 =	sand.u32 $0x110, s15;
	[tilespmem:s3+$0x1C6A0] =	vst v8;
	v8 =	vld [tilespmem:s12+$0xFFFFFF80]  }
0xb8: {  	s17 =	simm.s32 $0x30;
	s7 =	sand.u32 $0x120, s5;
	s5 =	sor.u32 s1, s0;
	v0 =	vld.idx.msk [tilespmem:v0+s16+$0x0], $0xffff  }
0xb9: {  	s18 =	simm.s32 $0x40;
	s19 =	sand.u32 $0x130, s17;
	s7 =	sor.u32 s1, s7;
	v57 =	vld.idx.msk [tilespmem:v7+s2+$0x0], $0xffff;
	[tilespmem:s5+$0x1C6A0] =	vst v16  }
0xba: {  	s8 =	sor.u32 s1, s19;
	s0 =	sand.u32 $0x140, s18;
	v63 =	vld.idx.msk [tilespmem:v15+s2+$0x0], $0xffff;
	[tilespmem:s7+$0x1C6A0] =	vst v17  }
0xbb: {  	s20 =	simm.s32 $0x50;
	s22 =	simm.s32 $0x70;
	s9 =	sor.u32 s1, s0;
	v58 =	vld.idx.msk [tilespmem:v9+s2+$0x0], $0xffff;
	[tilespmem:s8+$0x1C6A0] =	vst v18  }
0xbc: {  	s23 =	simm.s32 $0x80;
	s19 =	simm.s32 $0xE0;
	s0 =	sand.u32 $0x170, s22;
	v59 =	vld.idx.msk [tilespmem:v10+s2+$0x0], $0xffff;
	[tilespmem:s9+$0x1C6A0] =	vst v19  }
0xbd: {  	s25 =	simm.s32 $0xA0;
	s19 =	sand.u32 $0x1E0, s19;
	s13 =	sor.u32 s1, s0;
	[tilespmem:s3+$0x1D6A0] =	vst v0;
	v0 =	vld.idx.msk [tilespmem:v6+s2+$0x0], $0xffff  }
0xbe: {  	s6 =	sand.u32 $0x150, s20;
	s11 =	sand.u32 $0x1A0, s25;
	s25 =	sor.u32 s1, s19;
	v60 =	vld.idx.msk [tilespmem:v11+s2+$0x0], $0xffff;
	[tilespmem:s13+$0x1C6A0] =	vst v57  }
0xbf: {  	s21 =	simm.s32 $0x60;
	s12 =	sor.u32 s1, s6;
	s6 =	sand.u32 $0x180, s23;
	[tilespmem:s25+$0x1C6A0] =	vst v63;
	v1 =	vld.idx.msk [tilespmem:v1+s16+$0x0], $0xffff  }
0xc0: {  	s24 =	simm.s32 $0x90;
	[tilespmem:s12+$0x1C6A0] =	vst v20;
	s18 =	sor.u32 s1, s6;
	s3 =	sand.u32 $0x160, s21;
	v21 =	vld.idx.msk [tilespmem:v8+s2+$0x0], $0xffff  }
0xc1: {  	s10 =	sand.u32 $0x190, s24;
	v61 =	vld.idx.msk [tilespmem:v13+s2+$0x0], $0xffff;
	[tilespmem:s18+$0x1C6A0] =	vst v58;
	s3 =	sor.u32 s1, s3  }
0xc2: {  	s6 =	sor.u32 s1, s10;
	s10 =	sor.u32 s1, s11;
	[tilespmem:s3+$0x1C6A0] =	vst v0;
	v0 =	vld.idx.msk [tilespmem:v12+s2+$0x0], $0xffff  }
0xc3: {  	v62 =	vld.idx.msk [tilespmem:v14+s2+$0x0], $0xffff;
	[tilespmem:s10+$0x1C6A0] =	vst v60  }
0xc4: {  	s26 =	simm.s32 $0xB0;
	s0 =	simm.s32 $0x1C6A0;
	v2 =	vld.idx.msk [tilespmem:v2+s16+$0x0], $0xffff;
	[tilespmem:s5+$0x1D6A0] =	vst v1  }
0xc5: {  	s28 =	simm.s32 $0xC0;
	s14 =	sand.u32 $0x1B0, s26;
	v1 =	vld.idx.msk [tilespmem:v11+s16+$0x0], $0xffff;
	[tilespmem:s0+$0x0] =	vst v21  }
0xc6: {  	s17 =	simm.s32 $0xD0;
	s15 =	sand.u32 $0x1C0, s28;
	s11 =	sor.u32 s1, s14;
	[tilespmem:s6+$0x1C6A0] =	vst v59;
	v8 =	vld.idx.msk [tilespmem:v8+s16+$0x0], $0xffff  }
0xc7: {  	s17 =	sand.u32 $0x1D0, s17;
	s14 =	sor.u32 s1, s15;
	[tilespmem:s11+$0x1C6A0] =	vst v0;
	v0 =	vld.idx.msk [tilespmem:v3+s16+$0x0], $0xffff  }
0xc8: {  	s15 =	sor.u32 s1, s17;
	[tilespmem:s14+$0x1C6A0] =	vst v61;
	v3 =	vld.idx.msk [tilespmem:v4+s16+$0x0], $0xffff  }
0xc9: {  	[tilespmem:s15+$0x1C6A0] =	vst v62;
	v4 =	vld.idx.msk [tilespmem:v5+s16+$0x0], $0xffff  }
0xca: {  	[tilespmem:s7+$0x1D6A0] =	vst v2;
	s1 =	simm.s32 $0x1D6A0;
	v5 =	vld.idx.msk [tilespmem:v6+s16+$0x0], $0xffff  }
0xcb: {  	v6 =	vld.idx.msk [tilespmem:v7+s16+$0x0], $0xffff;
	[tilespmem:s1+$0x0] =	vst v8  }
0xcc: {  	v7 =	vld.idx.msk [tilespmem:v9+s16+$0x0], $0xffff;
	[tilespmem:s8+$0x1D6A0] =	vst v0  }
0xcd: {  	v0 =	vld.idx.msk [tilespmem:v10+s16+$0x0], $0xffff;
	[tilespmem:s9+$0x1D6A0] =	vst v3  }
0xce: {  	v9 =	vld.idx.msk [tilespmem:v15+s16+$0x0], $0xffff;
	[tilespmem:s12+$0x1D6A0] =	vst v4  }
0xcf: {  	v2 =	vld.idx.msk [tilespmem:v12+s16+$0x0], $0xffff;
	[tilespmem:s3+$0x1D6A0] =	vst v5  }
0xd0: {  	v3 =	vld.idx.msk [tilespmem:v13+s16+$0x0], $0xffff;
	[tilespmem:s13+$0x1D6A0] =	vst v6  }
0xd1: {  	s17 =	simm.s32 $0x0;
	s5 =	simm.s32 $0x19820;
	v8 =	vld.idx.msk [tilespmem:v14+s16+$0x0], $0xffff;
	[tilespmem:s18+$0x1D6A0] =	vst v7  }
.LBB2_5:
0xd2: {  	v11 =	vld [tilespmem:s5+$0x70];
	s17 =	sadd.s32 $0x10, s17;
	[tilespmem:s6+$0x1D6A0] =	vst v0  }
0xd3: {  	v4 =	vld [tilespmem:s5+$0xFFFFFF90];
	p0 =	slt.u32 s17, $0xF0;
	[tilespmem:s10+$0x1D6A0] =	vst v1  }
0xd4: {  	v5 =	vld [tilespmem:s5+$0xFFFFFFA0];
	[tilespmem:s11+$0x1D6A0] =	vst v2  }
0xd5: {  	v6 =	vld [tilespmem:s5+$0xFFFFFFB0];
	[tilespmem:s14+$0x1D6A0] =	vst v3  }
0xd6: {  	v7 =	vld [tilespmem:s5+$0xFFFFFFC0];
	[tilespmem:s15+$0x1D6A0] =	vst v8  }
0xd7: {  	v8 =	vld [tilespmem:s5+$0xFFFFFFD0];
	[tilespmem:s25+$0x1D6A0] =	vst v9  }
0xd8: {  	v2 =	vld [tilespmem:s5+$0xFFFFFFE0]  }
0xd9: {  	v0 =	vld [tilespmem:s5+$0xFFFFFFF0]  }
0xda: {  	v12 =	vld.idx.msk [tilespmem:v11+s2+$0x0], $0xffff  }
0xdb: {  	v3 =	vld [tilespmem:s5+$0x0]  }
0xdc: {  	s31 =	sadd.s32 $0x100, s31;
	v1 =	vld [tilespmem:s5+$0x10]  }
0xdd: {  	s3 =	sadd.s32 $0xFFFFFF10, s31;
	s6 =	sadd.s32 $0xFFFFFF20, s31;
	s7 =	sadd.s32 $0xFFFFFF30, s31;
	v9 =	vld [tilespmem:s5+$0x20]  }
0xde: {  	s8 =	sand.u32 $0x1F0, s31;
	s19 =	sand.u32 $0xE00, s3;
	s3 =	sadd.s32 $0xFFFFFF40, s31;
	v10 =	vld [tilespmem:s5+$0x30]  }
0xdf: {  	s9 =	sadd.s32 $0xFFFFFF50, s31;
	s10 =	sadd.s32 $0xFFFFFF60, s31;
	s8 =	sor.u32 s19, s8;
	v13 =	vld [tilespmem:s5+$0x40]  }
0xe0: {  	s12 =	sadd.s32 $0xFFFFFF80, s31;
	s13 =	sadd.s32 $0xFFFFFF90, s31;
	s11 =	sadd.s32 $0xFFFFFF70, s31;
	v14 =	vld [tilespmem:s5+$0x50];
	[tilespmem:s8+$0x1C6A0] =	vst v12  }
0xe1: {  	s18 =	sadd.s32 $0xFFFFFFC0, s31;
	s14 =	sadd.s32 $0xFFFFFFA0, s31;
	s15 =	sadd.s32 $0xFFFFFFB0, s31;
	v11 =	vld.idx.msk [tilespmem:v11+s16+$0x0], $0xffff  }
0xe2: {  	s20 =	sadd.s32 $0xFFFFFFD0, s31;
	s21 =	sadd.s32 $0xFFFFFFE0, s31;
	s22 =	sadd.s32 $0xFFFFFFF0, s31;
	v12 =	vld [tilespmem:s5+$0x60]  }
0xe3: {  	s6 =	sand.u32 $0x110, s6;
	s23 =	sand.u32 $0x120, s7;
	s3 =	sand.u32 $0x130, s3;
	v15 =	vld [tilespmem:s5+$0xFFFFFF80]  }
0xe4: {  	s24 =	sand.u32 $0x140, s9;
	s10 =	sand.u32 $0x150, s10;
	s11 =	sand.u32 $0x160, s11;
	v16 =	vld.idx.msk [tilespmem:v4+s2+$0x0], $0xffff  }
0xe5: {  	s12 =	sand.u32 $0x170, s12;
	s13 =	sand.u32 $0x180, s13;
	s14 =	sand.u32 $0x190, s14;
	v17 =	vld.idx.msk [tilespmem:v5+s2+$0x0], $0xffff  }
0xe6: {  	s18 =	sand.u32 $0x1B0, s18;
	s15 =	sand.u32 $0x1A0, s15;
	s25 =	sand.u32 $0x1C0, s20;
	v18 =	vld.idx.msk [tilespmem:v6+s2+$0x0], $0xffff  }
0xe7: {  	s26 =	sand.u32 $0x1D0, s21;
	s22 =	sand.u32 $0x1E0, s22;
	s7 =	sor.u32 s19, s6;
	v19 =	vld.idx.msk [tilespmem:v7+s2+$0x0], $0xffff;
	[tilespmem:s8+$0x1D6A0] =	vst v11  }
0xe8: {  	s9 =	sor.u32 s19, s23;
	s23 =	sor.u32 s19, s24;
	s8 =	sor.u32 s19, s3;
	v11 =	vld.idx.msk [tilespmem:v8+s2+$0x0], $0xffff  }
0xe9: {  	s24 =	sor.u32 s19, s10;
	s28 =	sor.u32 s19, s12;
	s21 =	sor.u32 s19, s11;
	v20 =	vld.idx.msk [tilespmem:v2+s2+$0x0], $0xffff  }
0xea: {  	s20 =	sor.u32 s19, s13;
	s6 =	sor.u32 s19, s14;
	s10 =	sor.u32 s19, s15;
	[tilespmem:s7+$0x1C6A0] =	vst v16;
	v16 =	vld.idx.msk [tilespmem:v0+s2+$0x0], $0xffff  }
0xeb: {  	s11 =	sor.u32 s19, s18;
	s14 =	sor.u32 s19, s25;
	s15 =	sor.u32 s19, s26;
	v21 =	vld.idx.msk [tilespmem:v15+s2+$0x0], $0xffff;
	[tilespmem:s9+$0x1C6A0] =	vst v17  }
0xec: {  	s25 =	sor.u32 s19, s22;
	[tilespmem:s8+$0x1C6A0] =	vst v18;
	v17 =	vld.idx.msk [tilespmem:v3+s2+$0x0], $0xffff  }
0xed: {  	[tilespmem:s23+$0x1C6A0] =	vst v19;
	v18 =	vld.idx.msk [tilespmem:v1+s2+$0x0], $0xffff  }
0xee: {  	[tilespmem:s24+$0x1C6A0] =	vst v11;
	v11 =	vld.idx.msk [tilespmem:v9+s2+$0x0], $0xffff  }
0xef: {  	[tilespmem:s21+$0x1C6A0] =	vst v20;
	v19 =	vld.idx.msk [tilespmem:v10+s2+$0x0], $0xffff  }
0xf0: {  	s0 =	sadd.s32 $0x100, s0;
	[tilespmem:s28+$0x1C6A0] =	vst v16;
	v16 =	vld.idx.msk [tilespmem:v13+s2+$0x0], $0xffff  }
0xf1: {  	[tilespmem:s0+$0x0] =	vst v21;
	v20 =	vld.idx.msk [tilespmem:v14+s2+$0x0], $0xffff  }
0xf2: {  	[tilespmem:s20+$0x1C6A0] =	vst v17;
	v17 =	vld.idx.msk [tilespmem:v12+s2+$0x0], $0xffff  }
0xf3: {  	v15 =	vld.idx.msk [tilespmem:v15+s16+$0x0], $0xffff;
	[tilespmem:s6+$0x1C6A0] =	vst v18  }
0xf4: {  	v4 =	vld.idx.msk [tilespmem:v4+s16+$0x0], $0xffff;
	[tilespmem:s10+$0x1C6A0] =	vst v11  }
0xf5: {  	v5 =	vld.idx.msk [tilespmem:v5+s16+$0x0], $0xffff;
	[tilespmem:s11+$0x1C6A0] =	vst v19  }
0xf6: {  	v6 =	vld.idx.msk [tilespmem:v6+s16+$0x0], $0xffff;
	[tilespmem:s14+$0x1C6A0] =	vst v16  }
0xf7: {  	v7 =	vld.idx.msk [tilespmem:v7+s16+$0x0], $0xffff;
	[tilespmem:s15+$0x1C6A0] =	vst v20  }
0xf8: {  	s1 =	sadd.s32 $0x100, s1;
	v8 =	vld.idx.msk [tilespmem:v8+s16+$0x0], $0xffff;
	[tilespmem:s25+$0x1C6A0] =	vst v17  }
0xf9: {  	[tilespmem:s1+$0x0] =	vst v15;
	v11 =	vld.idx.msk [tilespmem:v2+s16+$0x0], $0xffff  }
0xfa: {  	[tilespmem:s7+$0x1D6A0] =	vst v4;
	v4 =	vld.idx.msk [tilespmem:v0+s16+$0x0], $0xffff  }
0xfb: {  	[tilespmem:s9+$0x1D6A0] =	vst v5;
	v5 =	vld.idx.msk [tilespmem:v3+s16+$0x0], $0xffff  }
0xfc: {  	[tilespmem:s8+$0x1D6A0] =	vst v6;
	v0 =	vld.idx.msk [tilespmem:v1+s16+$0x0], $0xffff  }
.Ltmp1:
0xfd: {  	[tilespmem:s23+$0x1D6A0] =	vst v7;
	v1 =	vld.idx.msk [tilespmem:v9+s16+$0x0], $0xffff;
	(pc) =	sbr.rel @p0 .LBB2_5-.Ltmp1, $4  }
0xfe: {  	[tilespmem:s24+$0x1D6A0] =	vst v8;
	v2 =	vld.idx.msk [tilespmem:v10+s16+$0x0], $0xffff  }
0xff: {  	[tilespmem:s21+$0x1D6A0] =	vst v11;
	v3 =	vld.idx.msk [tilespmem:v13+s16+$0x0], $0xffff  }
0x100: {  	[tilespmem:s28+$0x1D6A0] =	vst v4;
	v8 =	vld.idx.msk [tilespmem:v14+s16+$0x0], $0xffff  }
0x101: {  	s5 =	sadd.s32 $0x100, s5;
	[tilespmem:s20+$0x1D6A0] =	vst v5;
	v9 =	vld.idx.msk [tilespmem:v12+s16+$0x0], $0xffff  }
0x102: {  	[tilespmem:s6+$0x1D6A0] =	vst v0  }
0x103: {  	[tilespmem:s10+$0x1D6A0] =	vst v1  }
0x104: {  	[tilespmem:s11+$0x1D6A0] =	vst v2  }
0x105: {  	[tilespmem:s14+$0x1D6A0] =	vst v3  }
0x106: {  	s0 =	sshll.u32 s30, $0xC;
	s1 =	rddreg [dreg:$0x5];
	[tilespmem:s15+$0x1D6A0] =	vst v8  }
0x107: {  	s3 =	simm.s32 $0x1C6A0;
	s29 =	sadd.s32 $0x1, s29;
	s1 =	sor.u32 s1, s0;
	[tilespmem:s25+$0x1D6A0] =	vst v9  }
0x108: {  	p0 =	sne.s32 s29, $0x20;
	s1 =	sshrl.u32 s1, $0x3;
	s30 =	rddreg [dreg:$0x6]  }
.Ltmp2:
0x109: {  	s1 =	sadd.s32 s4, s1;
	s0 =	sor.u32 s30, s0;
	(pc) =	sbr.rel @p0 .LBB2_2-.Ltmp2, $4  }
0x10a: {  	[hbm4b:s1+s2] =	stream.linear.scatter [tilespmem:s3], [sflag:$0x4], $0x1000, $0x38;
	[tilespmem:$0x1E6A0] =	vst v63  }
0x10b: {  	s0 =	sshrl.u32 s0, $0x3  }
0x10c: {  	s31 =	simm.s32 $0x1D6A0;
	s0 =	sadd.s32 s4, s0  }
0x10d: {  	[hbm4b:s0+s2] =	stream.linear.scatter [tilespmem:s31], [sflag:$0x4], $0x1000, $0x38;
	[tilespmem:$0x1E6A0] =	vst v63  }
0x10e: {  	s0 =	simm.s32 $0x3  }
0x10f: {  	_ =	swait.ge [sflag:s0], $0x1000  }
0x110: {  	[sflag:s0] =	ssyncset.done $0x0  }
0x111: {  	[sflag:s0] =	ssyncadd.s32 $0xFFFFF000  }
0x112: {  	_ =	swait.ge [sflag:s0], $0x1000  }
0x113: {  	[sflag:s0] =	ssyncset.done $0x0  }
0x114: {  	s25 =	simm.s32 $0x4;
	[sflag:s0] =	ssyncadd.s32 $0xFFFFF000  }
0x115: {  	_ =	swait.ge [sflag:s25], $0x1000  }
0x116: {  	[sflag:s25] =	ssyncset.done $0x0  }
0x117: {  	[sflag:s25] =	ssyncadd.s32 $0xFFFFF000  }
0x118: {  	_ =	swait.ge [sflag:s25], $0x1000  }
0x119: {  	s29 =	simm.s32 $0x0;
	[sflag:s25] =	ssyncset.done $0x0  }
0x11a: {  	s1 =	simm.s32 $0x5;
	s26 =	rddreg [dreg:$0x8];
	[sflag:s25] =	ssyncadd.s32 $0xFFFFF000  }
0x11b: {  	[tilespmem:s29], [sflag:$0x5] =	stream.linear.gather [hbm4b:s26+s29], $0xC350, $0x38;
	[tilespmem:$0x1E6A0] =	vst v63  }
0x11c: {  	_ =	swait.ge [sflag:s1], $0xC350  }
0x11d: {  	[sflag:s1] =	ssyncset.done $0x0  }
0x11e: {  	s28 =	rddreg [dreg:$0x9];
	[sflag:s1] =	ssyncadd.s32 $0xFFFF3CB0  }
0x11f: {  	[tilespmem:s16], [sflag:$0x5] =	stream.linear.gather [hbm4b:s28+s29], $0xC350, $0x38;
	[tilespmem:$0x1E6A0] =	vst v63  }
0x120: {  	_ =	swait.ge [sflag:s1], $0xC350  }
0x121: {  	[sflag:s1] =	ssyncset.done $0x0  }
0x122: {  	s31 =	simm.s32 $0x186A0;
	s30 =	rddreg [dreg:$0x2];
	[sflag:s1] =	ssyncadd.s32 $0xFFFF3CB0  }
0x123: {  	[tilespmem:s31], [sflag:$0x1] =	stream.linear.gather [hbm4b:s30+s29], $0x1000, $0x38;
	[tilespmem:$0x1E6A0] =	vst v63  }
.LBB2_8:
0x124: {  	s1 =	simm.s32 $0x1  }
0x125: {  	s30 =	sshllo.u32 s29, $0x1;
	s13 =	simm.s32 $0x196A0;
	_ =	swait.ge [sflag:s1], $0x1000  }
0x126: {  	s0 =	sshll.u32 s30, $0x9;
	[sflag:s1] =	ssyncset.done $0x0;
	s12 =	rddreg [dreg:$0x2]  }
0x127: {  	p0 =	seq.s32 s29, $0x0;
	[sflag:s1] =	ssyncadd.s32 $0xFFFFF000;
	s0 =	sadd.s32 s12, s0  }
0x128: {  	[tilespmem:s13], [sflag:$0x2] =	stream.linear.gather [hbm4b:s0+s2], $0x1000, $0x38;
	[tilespmem:$0x1E6A0] =	vst v63  }
0x129: {  	s0 =	simm.s32 @!p0 $0x3  }
0x12a: {  	_ =	swait.ge @!p0 [sflag:s0], $0x1000  }
0x12b: {  	[sflag:s0] =	ssyncset.done @!p0 $0x0  }
0x12c: {  	[sflag:s0] =	ssyncadd.s32 @!p0 $0xFFFFF000  }
0x12d: {  	_ =	swait.ge @!p0 [sflag:s0], $0x1000  }
0x12e: {  	[sflag:s0] =	ssyncset.done @!p0 $0x0  }
0x12f: {  	s14 =	simm.s32 $0x18720;
	[sflag:s0] =	ssyncadd.s32 @!p0 $0xFFFFF000  }
0x130: {  	v0 =	vld [tilespmem:s14+$0x70]  }
0x131: {  	v1 =	vld [tilespmem:s14+$0xFFFFFF90]  }
0x132: {  	v2 =	vld [tilespmem:s14+$0xFFFFFFA0]  }
0x133: {  	v3 =	vld [tilespmem:s14+$0xFFFFFFB0]  }
0x134: {  	v4 =	vld [tilespmem:s14+$0xFFFFFFC0]  }
0x135: {  	v5 =	vld [tilespmem:s14+$0xFFFFFFD0]  }
0x136: {  	v6 =	vld [tilespmem:s14+$0xFFFFFFE0]  }
0x137: {  	v7 =	vld [tilespmem:s14+$0xFFFFFFF0]  }
0x138: {  	v9 =	vld [tilespmem:s14+$0x0]  }
0x139: {  	v10 =	vld [tilespmem:s14+$0x10]  }
0x13a: {  	v11 =	vld [tilespmem:s14+$0x20]  }
0x13b: {  	v12 =	vld [tilespmem:s14+$0x30]  }
0x13c: {  	v13 =	vld [tilespmem:s14+$0x40]  }
0x13d: {  	v14 =	vld [tilespmem:s14+$0x50]  }
0x13e: {  	v15 =	vld [tilespmem:s14+$0x60]  }
0x13f: {  	v8 =	vld.idx.msk [tilespmem:v0+s2+$0x0], $0xffff  }
0x140: {  	v16 =	vld.idx.msk [tilespmem:v1+s2+$0x0], $0xffff  }
0x141: {  	v17 =	vld.idx.msk [tilespmem:v2+s2+$0x0], $0xffff  }
0x142: {  	s31 =	simm.s32 $0xF0;
	v18 =	vld.idx.msk [tilespmem:v3+s2+$0x0], $0xffff  }
0x143: {  	s15 =	simm.s32 $0x0;
	s17 =	simm.s32 $0x10;
	s5 =	simm.s32 $0x20;
	v19 =	vld.idx.msk [tilespmem:v4+s2+$0x0], $0xffff  }
0x144: {  	s6 =	simm.s32 $0x30;
	s3 =	sand.u32 $0x1F0, s31;
	s1 =	sand.u32 $0xE00, s15;
	v20 =	vld.idx.msk [tilespmem:v5+s2+$0x0], $0xffff  }
0x145: {  	s18 =	simm.s32 $0x40;
	s3 =	sor.u32 s1, s3;
	s0 =	sand.u32 $0x110, s17;
	v59 =	vld.idx.msk [tilespmem:v7+s2+$0x0], $0xffff  }
0x146: {  	s20 =	simm.s32 $0x50;
	s5 =	sand.u32 $0x120, s5;
	s7 =	sor.u32 s1, s0;
	v60 =	vld.idx.msk [tilespmem:v9+s2+$0x0], $0xffff;
	[tilespmem:s3+$0x1A6A0] =	vst v8  }
0x147: {  	s21 =	simm.s32 $0x70;
	s5 =	sor.u32 s1, s5;
	s0 =	sand.u32 $0x140, s18;
	[tilespmem:s7+$0x1A6A0] =	vst v16;
	v0 =	vld.idx.msk [tilespmem:v0+s16+$0x0], $0xffff  }
0x148: {  	s19 =	sand.u32 $0x130, s6;
	s6 =	sand.u32 $0x150, s20;
	s9 =	sor.u32 s1, s0;
	v61 =	vld.idx.msk [tilespmem:v10+s2+$0x0], $0xffff;
	[tilespmem:s5+$0x1A6A0] =	vst v17  }
0x149: {  	s12 =	sor.u32 s1, s6;
	s0 =	sand.u32 $0x170, s21;
	v62 =	vld.idx.msk [tilespmem:v11+s2+$0x0], $0xffff;
	[tilespmem:s9+$0x1A6A0] =	vst v19  }
0x14a: {  	s22 =	simm.s32 $0x80;
	s13 =	sor.u32 s1, s0;
	[tilespmem:s12+$0x1A6A0] =	vst v20;
	v1 =	vld.idx.msk [tilespmem:v1+s16+$0x0], $0xffff  }
0x14b: {  	s10 =	simm.s32 $0x90;
	s6 =	sand.u32 $0x180, s22;
	v8 =	vld [tilespmem:s14+$0xFFFFFF80];
	[tilespmem:s13+$0x1A6A0] =	vst v59  }
0x14c: {  	s10 =	sand.u32 $0x190, s10;
	s18 =	sor.u32 s1, s6;
	[tilespmem:s3+$0x1B6A0] =	vst v0;
	v0 =	vld.idx.msk [tilespmem:v6+s2+$0x0], $0xffff  }
0x14d: {  	s6 =	sor.u32 s1, s10;
	[tilespmem:s18+$0x1A6A0] =	vst v60;
	v5 =	vld.idx.msk [tilespmem:v5+s16+$0x0], $0xffff  }
0x14e: {  	s8 =	simm.s32 $0x60;
	[tilespmem:s6+$0x1A6A0] =	vst v61;
	v7 =	vld.idx.msk [tilespmem:v7+s16+$0x0], $0xffff  }
0x14f: {  	s8 =	sand.u32 $0x160, s8;
	v63 =	vld.idx.msk [tilespmem:v15+s2+$0x0], $0xffff;
	s3 =	sor.u32 s1, s19;
	[tilespmem:s7+$0x1B6A0] =	vst v1  }
0x150: {  	s8 =	sor.u32 s1, s8;
	v1 =	vld.idx.msk [tilespmem:v4+s16+$0x0], $0xffff;
	[tilespmem:s3+$0x1A6A0] =	vst v18  }
0x151: {  	s23 =	simm.s32 $0xA0;
	[tilespmem:s8+$0x1A6A0] =	vst v0;
	v0 =	vld.idx.msk [tilespmem:v2+s16+$0x0], $0xffff  }
0x152: {  	s7 =	sand.u32 $0x1A0, s23;
	[tilespmem:s12+$0x1B6A0] =	vst v5;
	v3 =	vld.idx.msk [tilespmem:v3+s16+$0x0], $0xffff  }
0x153: {  	[tilespmem:s13+$0x1B6A0] =	vst v7;
	s10 =	sor.u32 s1, s7;
	v21 =	vld.idx.msk [tilespmem:v8+s2+$0x0], $0xffff  }
0x154: {  	v4 =	vld.idx.msk [tilespmem:v13+s2+$0x0], $0xffff;
	[tilespmem:s10+$0x1A6A0] =	vst v62  }
0x155: {  	v2 =	vld.idx.msk [tilespmem:v12+s2+$0x0], $0xffff;
	[tilespmem:s9+$0x1B6A0] =	vst v1  }
0x156: {  	s24 =	simm.s32 $0xB0;
	s25 =	simm.s32 $0xC0;
	s26 =	simm.s32 $0xD0;
	[tilespmem:s5+$0x1B6A0] =	vst v0;
	v0 =	vld.idx.msk [tilespmem:v14+s2+$0x0], $0xffff  }
0x157: {  	s28 =	simm.s32 $0xE0;
	s0 =	simm.s32 $0x1A6A0;
	v1 =	vld.idx.msk [tilespmem:v11+s16+$0x0], $0xffff;
	[tilespmem:s3+$0x1B6A0] =	vst v3;
	s3 =	sand.u32 $0x1C0, s25  }
0x158: {  	[tilespmem:s0+$0x0] =	vst v21;
	v3 =	vld.idx.msk [tilespmem:v6+s16+$0x0], $0xffff;
	s14 =	sor.u32 s1, s3;
	s3 =	sand.u32 $0x1E0, s28;
	s5 =	sand.u32 $0x1B0, s24  }
0x159: {  	v6 =	vld.idx.msk [tilespmem:v8+s16+$0x0], $0xffff;
	[tilespmem:s14+$0x1A6A0] =	vst v4;
	s25 =	sor.u32 s1, s3;
	s11 =	sor.u32 s1, s5;
	s5 =	sand.u32 $0x1D0, s26  }
0x15a: {  	v4 =	vld.idx.msk [tilespmem:v9+s16+$0x0], $0xffff;
	[tilespmem:s25+$0x1A6A0] =	vst v63;
	s15 =	sor.u32 s1, s5  }
0x15b: {  	[tilespmem:s15+$0x1A6A0] =	vst v0;
	v0 =	vld.idx.msk [tilespmem:v10+s16+$0x0], $0xffff  }
0x15c: {  	v9 =	vld.idx.msk [tilespmem:v15+s16+$0x0], $0xffff;
	[tilespmem:s11+$0x1A6A0] =	vst v2  }
0x15d: {  	[tilespmem:s8+$0x1B6A0] =	vst v3;
	s1 =	simm.s32 $0x1B6A0;
	v2 =	vld.idx.msk [tilespmem:v12+s16+$0x0], $0xffff  }
0x15e: {  	v3 =	vld.idx.msk [tilespmem:v13+s16+$0x0], $0xffff;
	[tilespmem:s1+$0x0] =	vst v6  }
0x15f: {  	s17 =	simm.s32 $0x0;
	s5 =	simm.s32 $0x18820;
	[tilespmem:s18+$0x1B6A0] =	vst v4;
	v8 =	vld.idx.msk [tilespmem:v14+s16+$0x0], $0xffff  }
.LBB2_9:
0x160: {  	v11 =	vld [tilespmem:s5+$0x70];
	s17 =	sadd.s32 $0x10, s17;
	[tilespmem:s6+$0x1B6A0] =	vst v0  }
0x161: {  	v4 =	vld [tilespmem:s5+$0xFFFFFF90];
	p0 =	slt.u32 s17, $0xF0;
	[tilespmem:s10+$0x1B6A0] =	vst v1  }
0x162: {  	v5 =	vld [tilespmem:s5+$0xFFFFFFA0];
	[tilespmem:s11+$0x1B6A0] =	vst v2  }
0x163: {  	v6 =	vld [tilespmem:s5+$0xFFFFFFB0];
	[tilespmem:s14+$0x1B6A0] =	vst v3  }
0x164: {  	v7 =	vld [tilespmem:s5+$0xFFFFFFC0];
	[tilespmem:s15+$0x1B6A0] =	vst v8  }
0x165: {  	v8 =	vld [tilespmem:s5+$0xFFFFFFD0];
	[tilespmem:s25+$0x1B6A0] =	vst v9  }
0x166: {  	v2 =	vld [tilespmem:s5+$0xFFFFFFE0]  }
0x167: {  	v0 =	vld [tilespmem:s5+$0xFFFFFFF0]  }
0x168: {  	v12 =	vld.idx.msk [tilespmem:v11+s2+$0x0], $0xffff  }
0x169: {  	v3 =	vld [tilespmem:s5+$0x0]  }
0x16a: {  	s31 =	sadd.s32 $0x100, s31;
	v1 =	vld [tilespmem:s5+$0x10]  }
0x16b: {  	s3 =	sadd.s32 $0xFFFFFF10, s31;
	s6 =	sadd.s32 $0xFFFFFF20, s31;
	s7 =	sadd.s32 $0xFFFFFF30, s31;
	v9 =	vld [tilespmem:s5+$0x20]  }
0x16c: {  	s8 =	sand.u32 $0x1F0, s31;
	s19 =	sand.u32 $0xE00, s3;
	s3 =	sadd.s32 $0xFFFFFF40, s31;
	v10 =	vld [tilespmem:s5+$0x30]  }
0x16d: {  	s9 =	sadd.s32 $0xFFFFFF50, s31;
	s10 =	sadd.s32 $0xFFFFFF60, s31;
	s8 =	sor.u32 s19, s8;
	v13 =	vld [tilespmem:s5+$0x40]  }
0x16e: {  	s12 =	sadd.s32 $0xFFFFFF80, s31;
	s13 =	sadd.s32 $0xFFFFFF90, s31;
	s11 =	sadd.s32 $0xFFFFFF70, s31;
	v14 =	vld [tilespmem:s5+$0x50];
	[tilespmem:s8+$0x1A6A0] =	vst v12  }
0x16f: {  	s18 =	sadd.s32 $0xFFFFFFC0, s31;
	s14 =	sadd.s32 $0xFFFFFFA0, s31;
	s15 =	sadd.s32 $0xFFFFFFB0, s31;
	v11 =	vld.idx.msk [tilespmem:v11+s16+$0x0], $0xffff  }
0x170: {  	s20 =	sadd.s32 $0xFFFFFFD0, s31;
	s21 =	sadd.s32 $0xFFFFFFE0, s31;
	s22 =	sadd.s32 $0xFFFFFFF0, s31;
	v12 =	vld [tilespmem:s5+$0x60]  }
0x171: {  	s6 =	sand.u32 $0x110, s6;
	s23 =	sand.u32 $0x120, s7;
	s3 =	sand.u32 $0x130, s3;
	v15 =	vld [tilespmem:s5+$0xFFFFFF80]  }
0x172: {  	s24 =	sand.u32 $0x140, s9;
	s10 =	sand.u32 $0x150, s10;
	s11 =	sand.u32 $0x160, s11;
	v16 =	vld.idx.msk [tilespmem:v4+s2+$0x0], $0xffff  }
0x173: {  	s12 =	sand.u32 $0x170, s12;
	s13 =	sand.u32 $0x180, s13;
	s14 =	sand.u32 $0x190, s14;
	v17 =	vld.idx.msk [tilespmem:v5+s2+$0x0], $0xffff  }
0x174: {  	s18 =	sand.u32 $0x1B0, s18;
	s15 =	sand.u32 $0x1A0, s15;
	s25 =	sand.u32 $0x1C0, s20;
	v18 =	vld.idx.msk [tilespmem:v6+s2+$0x0], $0xffff  }
0x175: {  	s26 =	sand.u32 $0x1D0, s21;
	s22 =	sand.u32 $0x1E0, s22;
	s7 =	sor.u32 s19, s6;
	v19 =	vld.idx.msk [tilespmem:v7+s2+$0x0], $0xffff;
	[tilespmem:s8+$0x1B6A0] =	vst v11  }
0x176: {  	s9 =	sor.u32 s19, s23;
	s23 =	sor.u32 s19, s24;
	s8 =	sor.u32 s19, s3;
	v11 =	vld.idx.msk [tilespmem:v8+s2+$0x0], $0xffff  }
0x177: {  	s24 =	sor.u32 s19, s10;
	s28 =	sor.u32 s19, s12;
	s21 =	sor.u32 s19, s11;
	v20 =	vld.idx.msk [tilespmem:v2+s2+$0x0], $0xffff  }
0x178: {  	s20 =	sor.u32 s19, s13;
	s6 =	sor.u32 s19, s14;
	s10 =	sor.u32 s19, s15;
	[tilespmem:s7+$0x1A6A0] =	vst v16;
	v16 =	vld.idx.msk [tilespmem:v0+s2+$0x0], $0xffff  }
0x179: {  	s11 =	sor.u32 s19, s18;
	s14 =	sor.u32 s19, s25;
	s15 =	sor.u32 s19, s26;
	v21 =	vld.idx.msk [tilespmem:v15+s2+$0x0], $0xffff;
	[tilespmem:s9+$0x1A6A0] =	vst v17  }
0x17a: {  	s25 =	sor.u32 s19, s22;
	[tilespmem:s8+$0x1A6A0] =	vst v18;
	v17 =	vld.idx.msk [tilespmem:v3+s2+$0x0], $0xffff  }
0x17b: {  	[tilespmem:s23+$0x1A6A0] =	vst v19;
	v18 =	vld.idx.msk [tilespmem:v1+s2+$0x0], $0xffff  }
0x17c: {  	[tilespmem:s24+$0x1A6A0] =	vst v11;
	v11 =	vld.idx.msk [tilespmem:v9+s2+$0x0], $0xffff  }
0x17d: {  	[tilespmem:s21+$0x1A6A0] =	vst v20;
	v19 =	vld.idx.msk [tilespmem:v10+s2+$0x0], $0xffff  }
0x17e: {  	s0 =	sadd.s32 $0x100, s0;
	[tilespmem:s28+$0x1A6A0] =	vst v16;
	v16 =	vld.idx.msk [tilespmem:v13+s2+$0x0], $0xffff  }
0x17f: {  	[tilespmem:s0+$0x0] =	vst v21;
	v20 =	vld.idx.msk [tilespmem:v14+s2+$0x0], $0xffff  }
0x180: {  	[tilespmem:s20+$0x1A6A0] =	vst v17;
	v17 =	vld.idx.msk [tilespmem:v12+s2+$0x0], $0xffff  }
0x181: {  	v15 =	vld.idx.msk [tilespmem:v15+s16+$0x0], $0xffff;
	[tilespmem:s6+$0x1A6A0] =	vst v18  }
0x182: {  	v4 =	vld.idx.msk [tilespmem:v4+s16+$0x0], $0xffff;
	[tilespmem:s10+$0x1A6A0] =	vst v11  }
0x183: {  	v5 =	vld.idx.msk [tilespmem:v5+s16+$0x0], $0xffff;
	[tilespmem:s11+$0x1A6A0] =	vst v19  }
0x184: {  	v6 =	vld.idx.msk [tilespmem:v6+s16+$0x0], $0xffff;
	[tilespmem:s14+$0x1A6A0] =	vst v16  }
0x185: {  	v7 =	vld.idx.msk [tilespmem:v7+s16+$0x0], $0xffff;
	[tilespmem:s15+$0x1A6A0] =	vst v20  }
0x186: {  	s1 =	sadd.s32 $0x100, s1;
	v8 =	vld.idx.msk [tilespmem:v8+s16+$0x0], $0xffff;
	[tilespmem:s25+$0x1A6A0] =	vst v17  }
0x187: {  	[tilespmem:s1+$0x0] =	vst v15;
	v11 =	vld.idx.msk [tilespmem:v2+s16+$0x0], $0xffff  }
0x188: {  	[tilespmem:s7+$0x1B6A0] =	vst v4;
	v4 =	vld.idx.msk [tilespmem:v0+s16+$0x0], $0xffff  }
0x189: {  	[tilespmem:s9+$0x1B6A0] =	vst v5;
	v5 =	vld.idx.msk [tilespmem:v3+s16+$0x0], $0xffff  }
0x18a: {  	[tilespmem:s8+$0x1B6A0] =	vst v6;
	v0 =	vld.idx.msk [tilespmem:v1+s16+$0x0], $0xffff  }
.Ltmp3:
0x18b: {  	[tilespmem:s23+$0x1B6A0] =	vst v7;
	v1 =	vld.idx.msk [tilespmem:v9+s16+$0x0], $0xffff;
	(pc) =	sbr.rel @p0 .LBB2_9-.Ltmp3, $4  }
0x18c: {  	[tilespmem:s24+$0x1B6A0] =	vst v8;
	v2 =	vld.idx.msk [tilespmem:v10+s16+$0x0], $0xffff  }
0x18d: {  	[tilespmem:s21+$0x1B6A0] =	vst v11;
	v3 =	vld.idx.msk [tilespmem:v13+s16+$0x0], $0xffff  }
0x18e: {  	[tilespmem:s28+$0x1B6A0] =	vst v4;
	v8 =	vld.idx.msk [tilespmem:v14+s16+$0x0], $0xffff  }
0x18f: {  	s5 =	sadd.s32 $0x100, s5;
	[tilespmem:s20+$0x1B6A0] =	vst v5;
	v9 =	vld.idx.msk [tilespmem:v12+s16+$0x0], $0xffff  }
0x190: {  	[tilespmem:s6+$0x1B6A0] =	vst v0  }
0x191: {  	[tilespmem:s10+$0x1B6A0] =	vst v1  }
0x192: {  	[tilespmem:s11+$0x1B6A0] =	vst v2  }
0x193: {  	[tilespmem:s14+$0x1B6A0] =	vst v3  }
0x194: {  	s0 =	sshll.u32 s29, $0xD;
	s1 =	rddreg [dreg:$0xa];
	[tilespmem:s15+$0x1B6A0] =	vst v8  }
0x195: {  	s1 =	sor.u32 s1, s0;
	[tilespmem:s25+$0x1B6A0] =	vst v9  }
0x196: {  	s1 =	sshrl.u32 s1, $0x3;
	s9 =	rddreg [dreg:$0xb]  }
0x197: {  	s3 =	simm.s32 $0x1A6A0;
	s1 =	sadd.s32 s4, s1;
	s0 =	sor.u32 s9, s0  }
0x198: {  	[hbm4b:s1+s2] =	stream.linear.scatter [tilespmem:s3], [sflag:$0x3], $0x1000, $0x38;
	[tilespmem:$0x1E6A0] =	vst v63  }
0x199: {  	s10 =	simm.s32 $0x1B6A0;
	s0 =	sshrl.u32 s0, $0x3  }
0x19a: {  	p0 =	seq.s32 s29, $0x1F;
	s11 =	simm.s32 $0x2;
	s0 =	sadd.s32 s4, s0  }
0x19b: {  	[hbm4b:s0+s2] =	stream.linear.scatter [tilespmem:s10], [sflag:$0x3], $0x1000, $0x38;
	[tilespmem:$0x1E6A0] =	vst v63  }
0x19c: {  	p1 =	seq.s32 @!p0 s29, $0x0;
	s3 =	simm.s32 @!p0 $0x186A0;
	_ =	swait.ge [sflag:s11], $0x1000  }
0x19d: {  	s0 =	sshll.u32 @!p0 s29, $0xA;
	[sflag:s11] =	ssyncset.done $0x0;
	s1 =	rddreg [dreg:$0x7]  }
0x19e: {  	[sflag:s11] =	ssyncadd.s32 $0xFFFFF000;
	s0 =	sadd.s32 @!p0 s0, s1;
	s1 =	simm.s32 @!p0 $0x0  }
0x19f: {  	[tilespmem:s3], [sflag:$0x1] =	stream.linear.gather @!p0 [hbm4b:s0+s1], $0x1000, $0x38;
	[tilespmem:$0x1E6A0] =	vst v63  }
0x1a0: {  	p0 =	por p0, !p1  }
0x1a1: {  	s0 =	simm.s32 @p0 $0x4  }
0x1a2: {  	_ =	swait.ge @p0 [sflag:s0], $0x1000  }
0x1a3: {  	[sflag:s0] =	ssyncset.done @p0 $0x0  }
0x1a4: {  	[sflag:s0] =	ssyncadd.s32 @p0 $0xFFFFF000  }
0x1a5: {  	_ =	swait.ge @p0 [sflag:s0], $0x1000  }
0x1a6: {  	[sflag:s0] =	ssyncset.done @p0 $0x0  }
0x1a7: {  	s12 =	simm.s32 $0x19720;
	[sflag:s0] =	ssyncadd.s32 @p0 $0xFFFFF000  }
0x1a8: {  	v0 =	vld [tilespmem:s12+$0x70]  }
0x1a9: {  	v1 =	vld [tilespmem:s12+$0xFFFFFF90]  }
0x1aa: {  	v2 =	vld [tilespmem:s12+$0xFFFFFFA0]  }
0x1ab: {  	v3 =	vld [tilespmem:s12+$0xFFFFFFB0]  }
0x1ac: {  	v4 =	vld [tilespmem:s12+$0xFFFFFFC0]  }
0x1ad: {  	v5 =	vld [tilespmem:s12+$0xFFFFFFD0]  }
0x1ae: {  	v6 =	vld [tilespmem:s12+$0xFFFFFFE0]  }
0x1af: {  	v7 =	vld [tilespmem:s12+$0xFFFFFFF0]  }
0x1b0: {  	v9 =	vld [tilespmem:s12+$0x0]  }
0x1b1: {  	v10 =	vld [tilespmem:s12+$0x10]  }
0x1b2: {  	v11 =	vld [tilespmem:s12+$0x20]  }
0x1b3: {  	v12 =	vld [tilespmem:s12+$0x30]  }
0x1b4: {  	v13 =	vld [tilespmem:s12+$0x40]  }
0x1b5: {  	v14 =	vld [tilespmem:s12+$0x50]  }
0x1b6: {  	v15 =	vld [tilespmem:s12+$0x60]  }
0x1b7: {  	v8 =	vld.idx.msk [tilespmem:v0+s2+$0x0], $0xffff  }
0x1b8: {  	v16 =	vld.idx.msk [tilespmem:v1+s2+$0x0], $0xffff  }
0x1b9: {  	v17 =	vld.idx.msk [tilespmem:v2+s2+$0x0], $0xffff  }
0x1ba: {  	s31 =	simm.s32 $0xF0;
	s13 =	simm.s32 $0x0;
	v18 =	vld.idx.msk [tilespmem:v3+s2+$0x0], $0xffff  }
0x1bb: {  	s14 =	sand.u32 $0x1F0, s31;
	s1 =	sand.u32 $0xE00, s13;
	v19 =	vld.idx.msk [tilespmem:v4+s2+$0x0], $0xffff  }
0x1bc: {  	s15 =	simm.s32 $0x10;
	s3 =	sor.u32 s1, s14;
	v20 =	vld.idx.msk [tilespmem:v5+s2+$0x0], $0xffff  }
0x1bd: {  	s5 =	simm.s32 $0x20;
	s0 =	sand.u32 $0x110, s15;
	[tilespmem:s3+$0x1C6A0] =	vst v8;
	v8 =	vld [tilespmem:s12+$0xFFFFFF80]  }
0x1be: {  	s17 =	simm.s32 $0x30;
	s7 =	sand.u32 $0x120, s5;
	s5 =	sor.u32 s1, s0;
	v0 =	vld.idx.msk [tilespmem:v0+s16+$0x0], $0xffff  }
0x1bf: {  	s18 =	simm.s32 $0x40;
	s19 =	sand.u32 $0x130, s17;
	s7 =	sor.u32 s1, s7;
	v57 =	vld.idx.msk [tilespmem:v7+s2+$0x0], $0xffff;
	[tilespmem:s5+$0x1C6A0] =	vst v16  }
0x1c0: {  	s8 =	sor.u32 s1, s19;
	s0 =	sand.u32 $0x140, s18;
	v63 =	vld.idx.msk [tilespmem:v15+s2+$0x0], $0xffff;
	[tilespmem:s7+$0x1C6A0] =	vst v17  }
0x1c1: {  	s20 =	simm.s32 $0x50;
	s22 =	simm.s32 $0x70;
	s9 =	sor.u32 s1, s0;
	v58 =	vld.idx.msk [tilespmem:v9+s2+$0x0], $0xffff;
	[tilespmem:s8+$0x1C6A0] =	vst v18  }
0x1c2: {  	s23 =	simm.s32 $0x80;
	s19 =	simm.s32 $0xE0;
	s0 =	sand.u32 $0x170, s22;
	v59 =	vld.idx.msk [tilespmem:v10+s2+$0x0], $0xffff;
	[tilespmem:s9+$0x1C6A0] =	vst v19  }
0x1c3: {  	s25 =	simm.s32 $0xA0;
	s19 =	sand.u32 $0x1E0, s19;
	s13 =	sor.u32 s1, s0;
	[tilespmem:s3+$0x1D6A0] =	vst v0;
	v0 =	vld.idx.msk [tilespmem:v6+s2+$0x0], $0xffff  }
0x1c4: {  	s6 =	sand.u32 $0x150, s20;
	s11 =	sand.u32 $0x1A0, s25;
	s25 =	sor.u32 s1, s19;
	v60 =	vld.idx.msk [tilespmem:v11+s2+$0x0], $0xffff;
	[tilespmem:s13+$0x1C6A0] =	vst v57  }
0x1c5: {  	s21 =	simm.s32 $0x60;
	s12 =	sor.u32 s1, s6;
	s6 =	sand.u32 $0x180, s23;
	[tilespmem:s25+$0x1C6A0] =	vst v63;
	v1 =	vld.idx.msk [tilespmem:v1+s16+$0x0], $0xffff  }
0x1c6: {  	s24 =	simm.s32 $0x90;
	[tilespmem:s12+$0x1C6A0] =	vst v20;
	s18 =	sor.u32 s1, s6;
	s3 =	sand.u32 $0x160, s21;
	v21 =	vld.idx.msk [tilespmem:v8+s2+$0x0], $0xffff  }
0x1c7: {  	s10 =	sand.u32 $0x190, s24;
	v61 =	vld.idx.msk [tilespmem:v13+s2+$0x0], $0xffff;
	[tilespmem:s18+$0x1C6A0] =	vst v58;
	s3 =	sor.u32 s1, s3  }
0x1c8: {  	s6 =	sor.u32 s1, s10;
	s10 =	sor.u32 s1, s11;
	[tilespmem:s3+$0x1C6A0] =	vst v0;
	v0 =	vld.idx.msk [tilespmem:v12+s2+$0x0], $0xffff  }
0x1c9: {  	v62 =	vld.idx.msk [tilespmem:v14+s2+$0x0], $0xffff;
	[tilespmem:s10+$0x1C6A0] =	vst v60  }
0x1ca: {  	s26 =	simm.s32 $0xB0;
	s0 =	simm.s32 $0x1C6A0;
	v2 =	vld.idx.msk [tilespmem:v2+s16+$0x0], $0xffff;
	[tilespmem:s5+$0x1D6A0] =	vst v1  }
0x1cb: {  	s28 =	simm.s32 $0xC0;
	s14 =	sand.u32 $0x1B0, s26;
	v1 =	vld.idx.msk [tilespmem:v11+s16+$0x0], $0xffff;
	[tilespmem:s0+$0x0] =	vst v21  }
0x1cc: {  	s17 =	simm.s32 $0xD0;
	s15 =	sand.u32 $0x1C0, s28;
	s11 =	sor.u32 s1, s14;
	[tilespmem:s6+$0x1C6A0] =	vst v59;
	v8 =	vld.idx.msk [tilespmem:v8+s16+$0x0], $0xffff  }
0x1cd: {  	s17 =	sand.u32 $0x1D0, s17;
	s14 =	sor.u32 s1, s15;
	[tilespmem:s11+$0x1C6A0] =	vst v0;
	v0 =	vld.idx.msk [tilespmem:v3+s16+$0x0], $0xffff  }
0x1ce: {  	s15 =	sor.u32 s1, s17;
	[tilespmem:s14+$0x1C6A0] =	vst v61;
	v3 =	vld.idx.msk [tilespmem:v4+s16+$0x0], $0xffff  }
0x1cf: {  	[tilespmem:s15+$0x1C6A0] =	vst v62;
	v4 =	vld.idx.msk [tilespmem:v5+s16+$0x0], $0xffff  }
0x1d0: {  	[tilespmem:s7+$0x1D6A0] =	vst v2;
	s1 =	simm.s32 $0x1D6A0;
	v5 =	vld.idx.msk [tilespmem:v6+s16+$0x0], $0xffff  }
0x1d1: {  	v6 =	vld.idx.msk [tilespmem:v7+s16+$0x0], $0xffff;
	[tilespmem:s1+$0x0] =	vst v8  }
0x1d2: {  	v7 =	vld.idx.msk [tilespmem:v9+s16+$0x0], $0xffff;
	[tilespmem:s8+$0x1D6A0] =	vst v0  }
0x1d3: {  	v0 =	vld.idx.msk [tilespmem:v10+s16+$0x0], $0xffff;
	[tilespmem:s9+$0x1D6A0] =	vst v3  }
0x1d4: {  	v9 =	vld.idx.msk [tilespmem:v15+s16+$0x0], $0xffff;
	[tilespmem:s12+$0x1D6A0] =	vst v4  }
0x1d5: {  	v2 =	vld.idx.msk [tilespmem:v12+s16+$0x0], $0xffff;
	[tilespmem:s3+$0x1D6A0] =	vst v5  }
0x1d6: {  	v3 =	vld.idx.msk [tilespmem:v13+s16+$0x0], $0xffff;
	[tilespmem:s13+$0x1D6A0] =	vst v6  }
0x1d7: {  	s17 =	simm.s32 $0x0;
	s5 =	simm.s32 $0x19820;
	v8 =	vld.idx.msk [tilespmem:v14+s16+$0x0], $0xffff;
	[tilespmem:s18+$0x1D6A0] =	vst v7  }
.LBB2_11:
0x1d8: {  	v11 =	vld [tilespmem:s5+$0x70];
	s17 =	sadd.s32 $0x10, s17;
	[tilespmem:s6+$0x1D6A0] =	vst v0  }
0x1d9: {  	v4 =	vld [tilespmem:s5+$0xFFFFFF90];
	p0 =	slt.u32 s17, $0xF0;
	[tilespmem:s10+$0x1D6A0] =	vst v1  }
0x1da: {  	v5 =	vld [tilespmem:s5+$0xFFFFFFA0];
	[tilespmem:s11+$0x1D6A0] =	vst v2  }
0x1db: {  	v6 =	vld [tilespmem:s5+$0xFFFFFFB0];
	[tilespmem:s14+$0x1D6A0] =	vst v3  }
0x1dc: {  	v7 =	vld [tilespmem:s5+$0xFFFFFFC0];
	[tilespmem:s15+$0x1D6A0] =	vst v8  }
0x1dd: {  	v8 =	vld [tilespmem:s5+$0xFFFFFFD0];
	[tilespmem:s25+$0x1D6A0] =	vst v9  }
0x1de: {  	v2 =	vld [tilespmem:s5+$0xFFFFFFE0]  }
0x1df: {  	v0 =	vld [tilespmem:s5+$0xFFFFFFF0]  }
0x1e0: {  	v12 =	vld.idx.msk [tilespmem:v11+s2+$0x0], $0xffff  }
0x1e1: {  	v3 =	vld [tilespmem:s5+$0x0]  }
0x1e2: {  	s31 =	sadd.s32 $0x100, s31;
	v1 =	vld [tilespmem:s5+$0x10]  }
0x1e3: {  	s3 =	sadd.s32 $0xFFFFFF10, s31;
	s6 =	sadd.s32 $0xFFFFFF20, s31;
	s7 =	sadd.s32 $0xFFFFFF30, s31;
	v9 =	vld [tilespmem:s5+$0x20]  }
0x1e4: {  	s8 =	sand.u32 $0x1F0, s31;
	s19 =	sand.u32 $0xE00, s3;
	s3 =	sadd.s32 $0xFFFFFF40, s31;
	v10 =	vld [tilespmem:s5+$0x30]  }
0x1e5: {  	s9 =	sadd.s32 $0xFFFFFF50, s31;
	s10 =	sadd.s32 $0xFFFFFF60, s31;
	s8 =	sor.u32 s19, s8;
	v13 =	vld [tilespmem:s5+$0x40]  }
0x1e6: {  	s12 =	sadd.s32 $0xFFFFFF80, s31;
	s13 =	sadd.s32 $0xFFFFFF90, s31;
	s11 =	sadd.s32 $0xFFFFFF70, s31;
	v14 =	vld [tilespmem:s5+$0x50];
	[tilespmem:s8+$0x1C6A0] =	vst v12  }
0x1e7: {  	s18 =	sadd.s32 $0xFFFFFFC0, s31;
	s14 =	sadd.s32 $0xFFFFFFA0, s31;
	s15 =	sadd.s32 $0xFFFFFFB0, s31;
	v11 =	vld.idx.msk [tilespmem:v11+s16+$0x0], $0xffff  }
0x1e8: {  	s20 =	sadd.s32 $0xFFFFFFD0, s31;
	s21 =	sadd.s32 $0xFFFFFFE0, s31;
	s22 =	sadd.s32 $0xFFFFFFF0, s31;
	v12 =	vld [tilespmem:s5+$0x60]  }
0x1e9: {  	s6 =	sand.u32 $0x110, s6;
	s23 =	sand.u32 $0x120, s7;
	s3 =	sand.u32 $0x130, s3;
	v15 =	vld [tilespmem:s5+$0xFFFFFF80]  }
0x1ea: {  	s24 =	sand.u32 $0x140, s9;
	s10 =	sand.u32 $0x150, s10;
	s11 =	sand.u32 $0x160, s11;
	v16 =	vld.idx.msk [tilespmem:v4+s2+$0x0], $0xffff  }
0x1eb: {  	s12 =	sand.u32 $0x170, s12;
	s13 =	sand.u32 $0x180, s13;
	s14 =	sand.u32 $0x190, s14;
	v17 =	vld.idx.msk [tilespmem:v5+s2+$0x0], $0xffff  }
0x1ec: {  	s18 =	sand.u32 $0x1B0, s18;
	s15 =	sand.u32 $0x1A0, s15;
	s25 =	sand.u32 $0x1C0, s20;
	v18 =	vld.idx.msk [tilespmem:v6+s2+$0x0], $0xffff  }
0x1ed: {  	s26 =	sand.u32 $0x1D0, s21;
	s22 =	sand.u32 $0x1E0, s22;
	s7 =	sor.u32 s19, s6;
	v19 =	vld.idx.msk [tilespmem:v7+s2+$0x0], $0xffff;
	[tilespmem:s8+$0x1D6A0] =	vst v11  }
0x1ee: {  	s9 =	sor.u32 s19, s23;
	s23 =	sor.u32 s19, s24;
	s8 =	sor.u32 s19, s3;
	v11 =	vld.idx.msk [tilespmem:v8+s2+$0x0], $0xffff  }
0x1ef: {  	s24 =	sor.u32 s19, s10;
	s28 =	sor.u32 s19, s12;
	s21 =	sor.u32 s19, s11;
	v20 =	vld.idx.msk [tilespmem:v2+s2+$0x0], $0xffff  }
0x1f0: {  	s20 =	sor.u32 s19, s13;
	s6 =	sor.u32 s19, s14;
	s10 =	sor.u32 s19, s15;
	[tilespmem:s7+$0x1C6A0] =	vst v16;
	v16 =	vld.idx.msk [tilespmem:v0+s2+$0x0], $0xffff  }
0x1f1: {  	s11 =	sor.u32 s19, s18;
	s14 =	sor.u32 s19, s25;
	s15 =	sor.u32 s19, s26;
	v21 =	vld.idx.msk [tilespmem:v15+s2+$0x0], $0xffff;
	[tilespmem:s9+$0x1C6A0] =	vst v17  }
0x1f2: {  	s25 =	sor.u32 s19, s22;
	[tilespmem:s8+$0x1C6A0] =	vst v18;
	v17 =	vld.idx.msk [tilespmem:v3+s2+$0x0], $0xffff  }
0x1f3: {  	[tilespmem:s23+$0x1C6A0] =	vst v19;
	v18 =	vld.idx.msk [tilespmem:v1+s2+$0x0], $0xffff  }
0x1f4: {  	[tilespmem:s24+$0x1C6A0] =	vst v11;
	v11 =	vld.idx.msk [tilespmem:v9+s2+$0x0], $0xffff  }
0x1f5: {  	[tilespmem:s21+$0x1C6A0] =	vst v20;
	v19 =	vld.idx.msk [tilespmem:v10+s2+$0x0], $0xffff  }
0x1f6: {  	s0 =	sadd.s32 $0x100, s0;
	[tilespmem:s28+$0x1C6A0] =	vst v16;
	v16 =	vld.idx.msk [tilespmem:v13+s2+$0x0], $0xffff  }
0x1f7: {  	[tilespmem:s0+$0x0] =	vst v21;
	v20 =	vld.idx.msk [tilespmem:v14+s2+$0x0], $0xffff  }
0x1f8: {  	[tilespmem:s20+$0x1C6A0] =	vst v17;
	v17 =	vld.idx.msk [tilespmem:v12+s2+$0x0], $0xffff  }
0x1f9: {  	v15 =	vld.idx.msk [tilespmem:v15+s16+$0x0], $0xffff;
	[tilespmem:s6+$0x1C6A0] =	vst v18  }
0x1fa: {  	v4 =	vld.idx.msk [tilespmem:v4+s16+$0x0], $0xffff;
	[tilespmem:s10+$0x1C6A0] =	vst v11  }
0x1fb: {  	v5 =	vld.idx.msk [tilespmem:v5+s16+$0x0], $0xffff;
	[tilespmem:s11+$0x1C6A0] =	vst v19  }
0x1fc: {  	v6 =	vld.idx.msk [tilespmem:v6+s16+$0x0], $0xffff;
	[tilespmem:s14+$0x1C6A0] =	vst v16  }
0x1fd: {  	v7 =	vld.idx.msk [tilespmem:v7+s16+$0x0], $0xffff;
	[tilespmem:s15+$0x1C6A0] =	vst v20  }
0x1fe: {  	s1 =	sadd.s32 $0x100, s1;
	v8 =	vld.idx.msk [tilespmem:v8+s16+$0x0], $0xffff;
	[tilespmem:s25+$0x1C6A0] =	vst v17  }
0x1ff: {  	[tilespmem:s1+$0x0] =	vst v15;
	v11 =	vld.idx.msk [tilespmem:v2+s16+$0x0], $0xffff  }
0x200: {  	[tilespmem:s7+$0x1D6A0] =	vst v4;
	v4 =	vld.idx.msk [tilespmem:v0+s16+$0x0], $0xffff  }
0x201: {  	[tilespmem:s9+$0x1D6A0] =	vst v5;
	v5 =	vld.idx.msk [tilespmem:v3+s16+$0x0], $0xffff  }
0x202: {  	[tilespmem:s8+$0x1D6A0] =	vst v6;
	v0 =	vld.idx.msk [tilespmem:v1+s16+$0x0], $0xffff  }
.Ltmp4:
0x203: {  	[tilespmem:s23+$0x1D6A0] =	vst v7;
	v1 =	vld.idx.msk [tilespmem:v9+s16+$0x0], $0xffff;
	(pc) =	sbr.rel @p0 .LBB2_11-.Ltmp4, $4  }
0x204: {  	[tilespmem:s24+$0x1D6A0] =	vst v8;
	v2 =	vld.idx.msk [tilespmem:v10+s16+$0x0], $0xffff  }
0x205: {  	[tilespmem:s21+$0x1D6A0] =	vst v11;
	v3 =	vld.idx.msk [tilespmem:v13+s16+$0x0], $0xffff  }
0x206: {  	[tilespmem:s28+$0x1D6A0] =	vst v4;
	v8 =	vld.idx.msk [tilespmem:v14+s16+$0x0], $0xffff  }
0x207: {  	s5 =	sadd.s32 $0x100, s5;
	[tilespmem:s20+$0x1D6A0] =	vst v5;
	v9 =	vld.idx.msk [tilespmem:v12+s16+$0x0], $0xffff  }
0x208: {  	[tilespmem:s6+$0x1D6A0] =	vst v0  }
0x209: {  	[tilespmem:s10+$0x1D6A0] =	vst v1  }
0x20a: {  	[tilespmem:s11+$0x1D6A0] =	vst v2  }
0x20b: {  	[tilespmem:s14+$0x1D6A0] =	vst v3  }
0x20c: {  	s0 =	sshll.u32 s30, $0xC;
	s1 =	rddreg [dreg:$0xa];
	[tilespmem:s15+$0x1D6A0] =	vst v8  }
0x20d: {  	s3 =	simm.s32 $0x1C6A0;
	s29 =	sadd.s32 $0x1, s29;
	s1 =	sor.u32 s1, s0;
	[tilespmem:s25+$0x1D6A0] =	vst v9  }
0x20e: {  	p0 =	sne.s32 s29, $0x20;
	s1 =	sshrl.u32 s1, $0x3;
	s30 =	rddreg [dreg:$0xb]  }
.Ltmp5:
0x20f: {  	s1 =	sadd.s32 s4, s1;
	s0 =	sor.u32 s30, s0;
	(pc) =	sbr.rel @p0 .LBB2_8-.Ltmp5, $4  }
0x210: {  	[hbm4b:s1+s2] =	stream.linear.scatter [tilespmem:s3], [sflag:$0x4], $0x1000, $0x38;
	[tilespmem:$0x1E6A0] =	vst v63  }
0x211: {  	s0 =	sshrl.u32 s0, $0x3  }
0x212: {  	s31 =	simm.s32 $0x1D6A0;
	s0 =	sadd.s32 s4, s0  }
0x213: {  	[hbm4b:s0+s2] =	stream.linear.scatter [tilespmem:s31], [sflag:$0x4], $0x1000, $0x38;
	[tilespmem:$0x1E6A0] =	vst v63  }
0x214: {  	s0 =	simm.s32 $0x3  }
0x215: {  	_ =	swait.ge [sflag:s0], $0x1000  }
0x216: {  	[sflag:s0] =	ssyncset.done $0x0  }
0x217: {  	[sflag:s0] =	ssyncadd.s32 $0xFFFFF000  }
0x218: {  	_ =	swait.ge [sflag:s0], $0x1000  }
0x219: {  	[sflag:s0] =	ssyncset.done $0x0  }
0x21a: {  	s1 =	simm.s32 $0x4;
	[sflag:s0] =	ssyncadd.s32 $0xFFFFF000  }
0x21b: {  	_ =	swait.ge [sflag:s1], $0x1000  }
0x21c: {  	[sflag:s1] =	ssyncset.done $0x0  }
0x21d: {  	[sflag:s1] =	ssyncadd.s32 $0xFFFFF000  }
0x21e: {  	_ =	swait.ge [sflag:s1], $0x1000  }
0x21f: {  	s3 =	rddreg [dreg:$0xd]  }
0x220: {  	s31 =	rddreg [dreg:$0xc];
	s3 =	sadd.s32 $0x1, s3  }
0x221: {  	p0 =	sne.s32 s3, s31  }
.Ltmp6:
0x222: {  	_ = 	snop;
	(pc) =	sbr.rel @p0 .LBB2_1-.Ltmp6, $3  }
0x223: {  	_ =	sdelay $0x1  }
0x224: {  	[sflag:s1] =	ssyncset.done $0x0  }
0x225: {  	[sflag:s1] =	ssyncadd.s32 $0xFFFFF000  }
0x226: {  	_ =	sfence.sel $0x180000  }
0x227: {  	[bflag:$0x0] =	sbarrier.arrive $0xFFFF  }
0x228: {  	_ =	strace $0x9000004D  }
0x229: {  	s0 =	stileid.u32;
	[bflag:$0x2] =	sbarrier.arrive $0xFFFF  }
0x22a: {  	p0 =	sne.s32 s0, $0x0;
	s0 =	rddreg [dreg:$0x1]  }
0x22b: {  	s0 =	sadd.s32 @!p0 $0x100000, s0  }
0x22c: {  	[sflag:s0] =	ssyncadd.tile.s32 @!p0 $0x1;
	_ =	shalt  }
.Lfunc_end2:
_tile_overlayer_lowered:
.L_overlay_start_2:
0x22d: {  	(tag) =	ssettag $0x2  }
0x22e: {  	s0 =	rddreg [dreg:$0x0];
	s2 =	stileid.u32  }
0x22f: {  	s1 =	rddreg [dreg:$0x1];
	p0 =	sne.s32 s2, $0x0  }
0x230: {  	s3 =	rddreg [dreg:$0x2];
	[bflag:$0x3] =	sbarrier.arrive $0xFFFF;
	s2 =	simm.s32 @!p0 $0x1C05  }
0x231: {  	[timem:s3], [sflag:s2] =	dma.local @!p0 [hbm:s0], s1  }
0x232: {  	s0 =	simm.s32 @!p0 $0x5  }
0x233: {  	_ =	swait.ge @!p0 [sflag:s0], s1  }
0x234: {  	s1 =	ssub.s32 @!p0 $0x0, s1;
	[sflag:s0] =	ssyncset.done @!p0 $0x0  }
0x235: {  	[sflag:s0] =	ssyncadd.s32 @!p0 s1  }
0x236: {  	[bflag:$0x3] =	sbarrier.arrive $0xFFFF  }
0x237: {  	_ =	shalt  }

// kernel: kernel.5.cloned.1.call-start
scs
__scs_entry_jumppad:
0x0: {  	(pc) =	sbr.rel $0x88, $3  }
0x1: {  	(tag) =	ssettag $0x0;
	lr =	simm.s32 $0x1  }
0x2: {  	[smem:$0x3F9E] =	sst lr;
	_ =	strace $0xD0000000  }
0x3: {  	_ = 	snop  }
0x4: {  	_ = 	snop  }
0x5: {  	_ = 	snop  }
0x6: {  	_ = 	snop  }
0x7: {  	_ = 	snop  }
__scs_overlays_trampoline_lowered:
0x8: {  	[smem:$0x3FAD] =	sst s0  }
0x9: {  	[smem:$0x3FAE] =	sst s1  }
0xa: {  	[smem:$0x3FAF] =	sst s2  }
0xb: {  	[smem:$0x3FB0] =	sst s3  }
0xc: {  	[smem:$0x3FB1] =	sst s4  }
0xd: {  	[smem:$0x3FB2] =	sst s5  }
0xe: {  	[smem:$0x3FB3] =	sst s6  }
0xf: {  	[smem:$0x3FB4] =	sst s7  }
0x10: {  	[smem:$0x3FB5] =	sst s8  }
0x11: {  	[smem:$0x3FB6] =	sst s9;
	s0 =	simm.s32 @!p0 $0x0  }
0x12: {  	s1 =	sld [smem:$0x3F9C];
	s0 =	simm.s32 @p0 $0x1  }
0x13: {  	[smem:$0x3FB7] =	sst s0;
	s0 =	simm.s32 @!p1 $0x0  }
0x14: {  	s2 =	sld [smem:$0x3F9B];
	s0 =	simm.s32 @p1 $0x1  }
0x15: {  	[smem:$0x3FB8] =	sst s0;
	s0 =	simm.s32 @!p2 $0x0  }
0x16: {  	s3 =	sld [smem:$0x3FDB];
	s0 =	simm.s32 @p2 $0x1  }
0x17: {  	s4 =	simm.s32 $0x1BF5;
	[smem:$0x3FBA] =	sst s0  }
0x18: {  	s0 =	sld [smem:$0x3F9D];
	_ =	swait.ge [sflag:s4], $0x0  }
0x19: {  	s7 =	sld [smem:$0x3F9E]  }
0x1a: {  	s8 =	sadd.s32 $0xFFFFE003, lr  }
0x1b: {  	s9 =	sadd.s32 $0xFFFFFEF7, lr;
	s5 =	simm.s32 $0xFFFFFFFF;
	p2 =	slt.u32 s8, $0xFFFFF086  }
0x1c: {  	p1 =	slt.u32 s9, $0xF7A;
	s5 =	simm.s32 @!p2 $0x0  }
0x1d: {  	s5 =	simm.s32 @p1 $0x1;
	p0 =	seq.s32 s7, s2  }
0x1e: {  	s7 =	smul.u32 @!p0 $0xF7A, s2;
	p2 =	seq.s32 @!p0 s5, $0x0  }
0x1f: {  	s9 =	smul.u32 $0xF7A, s1;
	s8 =	simm.s32 @!p0 $0x1BF5;
	p2 =	por !p2, p0  }
0x20: {  	[sflag:s8] =	ssyncset.s32 @!p0 $0xFFFFF086;
	s6 =	sadd.s32 @!p0 s3, s7;
	s7 =	simm.s32 @!p0 $0x108  }
0x21: {  	s3 =	sadd.s32 s3, s9;
	s6 =	sadd.s32 @!p0 $0x88, s6;
	s7 =	simm.s32 @p2 $0x1082  }
0x22: {  	[simem:s7], [sflag:s8] =	dma.local @!p0 [hbm:s6], $0xF7A  }
0x23: {  	s9 =	sor.u32 $0xD0000000, s2;
	s6 =	simm.s32 $0x108;
	_ =	swait.ge @!p0 [sflag:s8], $0x0  }
0x24: {  	s3 =	sadd.s32 $0x88, s3;
	s6 =	simm.s32 @!p1 $0x1082;
	[sflag:s4] =	ssyncset.s32 $0xFFFFF086  }
0x25: {  	[simem:s6], [sflag:s4] =	dma.local [hbm:s3], $0xF7A  }
0x26: {  	[smem:$0x3F9E] =	sst s1;
	(tag) =	ssettag s2;
	_ =	strace s9  }
0x27: {  	s1 =	sld [smem:$0x3FAE]  }
0x28: {  	s2 =	sld [smem:$0x3FAF]  }
0x29: {  	s4 =	sld [smem:$0x3FB1]  }
0x2a: {  	p0 =	seq.s32 s5, $0x0;
	s5 =	sld [smem:$0x3FB2]  }
0x2b: {  	s6 =	sld [smem:$0x3FB3]  }
0x2c: {  	s7 =	sld [smem:$0x3FB4]  }
0x2d: {  	s3 =	simm.s32 $0x108;
	s8 =	sld [smem:$0x3FB5]  }
0x2e: {  	s3 =	simm.s32 @!p0 $0x1082;
	s9 =	sld [smem:$0x3FB6]  }
0x2f: {  	lr =	sadd.s32 s0, s3;
	s0 =	sld [smem:$0x3FAD]  }
0x30: {  	s3 =	sld [smem:$0x3FB0]  }
0x31: {  	[smem:$0x3FB9] =	sst s10  }
0x32: {  	s10 =	sld [smem:$0x3FB7];
	_ =	sdelay $0x3  }
0x33: {  	p0 =	seq.s32 s10, $0x1;
	s10 =	sld [smem:$0x3FB9];
	_ =	sdelay $0x3  }
0x34: {  	[smem:$0x3FB9] =	sst s10  }
0x35: {  	s10 =	sld [smem:$0x3FB8];
	_ =	sdelay $0x3  }
0x36: {  	p1 =	seq.s32 s10, $0x1;
	s10 =	sld [smem:$0x3FB9];
	_ =	sdelay $0x3  }
0x37: {  	[smem:$0x3FB9] =	sst s10  }
0x38: {  	s10 =	sld [smem:$0x3FBA]  }
0x39: {  	_ = 	snop;
	(pc) =	sbr.ind lr, $3  }
0x3a: {  	_ = 	snop  }
0x3b: {  	_ = 	snop  }
0x3c: {  	p2 =	seq.s32 s10, $0x1;
	s10 =	sld [smem:$0x3FB9]  }
0x3d: {  	_ =	shalt  }
0x3e: {  	_ =	shalt  }
0x3f: {  	_ =	shalt  }
0x40: {  	_ =	shalt  }
0x41: {  	_ =	shalt  }
0x42: {  	_ =	shalt  }
0x43: {  	_ =	shalt  }
0x44: {  	_ =	shalt  }
0x45: {  	_ =	shalt  }
0x46: {  	_ =	shalt  }
0x47: {  	_ =	shalt  }
0x48: {  	_ =	shalt  }
0x49: {  	_ =	shalt  }
0x4a: {  	_ =	shalt  }
0x4b: {  	_ =	shalt  }
0x4c: {  	_ =	shalt  }
0x4d: {  	_ =	shalt  }
0x4e: {  	_ =	shalt  }
0x4f: {  	_ =	shalt  }
0x50: {  	_ =	shalt  }
0x51: {  	_ =	shalt  }
0x52: {  	_ =	shalt  }
0x53: {  	_ =	shalt  }
0x54: {  	_ =	shalt  }
0x55: {  	_ =	shalt  }
0x56: {  	_ =	shalt  }
0x57: {  	_ =	shalt  }
0x58: {  	_ =	shalt  }
0x59: {  	_ =	shalt  }
0x5a: {  	_ =	shalt  }
0x5b: {  	_ =	shalt  }
0x5c: {  	_ =	shalt  }
0x5d: {  	_ =	shalt  }
0x5e: {  	_ =	shalt  }
0x5f: {  	_ =	shalt  }
0x60: {  	_ =	shalt  }
0x61: {  	_ =	shalt  }
0x62: {  	_ =	shalt  }
0x63: {  	_ =	shalt  }
0x64: {  	_ =	shalt  }
0x65: {  	_ =	shalt  }
0x66: {  	_ =	shalt  }
0x67: {  	_ =	shalt  }
0x68: {  	_ =	shalt  }
0x69: {  	_ =	shalt  }
0x6a: {  	_ =	shalt  }
0x6b: {  	_ =	shalt  }
0x6c: {  	_ =	shalt  }
0x6d: {  	_ =	shalt  }
0x6e: {  	_ =	shalt  }
0x6f: {  	_ =	shalt  }
0x70: {  	_ =	shalt  }
0x71: {  	_ =	shalt  }
0x72: {  	_ =	shalt  }
0x73: {  	_ =	shalt  }
0x74: {  	_ =	shalt  }
0x75: {  	_ =	shalt  }
0x76: {  	_ =	shalt  }
0x77: {  	_ =	shalt  }
0x78: {  	_ =	shalt  }
0x79: {  	_ =	shalt  }
0x7a: {  	_ =	shalt  }
0x7b: {  	_ =	shalt  }
0x7c: {  	_ =	shalt  }
0x7d: {  	_ =	shalt  }
0x7e: {  	_ =	shalt  }
0x7f: {  	_ =	shalt  }
0x80: {  	_ =	shalt  }
0x81: {  	_ =	shalt  }
0x82: {  	_ =	shalt  }
0x83: {  	_ =	shalt  }
0x84: {  	_ =	shalt  }
0x85: {  	_ =	shalt  }
0x86: {  	_ =	shalt  }
0x87: {  	_ =	shalt  }
.Lfunc_end0:
.L_simem_size_0:
called_computation_lowered:
.L_overlay_start_0:
0x88: {  	s2 =	sld [smem:$0x3FD9]  }
0x89: {  	s3 =	sld [smem:$0x3FFE];
	_ =	sdelay $0x1  }
0x8a: {  	s1 =	srdreg.scid  }
0x8b: {  	s0 =	sand.u32 $0x1, s1  }
0x8c: {  	s17 =	sshll.u32 s0, $0xA;
	s2 =	sadd.s32 s3, s2  }
0x8d: {  	s2 =	sadd.s32 s2, s17  }
0x8e: {  	[smem:$0x3FC5] =	sst s2  }
0x8f: {  	_ = 	snop  }
0x90: {  	s2 =	sld [smem:$0x3FC8];
	(tm) =	ssettm $0x1  }
0x91: {  	s18 =	sld [smem:$0x3FFB];
	_ =	sdelay $0x3  }
0x92: {  	_ =	strace s18  }
0x93: {  	s3 =	sld [smem:$0x3FFC];
	_ =	sdelay $0x3  }
0x94: {  	_ =	strace s3  }
0x95: {  	s3 =	sld [smem:$0x3FFD];
	_ =	sdelay $0x3  }
0x96: {  	_ =	strace s3  }
0x97: {  	_ =	strace $0x8FFFFFFF  }
0x98: {  	s19 =	sld [smem:$0x3FDB];
	_ =	sdelay $0x1  }
0x99: {  	s4 =	simm.s32 $_scs_section_size  }
0x9a: {  	s5 =	simm.s32 $_size__tile_overlayer_lowered;
	s6 =	simm.s32 $_tile_overlayer_lowered  }
0x9b: {  	s22 =	simm.s32 $0x1BFF;
	s21 =	sshll.u32 s6, $0x1;
	s3 =	sadd.s32 s4, s19  }
0x9c: {  	s7 =	simm.s32 $0x0;
	s20 =	sshll.u32 s5, $0x1;
	s5 =	sadd.s32 s21, s3  }
0x9d: {  	[timem:s7], [sflag:s22] =	dma.local [hbm:s5], s20  }
0x9e: {  	_ =	swait.ge [sflag:s22], s20  }
0x9f: {  	s4 =	ssub.s32 $0x0, s20;
	[sflag:s22] =	ssyncset.done $0x0  }
0xa0: {  	[sflag:s22] =	ssyncadd.s32 s4;
	_ =	sdelay $0x1  }
0xa1: {  	s23 =	simm.s32 $0x1B8B  }
0xa2: {  	_ =	swait.ge [sflag:s23], $0x1  }
0xa3: {  	[sflag:s23] =	ssyncset.done $0x0  }
0xa4: {  	s25 =	simm.s32 $0x1B8E;
	s24 =	sld [smem:$0x3FFE];
	[sflag:s23] =	ssyncadd.s32 $0xFFFFFFFF  }
0xa5: {  	s26 =	simm.s32 $execute0_lowered;
	[smem:$0x3FD2] =	sst s25  }
0xa6: {  	s5 =	sshll.u32 s26, $0x1;
	_ =	strace $0x80000046;
	[dreg:$0x1] =	wrdreg $0xFFFFFFFF  }
0xa7: {  	s28 =	simm.s32 $_size_execute0_lowered;
	s3 =	sadd.s32 s3, s5;
	[dreg:$0x0] =	wrdreg $0x0  }
0xa8: {  	s5 =	sshll.u32 s28, $0x1;
	[dreg:$0x2] =	wrdreg s3  }
0xa9: {  	[dreg:$0x3] =	wrdreg s5  }
0xaa: {  	[dreg:$0x4] =	wrdreg $0xC0  }
0xab: {  	_ =	task [dreg:s7], $0x5FFFF  }
0xac: {  	[dreg:$0x1] =	wrdreg $0xFFFFFFFF  }
0xad: {  	[dreg:$0x0] =	wrdreg $0x60  }
0xae: {  	[dreg:$0x2] =	wrdreg s2  }
0xaf: {  	[dreg:$0x3] =	wrdreg s24  }
0xb0: {  	[dreg:$0x4] =	wrdreg $0x9  }
0xb1: {  	_ =	task.clear_ibuf [dreg:s7], $0x5FFFF;
	_ =	strace $0x90000046  }
0xb2: {  	s29 =	simm.s32 $0x9;
	_ =	strace $0x80000048  }
0xb3: {  	_ =	swait.ge [sflag:s29], $0x1  }
0xb4: {  	[sflag:s29] =	ssyncadd.s32 $0xFFFFFFFF  }
0xb5: {  	_ =	strace $0x90000048  }
0xb6: {  	_ =	sfence  }
0xb7: {  	s30 =	sld [smem:$0x0];
	_ =	sdelay $0x2  }
0xb8: {  	s31 =	sshll.u32 s1, $0xD;
	s1 =	sshrl.u32 s1, $0x2  }
0xb9: {  	s3 =	sand.u32 $0x4000, s31;
	s1 =	sadd.s32 s1, s30  }
0xba: {  	s0 =	sor.u32 s3, s0;
	s1 =	sshll.u32 s1, $0x11  }
0xbb: {  	s0 =	sor.u32 s1, s0  }
0xbc: {  	s0 =	sadd.s32 $0x8F2B, s0  }
0xbd: {  	[sflag:s0] =	ssyncadd.remote.s32 $0x1  }
0xbe: {  	_ =	sfence.sel $0xFFFF  }
0xbf: {  	[dreg:$0x0] =	wrdreg $0xFFFFFFFF;
	(pc) =	sbr.abs _section_cstart, $3  }
0xc0: {  	[dreg:$0x1] =	wrdreg $0xFFFFFFFF  }
0xc1: {  	_ =	task.clear_ibuf [dreg:s7], $0x2FFFF;
	_ =	strace $0x9FFFFFFF  }
0xc2: {  	(tm) =	ssettm $0x7FFFFFFF  }
0xc3: {  	_ =	shalt  }
tec
execute0_lowered:
.L_overlay_start_1:
0x0: {  	(tag) =	ssettag $0x1  }
0x1: {  	s1 =	rddreg [dreg:$0x0]  }
0x2: {  	s4 =	rddreg [dreg:$0x1]  }
0x3: {  	s0 =	rddreg [dreg:$0x2]  }
0x4: {  	s3 =	simm.s32 $0x0;
	s5 =	srdreg.scid;
	s2 =	stileid.u32  }
0x5: {  	s11 =	simm.s32 $0xD350;
	s12 =	simm.s32 $0x0;
	[smem:$0x7FF] =	sst s3  }
0x6: {  	s5 =	sand.u32 $0x1, s5;
	s7 =	sshll.u32 s2, $0xB;
	s8 =	sadd.s32 $0xC00, s4  }
0x7: {  	s31 =	sadd.s32 $0x8C00, s4;
	s6 =	ssub.s32 $0x2, s5;
	s5 =	sshll.u32 s5, $0xA  }
0x8: {  	_ =	strace $0x80000047;
	s9 =	sshrl.u32 s6, $0x1;
	s5 =	sor.u32 s5, s7  }
0x9: {  	s9 =	ssub.s32 s6, s9;
	s10 =	sor.u32 $0x200, s5;
	s4 =	sadd.s32 s8, s5  }
0xa: {  	s5 =	sadd.s32 s31, s5;
	s6 =	sadd.s32 s8, s10;
	s7 =	sadd.s32 s31, s10  }
0xb: {  	s8 =	smax.u32 s9, $0x1;
	s9 =	simm.s32 $0x1;
	s10 =	simm.s32 $0xC350  }
.LBB2_1:
0xc: {  	[tilespmem:s3], [sflag:$0x1] =	stream.linear.gather [hbm4b:s1+s3], $0xC350, $0x38;
	[tilespmem:$0xE350] =	vst v63  }
0xd: {  	_ =	swait.ge [sflag:s9], $0xC350  }
0xe: {  	[sflag:s9] =	ssyncset.done $0x0  }
0xf: {  	s14 =	sand.u32 $0x3800, s3;
	[sflag:s9] =	ssyncadd.s32 $0xFFFF3CB0  }
0x10: {  	[tilespmem:s10], [sflag:$0x1] =	stream.linear.gather [hbm4b:s4+s3], $0x1000, $0x38;
	[tilespmem:$0xE350] =	vst v63  }
0x11: {  	s13 =	simm.s32 $0x70;
	s14 =	sshrl.u32 s14, $0x2;
	_ =	swait.ge [sflag:s9], $0x1000  }
0x12: {  	s15 =	sand.u32 $0x1F0, s13;
	s14 =	sadd.s32 $0xC350, s14;
	[sflag:s9] =	ssyncset.done $0x0  }
0x13: {  	s15 =	sadd.s32 s15, s14;
	[sflag:s9] =	ssyncadd.s32 $0xFFFFF000  }
0x14: {  	s24 =	simm.s32 $0x0;
	v0 =	vld [tilespmem:s15+$0x0]  }
0x15: {  	s16 =	simm.s32 $0x10;
	s15 =	sand.u32 $0x180, s24  }
0x16: {  	s17 =	simm.s32 $0x20;
	s16 =	sand.u32 $0x190, s16;
	s15 =	sadd.s32 s15, s14  }
0x17: {  	s18 =	simm.s32 $0x30;
	s17 =	sand.u32 $0x1A0, s17;
	s25 =	sadd.s32 s16, s14;
	v1 =	vld [tilespmem:s15+$0x0]  }
0x18: {  	s28 =	simm.s32 $0x40;
	s26 =	sand.u32 $0x1B0, s18;
	s17 =	sadd.s32 s17, s14;
	v3 =	vld [tilespmem:s25+$0x0]  }
0x19: {  	s16 =	sadd.s32 s26, s14;
	v6 =	vld [tilespmem:s17+$0x0];
	s15 =	sand.u32 $0x1C0, s28  }
0x1a: {  	s29 =	simm.s32 $0x50;
	v4 =	vld [tilespmem:s16+$0x0];
	s15 =	sadd.s32 s15, s14  }
0x1b: {  	s30 =	simm.s32 $0x60;
	s17 =	sand.u32 $0x1D0, s29;
	v5 =	vld [tilespmem:s15+$0x0]  }
0x1c: {  	s16 =	sand.u32 $0x1E0, s30;
	s17 =	sadd.s32 s17, s14;
	v7 =	vld.idx.msk [tilespmem:v0+s3+$0x0], $0xffff  }
0x1d: {  	s31 =	sadd.s32 s16, s14;
	v2 =	vld [tilespmem:s17+$0x0]  }
0x1e: {  	s16 =	simm.s32 $0x0;
	s14 =	simm.s32 $0x0;
	s15 =	simm.s32 $0x200;
	v0 =	vld [tilespmem:s31+$0x0]  }
.LBB2_2:
0x1f: {  	s17 =	sand.u32 $0x3800, s15;
	s14 =	sadd.s32 $0x8, s14;
	v1 =	vld.idx.msk [tilespmem:v1+s3+$0x0], $0xffff;
	s13 =	sadd.s32 $0x80, s13  }
0x20: {  	s18 =	sshra.s32 s16, $0x2;
	s17 =	sshrl.u32 s17, $0x2;
	p0 =	slt.u32 s14, $0xF8;
	v3 =	vld.idx.msk [tilespmem:v3+s3+$0x0], $0xffff  }
0x21: {  	s19 =	sand.u32 $0x1F0, s13;
	s16 =	sadd.s32 $0xC350, s17;
	s17 =	sadd.s32 $0xFFFFFFA0, s13;
	v6 =	vld.idx.msk [tilespmem:v6+s3+$0x0], $0xffff;
	[tilespmem:s18+$0xD3C0] =	vst v7  }
0x22: {  	s20 =	sadd.s32 $0xFFFFFFB0, s13;
	s21 =	sadd.s32 $0xFFFFFFC0, s13;
	s19 =	sadd.s32 s19, s16;
	v4 =	vld.idx.msk [tilespmem:v4+s3+$0x0], $0xffff  }
0x23: {  	s22 =	sadd.s32 $0xFFFFFFD0, s13;
	s23 =	sadd.s32 $0xFFFFFFE0, s13;
	s24 =	sadd.s32 $0xFFFFFFF0, s13;
	v7 =	vld [tilespmem:s19+$0x0]  }
0x24: {  	s20 =	sand.u32 $0x1A0, s20;
	s17 =	sand.u32 $0x190, s17;
	s19 =	sadd.s32 $0xFFFFFF90, s13;
	v5 =	vld.idx.msk [tilespmem:v5+s3+$0x0], $0xffff  }
0x25: {  	s21 =	sand.u32 $0x1B0, s21;
	s22 =	sand.u32 $0x1C0, s22;
	s19 =	sand.u32 $0x180, s19;
	[tilespmem:s18+$0xD350] =	vst v1;
	v2 =	vld.idx.msk [tilespmem:v2+s3+$0x0], $0xffff  }
0x26: {  	s23 =	sand.u32 $0x1D0, s23;
	s24 =	sand.u32 $0x1E0, s24;
	s19 =	sadd.s32 s19, s16;
	[tilespmem:s18+$0xD360] =	vst v3;
	v0 =	vld.idx.msk [tilespmem:v0+s3+$0x0], $0xffff  }
0x27: {  	s17 =	sadd.s32 s17, s16;
	v1 =	vld [tilespmem:s19+$0x0];
	s19 =	sadd.s32 s20, s16;
	s20 =	sadd.s32 s21, s16;
	[tilespmem:s18+$0xD370] =	vst v6  }
0x28: {  	s21 =	sadd.s32 s23, s16;
	v3 =	vld [tilespmem:s17+$0x0];
	s17 =	sadd.s32 s22, s16;
	s22 =	sadd.s32 s24, s16;
	[tilespmem:s18+$0xD380] =	vst v4  }
0x29: {  	s16 =	smov.u32 s15;
	v6 =	vld [tilespmem:s19+$0x0]  }
.Ltmp0:
0x2a: {  	v4 =	vld [tilespmem:s20+$0x0];
	[tilespmem:s18+$0xD390] =	vst v5;
	(pc) =	sbr.rel @p0 .LBB2_2-.Ltmp0, $4  }
0x2b: {  	v7 =	vld.idx.msk [tilespmem:v7+s3+$0x0], $0xffff;
	[tilespmem:s18+$0xD3A0] =	vst v2  }
0x2c: {  	v5 =	vld [tilespmem:s17+$0x0];
	[tilespmem:s18+$0xD3B0] =	vst v0  }
0x2d: {  	v2 =	vld [tilespmem:s21+$0x0]  }
0x2e: {  	s15 =	sadd.s32 $0x200, s15;
	v0 =	vld [tilespmem:s22+$0x0]  }
0x2f: {  	_ =	sdelay $0x3  }
0x30: {  	v1 =	vld.idx.msk [tilespmem:v1+s3+$0x0], $0xffff  }
0x31: {  	v3 =	vld.idx.msk [tilespmem:v3+s3+$0x0], $0xffff  }
0x32: {  	v6 =	vld.idx.msk [tilespmem:v6+s3+$0x0], $0xffff  }
0x33: {  	s13 =	sshra.s32 s16, $0x2;
	v4 =	vld.idx.msk [tilespmem:v4+s3+$0x0], $0xffff  }
0x34: {  	[tilespmem:s13+$0xD3C0] =	vst v7;
	v5 =	vld.idx.msk [tilespmem:v5+s3+$0x0], $0xffff  }
0x35: {  	v0 =	vld.idx.msk [tilespmem:v0+s3+$0x0], $0xffff;
	[tilespmem:s13+$0xD350] =	vst v1  }
0x36: {  	v1 =	vld.idx.msk [tilespmem:v2+s3+$0x0], $0xffff;
	[tilespmem:s13+$0xD360] =	vst v3  }
0x37: {  	[tilespmem:s13+$0xD370] =	vst v6  }
0x38: {  	[tilespmem:s13+$0xD380] =	vst v4  }
0x39: {  	[tilespmem:s13+$0xD390] =	vst v5  }
0x3a: {  	[tilespmem:s13+$0xD3B0] =	vst v0  }
0x3b: {  	s15 =	simm.s32 $0x0;
	[tilespmem:s13+$0xD3A0] =	vst v1  }
0x3c: {  	[hbm4b:s5+s15] =	stream.linear.scatter [tilespmem:s11], [sflag:$0x1], $0x1000, $0x38;
	[tilespmem:$0xE350] =	vst v63  }
0x3d: {  	_ =	swait.ge [sflag:s9], $0x1000  }
0x3e: {  	[sflag:s9] =	ssyncset.done $0x0  }
0x3f: {  	s14 =	sand.u32 $0x3800, s15;
	[sflag:s9] =	ssyncadd.s32 $0xFFFFF000  }
0x40: {  	[tilespmem:s10], [sflag:$0x1] =	stream.linear.gather [hbm4b:s6+s15], $0x1000, $0x38;
	[tilespmem:$0xE350] =	vst v63  }
0x41: {  	s14 =	sshrl.u32 s14, $0x2;
	s13 =	simm.s32 $0x70;
	_ =	swait.ge [sflag:s9], $0x1000  }
0x42: {  	s14 =	sadd.s32 $0xC350, s14;
	s23 =	sand.u32 $0x1F0, s13;
	[sflag:s9] =	ssyncset.done $0x0  }
0x43: {  	s16 =	sadd.s32 s23, s14;
	[sflag:s9] =	ssyncadd.s32 $0xFFFFF000  }
0x44: {  	s24 =	simm.s32 $0x0;
	v0 =	vld [tilespmem:s16+$0x0]  }
0x45: {  	s17 =	simm.s32 $0x10;
	s16 =	sand.u32 $0x180, s24  }
0x46: {  	s18 =	simm.s32 $0x20;
	s17 =	sand.u32 $0x190, s17;
	s16 =	sadd.s32 s16, s14  }
0x47: {  	s19 =	simm.s32 $0x30;
	s18 =	sand.u32 $0x1A0, s18;
	s25 =	sadd.s32 s17, s14;
	v1 =	vld [tilespmem:s16+$0x0]  }
0x48: {  	s28 =	simm.s32 $0x40;
	s26 =	sand.u32 $0x1B0, s19;
	s18 =	sadd.s32 s18, s14;
	v3 =	vld [tilespmem:s25+$0x0]  }
0x49: {  	s17 =	sadd.s32 s26, s14;
	v6 =	vld [tilespmem:s18+$0x0];
	s16 =	sand.u32 $0x1C0, s28  }
0x4a: {  	s29 =	simm.s32 $0x50;
	v4 =	vld [tilespmem:s17+$0x0];
	s16 =	sadd.s32 s16, s14  }
0x4b: {  	s30 =	simm.s32 $0x60;
	s18 =	sand.u32 $0x1D0, s29;
	v5 =	vld [tilespmem:s16+$0x0]  }
0x4c: {  	s17 =	sand.u32 $0x1E0, s30;
	s18 =	sadd.s32 s18, s14;
	v7 =	vld.idx.msk [tilespmem:v0+s3+$0x0], $0xffff  }
0x4d: {  	s31 =	sadd.s32 s17, s14;
	v2 =	vld [tilespmem:s18+$0x0]  }
0x4e: {  	s14 =	simm.s32 $0x0;
	s16 =	simm.s32 $0x200;
	v0 =	vld [tilespmem:s31+$0x0]  }
.LBB2_4:
0x4f: {  	s17 =	sand.u32 $0x3800, s16;
	s14 =	sadd.s32 $0x8, s14;
	v1 =	vld.idx.msk [tilespmem:v1+s3+$0x0], $0xffff;
	s13 =	sadd.s32 $0x80, s13  }
0x50: {  	s18 =	sshra.s32 s15, $0x2;
	s17 =	sshrl.u32 s17, $0x2;
	p0 =	slt.u32 s14, $0xF8;
	v3 =	vld.idx.msk [tilespmem:v3+s3+$0x0], $0xffff  }
0x51: {  	s19 =	sand.u32 $0x1F0, s13;
	s15 =	sadd.s32 $0xC350, s17;
	s17 =	sadd.s32 $0xFFFFFFA0, s13;
	v6 =	vld.idx.msk [tilespmem:v6+s3+$0x0], $0xffff;
	[tilespmem:s18+$0xD3C0] =	vst v7  }
0x52: {  	s20 =	sadd.s32 $0xFFFFFFB0, s13;
	s21 =	sadd.s32 $0xFFFFFFC0, s13;
	s19 =	sadd.s32 s19, s15;
	v4 =	vld.idx.msk [tilespmem:v4+s3+$0x0], $0xffff  }
0x53: {  	s22 =	sadd.s32 $0xFFFFFFD0, s13;
	s23 =	sadd.s32 $0xFFFFFFE0, s13;
	s24 =	sadd.s32 $0xFFFFFFF0, s13;
	v7 =	vld [tilespmem:s19+$0x0]  }
0x54: {  	s20 =	sand.u32 $0x1A0, s20;
	s17 =	sand.u32 $0x190, s17;
	s19 =	sadd.s32 $0xFFFFFF90, s13;
	v5 =	vld.idx.msk [tilespmem:v5+s3+$0x0], $0xffff  }
0x55: {  	s21 =	sand.u32 $0x1B0, s21;
	s22 =	sand.u32 $0x1C0, s22;
	s19 =	sand.u32 $0x180, s19;
	[tilespmem:s18+$0xD350] =	vst v1;
	v2 =	vld.idx.msk [tilespmem:v2+s3+$0x0], $0xffff  }
0x56: {  	s23 =	sand.u32 $0x1D0, s23;
	s24 =	sand.u32 $0x1E0, s24;
	s19 =	sadd.s32 s19, s15;
	[tilespmem:s18+$0xD360] =	vst v3;
	v0 =	vld.idx.msk [tilespmem:v0+s3+$0x0], $0xffff  }
0x57: {  	s17 =	sadd.s32 s17, s15;
	v1 =	vld [tilespmem:s19+$0x0];
	s19 =	sadd.s32 s20, s15;
	s20 =	sadd.s32 s21, s15;
	[tilespmem:s18+$0xD370] =	vst v6  }
0x58: {  	s21 =	sadd.s32 s23, s15;
	v3 =	vld [tilespmem:s17+$0x0];
	s17 =	sadd.s32 s22, s15;
	s22 =	sadd.s32 s24, s15;
	[tilespmem:s18+$0xD380] =	vst v4  }
0x59: {  	s15 =	smov.u32 s16;
	v6 =	vld [tilespmem:s19+$0x0]  }
.Ltmp1:
0x5a: {  	v4 =	vld [tilespmem:s20+$0x0];
	[tilespmem:s18+$0xD390] =	vst v5;
	(pc) =	sbr.rel @p0 .LBB2_4-.Ltmp1, $4  }
0x5b: {  	v7 =	vld.idx.msk [tilespmem:v7+s3+$0x0], $0xffff;
	[tilespmem:s18+$0xD3A0] =	vst v2  }
0x5c: {  	v5 =	vld [tilespmem:s17+$0x0];
	[tilespmem:s18+$0xD3B0] =	vst v0  }
0x5d: {  	v2 =	vld [tilespmem:s21+$0x0]  }
0x5e: {  	s16 =	sadd.s32 $0x200, s16;
	v0 =	vld [tilespmem:s22+$0x0]  }
0x5f: {  	_ =	sdelay $0x3  }
0x60: {  	v1 =	vld.idx.msk [tilespmem:v1+s3+$0x0], $0xffff  }
0x61: {  	v3 =	vld.idx.msk [tilespmem:v3+s3+$0x0], $0xffff  }
0x62: {  	v6 =	vld.idx.msk [tilespmem:v6+s3+$0x0], $0xffff  }
0x63: {  	s13 =	sshra.s32 s15, $0x2;
	v4 =	vld.idx.msk [tilespmem:v4+s3+$0x0], $0xffff  }
0x64: {  	[tilespmem:s13+$0xD3C0] =	vst v7;
	v5 =	vld.idx.msk [tilespmem:v5+s3+$0x0], $0xffff  }
0x65: {  	v63 =	vld.idx.msk [tilespmem:v2+s3+$0x0], $0xffff;
	[tilespmem:s13+$0xD350] =	vst v1  }
0x66: {  	v0 =	vld.idx.msk [tilespmem:v0+s3+$0x0], $0xffff;
	[tilespmem:s13+$0xD360] =	vst v3  }
0x67: {  	[tilespmem:s13+$0xD370] =	vst v6  }
0x68: {  	[tilespmem:s13+$0xD380] =	vst v4  }
0x69: {  	s12 =	sadd.s32 $0x1, s12;
	[tilespmem:s13+$0xD390] =	vst v5  }
0x6a: {  	p0 =	sne.s32 s12, s8;
	[tilespmem:s13+$0xD3A0] =	vst v63  }
.Ltmp2:
0x6b: {  	[tilespmem:s13+$0xD3B0] =	vst v0;
	(pc) =	sbr.rel @p0 .LBB2_1-.Ltmp2, $4  }
0x6c: {  	[hbm4b:s7+s3] =	stream.linear.scatter [tilespmem:s11], [sflag:$0x1], $0x1000, $0x38;
	[tilespmem:$0xE350] =	vst v63  }
0x6d: {  	_ =	swait.ge [sflag:s9], $0x1000  }
0x6e: {  	[sflag:s9] =	ssyncset.done $0x0  }
0x6f: {  	[sflag:s9] =	ssyncadd.s32 $0xFFFFF000  }
0x70: {  	_ =	sfence.sel $0x180000  }
0x71: {  	[bflag:$0x0] =	sbarrier.arrive $0xFFFF  }
0x72: {  	p0 =	sne.s32 s2, $0x0;
	_ =	strace $0x90000047  }
0x73: {  	s0 =	sadd.s32 @!p0 $0x100000, s0;
	[bflag:$0x2] =	sbarrier.arrive $0xFFFF  }
0x74: {  	[sflag:s0] =	ssyncadd.tile.s32 @!p0 $0x1;
	_ =	shalt  }
.Lfunc_end2:
_tile_overlayer_lowered:
.L_overlay_start_2:
0x75: {  	(tag) =	ssettag $0x2  }
0x76: {  	s0 =	rddreg [dreg:$0x0];
	s2 =	stileid.u32  }
0x77: {  	s1 =	rddreg [dreg:$0x1];
	p0 =	sne.s32 s2, $0x0  }
0x78: {  	s3 =	rddreg [dreg:$0x2];
	[bflag:$0x3] =	sbarrier.arrive $0xFFFF;
	s2 =	simm.s32 @!p0 $0x1C01  }
0x79: {  	[timem:s3], [sflag:s2] =	dma.local @!p0 [hbm:s0], s1  }
0x7a: {  	s0 =	simm.s32 @!p0 $0x1  }
0x7b: {  	_ =	swait.ge @!p0 [sflag:s0], s1  }
0x7c: {  	s1 =	ssub.s32 @!p0 $0x0, s1;
	[sflag:s0] =	ssyncset.done @!p0 $0x0  }
0x7d: {  	[sflag:s0] =	ssyncadd.s32 @!p0 s1  }
0x7e: {  	[bflag:$0x3] =	sbarrier.arrive $0xFFFF  }
0x7f: {  	_ =	shalt  }

// kernel: kernel.8.cloned.1.call-start
scs
__scs_entry_jumppad:
0x0: {  	(pc) =	sbr.rel $0x88, $3  }
0x1: {  	(tag) =	ssettag $0x0;
	lr =	simm.s32 $0x1  }
0x2: {  	[smem:$0x3F9E] =	sst lr;
	_ =	strace $0xD0000000  }
0x3: {  	_ = 	snop  }
0x4: {  	_ = 	snop  }
0x5: {  	_ = 	snop  }
0x6: {  	_ = 	snop  }
0x7: {  	_ = 	snop  }
__scs_overlays_trampoline_lowered:
0x8: {  	[smem:$0x3FAD] =	sst s0  }
0x9: {  	[smem:$0x3FAE] =	sst s1  }
0xa: {  	[smem:$0x3FAF] =	sst s2  }
0xb: {  	[smem:$0x3FB0] =	sst s3  }
0xc: {  	[smem:$0x3FB1] =	sst s4  }
0xd: {  	[smem:$0x3FB2] =	sst s5  }
0xe: {  	[smem:$0x3FB3] =	sst s6  }
0xf: {  	[smem:$0x3FB4] =	sst s7  }
0x10: {  	[smem:$0x3FB5] =	sst s8  }
0x11: {  	[smem:$0x3FB6] =	sst s9;
	s0 =	simm.s32 @!p0 $0x0  }
0x12: {  	s1 =	sld [smem:$0x3F9C];
	s0 =	simm.s32 @p0 $0x1  }
0x13: {  	[smem:$0x3FB7] =	sst s0;
	s0 =	simm.s32 @!p1 $0x0  }
0x14: {  	s2 =	sld [smem:$0x3F9B];
	s0 =	simm.s32 @p1 $0x1  }
0x15: {  	[smem:$0x3FB8] =	sst s0;
	s0 =	simm.s32 @!p2 $0x0  }
0x16: {  	s3 =	sld [smem:$0x3FDB];
	s0 =	simm.s32 @p2 $0x1  }
0x17: {  	s4 =	simm.s32 $0x1BF5;
	[smem:$0x3FBA] =	sst s0  }
0x18: {  	s0 =	sld [smem:$0x3F9D];
	_ =	swait.ge [sflag:s4], $0x0  }
0x19: {  	s7 =	sld [smem:$0x3F9E]  }
0x1a: {  	s8 =	sadd.s32 $0xFFFFE003, lr  }
0x1b: {  	s9 =	sadd.s32 $0xFFFFFEF7, lr;
	s5 =	simm.s32 $0xFFFFFFFF;
	p2 =	slt.u32 s8, $0xFFFFF086  }
0x1c: {  	p1 =	slt.u32 s9, $0xF7A;
	s5 =	simm.s32 @!p2 $0x0  }
0x1d: {  	s5 =	simm.s32 @p1 $0x1;
	p0 =	seq.s32 s7, s2  }
0x1e: {  	s7 =	smul.u32 @!p0 $0xF7A, s2;
	p2 =	seq.s32 @!p0 s5, $0x0  }
0x1f: {  	s9 =	smul.u32 $0xF7A, s1;
	s8 =	simm.s32 @!p0 $0x1BF5;
	p2 =	por !p2, p0  }
0x20: {  	[sflag:s8] =	ssyncset.s32 @!p0 $0xFFFFF086;
	s6 =	sadd.s32 @!p0 s3, s7;
	s7 =	simm.s32 @!p0 $0x108  }
0x21: {  	s3 =	sadd.s32 s3, s9;
	s6 =	sadd.s32 @!p0 $0x88, s6;
	s7 =	simm.s32 @p2 $0x1082  }
0x22: {  	[simem:s7], [sflag:s8] =	dma.local @!p0 [hbm:s6], $0xF7A  }
0x23: {  	s9 =	sor.u32 $0xD0000000, s2;
	s6 =	simm.s32 $0x108;
	_ =	swait.ge @!p0 [sflag:s8], $0x0  }
0x24: {  	s3 =	sadd.s32 $0x88, s3;
	s6 =	simm.s32 @!p1 $0x1082;
	[sflag:s4] =	ssyncset.s32 $0xFFFFF086  }
0x25: {  	[simem:s6], [sflag:s4] =	dma.local [hbm:s3], $0xF7A  }
0x26: {  	[smem:$0x3F9E] =	sst s1;
	(tag) =	ssettag s2;
	_ =	strace s9  }
0x27: {  	s1 =	sld [smem:$0x3FAE]  }
0x28: {  	s2 =	sld [smem:$0x3FAF]  }
0x29: {  	s4 =	sld [smem:$0x3FB1]  }
0x2a: {  	p0 =	seq.s32 s5, $0x0;
	s5 =	sld [smem:$0x3FB2]  }
0x2b: {  	s6 =	sld [smem:$0x3FB3]  }
0x2c: {  	s7 =	sld [smem:$0x3FB4]  }
0x2d: {  	s3 =	simm.s32 $0x108;
	s8 =	sld [smem:$0x3FB5]  }
0x2e: {  	s3 =	simm.s32 @!p0 $0x1082;
	s9 =	sld [smem:$0x3FB6]  }
0x2f: {  	lr =	sadd.s32 s0, s3;
	s0 =	sld [smem:$0x3FAD]  }
0x30: {  	s3 =	sld [smem:$0x3FB0]  }
0x31: {  	[smem:$0x3FB9] =	sst s10  }
0x32: {  	s10 =	sld [smem:$0x3FB7];
	_ =	sdelay $0x3  }
0x33: {  	p0 =	seq.s32 s10, $0x1;
	s10 =	sld [smem:$0x3FB9];
	_ =	sdelay $0x3  }
0x34: {  	[smem:$0x3FB9] =	sst s10  }
0x35: {  	s10 =	sld [smem:$0x3FB8];
	_ =	sdelay $0x3  }
0x36: {  	p1 =	seq.s32 s10, $0x1;
	s10 =	sld [smem:$0x3FB9];
	_ =	sdelay $0x3  }
0x37: {  	[smem:$0x3FB9] =	sst s10  }
0x38: {  	s10 =	sld [smem:$0x3FBA]  }
0x39: {  	_ = 	snop;
	(pc) =	sbr.ind lr, $3  }
0x3a: {  	_ = 	snop  }
0x3b: {  	_ = 	snop  }
0x3c: {  	p2 =	seq.s32 s10, $0x1;
	s10 =	sld [smem:$0x3FB9]  }
0x3d: {  	_ =	shalt  }
0x3e: {  	_ =	shalt  }
0x3f: {  	_ =	shalt  }
0x40: {  	_ =	shalt  }
0x41: {  	_ =	shalt  }
0x42: {  	_ =	shalt  }
0x43: {  	_ =	shalt  }
0x44: {  	_ =	shalt  }
0x45: {  	_ =	shalt  }
0x46: {  	_ =	shalt  }
0x47: {  	_ =	shalt  }
0x48: {  	_ =	shalt  }
0x49: {  	_ =	shalt  }
0x4a: {  	_ =	shalt  }
0x4b: {  	_ =	shalt  }
0x4c: {  	_ =	shalt  }
0x4d: {  	_ =	shalt  }
0x4e: {  	_ =	shalt  }
0x4f: {  	_ =	shalt  }
0x50: {  	_ =	shalt  }
0x51: {  	_ =	shalt  }
0x52: {  	_ =	shalt  }
0x53: {  	_ =	shalt  }
0x54: {  	_ =	shalt  }
0x55: {  	_ =	shalt  }
0x56: {  	_ =	shalt  }
0x57: {  	_ =	shalt  }
0x58: {  	_ =	shalt  }
0x59: {  	_ =	shalt  }
0x5a: {  	_ =	shalt  }
0x5b: {  	_ =	shalt  }
0x5c: {  	_ =	shalt  }
0x5d: {  	_ =	shalt  }
0x5e: {  	_ =	shalt  }
0x5f: {  	_ =	shalt  }
0x60: {  	_ =	shalt  }
0x61: {  	_ =	shalt  }
0x62: {  	_ =	shalt  }
0x63: {  	_ =	shalt  }
0x64: {  	_ =	shalt  }
0x65: {  	_ =	shalt  }
0x66: {  	_ =	shalt  }
0x67: {  	_ =	shalt  }
0x68: {  	_ =	shalt  }
0x69: {  	_ =	shalt  }
0x6a: {  	_ =	shalt  }
0x6b: {  	_ =	shalt  }
0x6c: {  	_ =	shalt  }
0x6d: {  	_ =	shalt  }
0x6e: {  	_ =	shalt  }
0x6f: {  	_ =	shalt  }
0x70: {  	_ =	shalt  }
0x71: {  	_ =	shalt  }
0x72: {  	_ =	shalt  }
0x73: {  	_ =	shalt  }
0x74: {  	_ =	shalt  }
0x75: {  	_ =	shalt  }
0x76: {  	_ =	shalt  }
0x77: {  	_ =	shalt  }
0x78: {  	_ =	shalt  }
0x79: {  	_ =	shalt  }
0x7a: {  	_ =	shalt  }
0x7b: {  	_ =	shalt  }
0x7c: {  	_ =	shalt  }
0x7d: {  	_ =	shalt  }
0x7e: {  	_ =	shalt  }
0x7f: {  	_ =	shalt  }
0x80: {  	_ =	shalt  }
0x81: {  	_ =	shalt  }
0x82: {  	_ =	shalt  }
0x83: {  	_ =	shalt  }
0x84: {  	_ =	shalt  }
0x85: {  	_ =	shalt  }
0x86: {  	_ =	shalt  }
0x87: {  	_ =	shalt  }
.Lfunc_end0:
.L_simem_size_0:
called_computation.1_lowered:
.L_overlay_start_0:
0x88: {  	s2 =	sld [smem:$0x3FD9]  }
0x89: {  	s3 =	sld [smem:$0x3FFE];
	_ =	sdelay $0x1  }
0x8a: {  	s1 =	srdreg.scid  }
0x8b: {  	s0 =	sand.u32 $0x1, s1  }
0x8c: {  	s17 =	sshll.u32 s0, $0xA;
	s2 =	sadd.s32 s3, s2  }
0x8d: {  	s2 =	sadd.s32 s2, s17  }
0x8e: {  	[smem:$0x3FC5] =	sst s2  }
0x8f: {  	_ = 	snop  }
0x90: {  	s18 =	sld [smem:$0x3FD0];
	(tm) =	ssettm $0x1  }
0x91: {  	s19 =	sld [smem:$0x3FFB];
	_ =	sdelay $0x3  }
0x92: {  	_ =	strace s19  }
0x93: {  	s2 =	sld [smem:$0x3FFC];
	_ =	sdelay $0x3  }
0x94: {  	_ =	strace s2  }
0x95: {  	s2 =	sld [smem:$0x3FFD];
	_ =	sdelay $0x3  }
0x96: {  	_ =	strace s2  }
0x97: {  	_ =	strace $0x8FFFFFFF  }
0x98: {  	s20 =	sld [smem:$0x3FDB];
	_ =	sdelay $0x1  }
0x99: {  	s4 =	simm.s32 $_scs_section_size  }
0x9a: {  	s5 =	simm.s32 $_size__tile_overlayer_lowered;
	s6 =	simm.s32 $_tile_overlayer_lowered  }
0x9b: {  	s7 =	simm.s32 $0x1BFF;
	s21 =	sshll.u32 s6, $0x1;
	s4 =	sadd.s32 s4, s20  }
0x9c: {  	s22 =	simm.s32 $0x0;
	s5 =	sshll.u32 s5, $0x1;
	s6 =	sadd.s32 s21, s4  }
0x9d: {  	[timem:s22], [sflag:s7] =	dma.local [hbm:s6], s5  }
0x9e: {  	_ =	swait.ge [sflag:s7], s5  }
0x9f: {  	s5 =	ssub.s32 $0x0, s5;
	[sflag:s7] =	ssyncset.done $0x0  }
0xa0: {  	[sflag:s7] =	ssyncadd.s32 s5;
	_ =	sdelay $0x1  }
0xa1: {  	s23 =	simm.s32 $0x1B8B  }
0xa2: {  	_ =	swait.ge [sflag:s23], $0x1  }
0xa3: {  	[sflag:s23] =	ssyncset.done $0x0  }
0xa4: {  	[sflag:s23] =	ssyncadd.s32 $0xFFFFFFFF  }
0xa5: {  	s5 =	sld [smem:$0x0]  }
0xa6: {  	s6 =	sand.u32 $0xFFFFFFFE, s1  }
0xa7: {  	p0 =	sne.s32 s1, s6  }
0xa8: {  	s6 =	sshll.u32 @p0 s6, $0xE  }
0xa9: {  	s6 =	sadd.s32 @p0 $0x11B8D, s6;
	s7 =	sshll.u32 @p0 s5, $0x11  }
0xaa: {  	s6 =	sor.u32 @p0 s7, s6  }
0xab: {  	[sflag:s6] =	ssyncadd.remote.s32 @p0 $0x1;
	_ =	sdelay $0x1  }
0xac: {  	s6 =	simm.s32 @p0 $0x1B8D  }
0xad: {  	_ =	swait.eq @p0 [sflag:s6], $0x1  }
0xae: {  	[sflag:s6] =	ssyncadd.s32 @p0 $0xFFFFFFFF  }
0xaf: {  	s7 =	sshll.u32 @!p0 s1, $0xE  }
0xb0: {  	s7 =	sor.u32 @!p0 $0x4000, s7;
	s6 =	simm.s32 @!p0 $0x1B8D  }
0xb1: {  	s5 =	sshll.u32 @!p0 s5, $0x11;
	s7 =	sadd.s32 @!p0 $0x11B8D, s7;
	_ =	swait.eq @!p0 [sflag:s6], $0x1  }
0xb2: {  	s5 =	sor.u32 @!p0 s5, s7;
	[sflag:s6] =	ssyncadd.s32 @!p0 $0xFFFFFFFF  }
0xb3: {  	s25 =	simm.s32 $0x1B8E;
	s24 =	sld [smem:$0x3FFE];
	[sflag:s5] =	ssyncadd.remote.s32 @!p0 $0x1  }
0xb4: {  	s26 =	simm.s32 $execute0_lowered;
	[smem:$0x3FD2] =	sst s25  }
0xb5: {  	s6 =	sshll.u32 s26, $0x1;
	_ =	strace $0x80000049;
	[dreg:$0x1] =	wrdreg $0xFFFFFFFF  }
0xb6: {  	s28 =	simm.s32 $_size_execute0_lowered;
	s4 =	sadd.s32 s4, s6;
	[dreg:$0x0] =	wrdreg $0x0  }
0xb7: {  	s6 =	sshll.u32 s28, $0x1;
	[dreg:$0x2] =	wrdreg s4  }
0xb8: {  	[dreg:$0x3] =	wrdreg s6  }
0xb9: {  	[dreg:$0x4] =	wrdreg $0xC0  }
0xba: {  	_ =	task [dreg:s22], $0x5FFFF  }
0xbb: {  	[dreg:$0x1] =	wrdreg $0xFFFFFFFF  }
0xbc: {  	[dreg:$0x0] =	wrdreg $0x60  }
0xbd: {  	[dreg:$0x2] =	wrdreg s18  }
0xbe: {  	[dreg:$0x3] =	wrdreg s24  }
0xbf: {  	[dreg:$0x4] =	wrdreg $0xA  }
0xc0: {  	_ =	task.clear_ibuf [dreg:s22], $0x5FFFF;
	_ =	strace $0x90000049  }
0xc1: {  	s29 =	simm.s32 $0xA;
	_ =	strace $0x8000004B  }
0xc2: {  	_ =	swait.ge [sflag:s29], $0x1  }
0xc3: {  	[sflag:s29] =	ssyncadd.s32 $0xFFFFFFFF  }
0xc4: {  	_ =	strace $0x9000004B  }
0xc5: {  	_ =	sfence  }
0xc6: {  	s30 =	sld [smem:$0x0];
	_ =	sdelay $0x2  }
0xc7: {  	s31 =	sshll.u32 s1, $0xD;
	s1 =	sshrl.u32 s1, $0x2  }
0xc8: {  	s4 =	sand.u32 $0x4000, s31;
	s1 =	sadd.s32 s1, s30  }
0xc9: {  	s0 =	sor.u32 s4, s0;
	s1 =	sshll.u32 s1, $0x11  }
0xca: {  	s0 =	sor.u32 s1, s0  }
0xcb: {  	s0 =	sadd.s32 $0x8F2B, s0  }
0xcc: {  	[sflag:s0] =	ssyncadd.remote.s32 $0x1  }
0xcd: {  	_ =	sfence.sel $0xFFFF  }
0xce: {  	[dreg:$0x0] =	wrdreg $0xFFFFFFFF;
	(pc) =	sbr.abs _section_cstart, $3  }
0xcf: {  	[dreg:$0x1] =	wrdreg $0xFFFFFFFF  }
0xd0: {  	_ =	task.clear_ibuf [dreg:s22], $0x2FFFF;
	_ =	strace $0x9FFFFFFF  }
0xd1: {  	(tm) =	ssettm $0x7FFFFFFF  }
tec
execute0_lowered:
.L_overlay_start_1:
0x0: {  	(tag) =	ssettag $0x1  }
0x1: {  	s1 =	srdreg.scid;
	s0 =	stileid.u32;
	s2 =	simm.s32 $0x1  }
0x2: {  	s3 =	rddreg [dreg:$0x0];
	s7 =	sand.u32 $0x1, s1;
	s20 =	sshll.u32 s0, $0x1  }
0x3: {  	s6 =	rddreg [dreg:$0x1];
	s4 =	simm.s32 $0x0;
	s1 =	sor.u32 s7, s20  }
0x4: {  	s18 =	simm.s32 $0xC350;
	p1 =	seq.s32 s7, $0x1;
	p0 =	seq.s32 s1, $0x0  }
0x5: {  	s19 =	simm.s32 $0x2;
	[smem:$0x7FF] =	sst s4;
	p0 =	por !p0, !p1  }
0x6: {  	s9 =	smul.u32 $0x280, s7;
	s10 =	sshll.u32 s7, $0x3;
	p0 =	por !p0, !p0  }
0x7: {  	_ =	strace $0x8000004A;
	s7 =	ssub.s32 $0x2, s7;
	s2 =	simm.s32 @!p0 $0x0  }
0x8: {  	s20 =	simm.s32 $0x1A00;
	s22 =	sshrl.u32 s7, $0x1;
	s5 =	ssub.s32 s0, s2  }
0x9: {  	s16 =	ssub.s32 s7, s22;
	s8 =	smul.u32 $0x500, s5;
	s5 =	sshll.u32 s5, $0x4  }
0xa: {  	s22 =	simm.s32 $0x3400;
	s16 =	smax.u32 s16, $0x1;
	s21 =	sor.u32 s10, s5  }
0xb: {  	p0 =	sgt.u32 s0, $0x7;
	s8 =	sadd.s32 s9, s8;
	s13 =	smul.u32 $0xC350, s21  }
0xc: {  	s5 =	simm.s32 $0x1;
	s21 =	simm.s32 $0x2700;
	s8 =	sshrl.u32 s8, $0x3  }
0xd: {  	s8 =	sadd.s32 s8, s6;
	s6 =	sadd.s32 $0x11200, s6;
	s23 =	sadd.s32 $0xC300, s13  }
0xe: {  	s11 =	sadd.s32 $0x18650, s13;
	s29 =	sadd.s32 $0x249A0, s13;
	s30 =	sadd.s32 $0x30CF0, s13  }
0xf: {  	s12 =	sadd.s32 $0x3D040, s13;
	s14 =	sadd.s32 $0x49390, s13;
	s15 =	sadd.s32 $0x556E0, s13  }
0x10: {  	s13 =	sadd.s32 $0x61A30, s13;
	s24 =	sshrl.u32 s23, $0x3;
	s25 =	sshrl.u32 s11, $0x3  }
0x11: {  	s7 =	sadd.s32 $0x10C00, s8;
	s10 =	sshrl.u32 s29, $0x3;
	s11 =	sshrl.u32 s30, $0x3  }
0x12: {  	s12 =	sshrl.u32 s12, $0x3;
	s14 =	sshrl.u32 s14, $0x3;
	s15 =	sshrl.u32 s15, $0x3  }
0x13: {  	s17 =	sshrl.u32 s13, $0x3;
	s23 =	simm.s32 $0x4100;
	s26 =	sadd.s32 s6, s24  }
.Ltmp0:
0x14: {  	s28 =	sadd.s32 s6, s25;
	s31 =	sadd.s32 s6, s10;
	(pc) =	sbr.rel .LBB2_1-.Ltmp0, $4  }
0x15: {  	s11 =	sadd.s32 s6, s11;
	s12 =	sadd.s32 s6, s12;
	s13 =	sadd.s32 s6, s14  }
0x16: {  	s14 =	sadd.s32 s6, s15;
	s15 =	sadd.s32 s6, s17;
	[dreg:$0x3] =	wrdreg s26  }
0x17: {  	s17 =	simm.s32 $0xD00;
	s24 =	simm.s32 $0x4E00;
	[dreg:$0x4] =	wrdreg s28  }
0x18: {  	s25 =	simm.s32 $0x5B00;
	[dreg:$0x5] =	wrdreg s31;
	s26 =	simm.s32 $0x0  }
.LBB2_5:
0x19: {  	s2 =	simm.s32 @!p0 $0x0  }
0x1a: {  	[tilespmem:s2], [sflag:$0x2] =	stream.linear.gather @!p0 [hbm4b:s7+s2], $0x50, $0x38;
	[tilespmem:$0x6800] =	vst v63  }
0x1b: {  	s28 =	sadd.s32 @!p0 $0xA, s7;
	s29 =	simm.s32 @!p0 $0xD00  }
0x1c: {  	[tilespmem:s29], [sflag:$0x2] =	stream.linear.gather @!p0 [hbm4b:s28+s2], $0x50, $0x38;
	[tilespmem:$0x6800] =	vst v63  }
0x1d: {  	s30 =	simm.s32 @!p0 $0x1A00;
	s28 =	sadd.s32 @!p0 $0x14, s7  }
0x1e: {  	[tilespmem:s30], [sflag:$0x2] =	stream.linear.gather @!p0 [hbm4b:s28+s2], $0x50, $0x38;
	[tilespmem:$0x6800] =	vst v63  }
0x1f: {  	s31 =	simm.s32 @!p0 $0x2700;
	s28 =	sadd.s32 @!p0 $0x1E, s7  }
0x20: {  	[tilespmem:s31], [sflag:$0x2] =	stream.linear.gather @!p0 [hbm4b:s28+s2], $0x50, $0x38;
	[tilespmem:$0x6800] =	vst v63  }
0x21: {  	s0 =	simm.s32 @!p0 $0x3400;
	s28 =	sadd.s32 @!p0 $0x28, s7  }
0x22: {  	[tilespmem:s0], [sflag:$0x2] =	stream.linear.gather @!p0 [hbm4b:s28+s2], $0x50, $0x38;
	[tilespmem:$0x6800] =	vst v63  }
0x23: {  	s8 =	simm.s32 @!p0 $0x4100;
	s28 =	sadd.s32 @!p0 $0x32, s7  }
0x24: {  	[tilespmem:s8], [sflag:$0x2] =	stream.linear.gather @!p0 [hbm4b:s28+s2], $0x50, $0x38;
	[tilespmem:$0x6800] =	vst v63  }
0x25: {  	s9 =	simm.s32 @!p0 $0x4E00;
	s28 =	sadd.s32 @!p0 $0x3C, s7  }
0x26: {  	[tilespmem:s9], [sflag:$0x2] =	stream.linear.gather @!p0 [hbm4b:s28+s2], $0x50, $0x38;
	[tilespmem:$0x6800] =	vst v63  }
0x27: {  	s10 =	simm.s32 @!p0 $0x5B00;
	s28 =	sadd.s32 @!p0 $0x46, s7  }
0x28: {  	[tilespmem:s10], [sflag:$0x2] =	stream.linear.gather @!p0 [hbm4b:s28+s2], $0x50, $0x38;
	[tilespmem:$0x6800] =	vst v63  }
0x29: {  	s28 =	simm.s32 @!p0 $0x2  }
0x2a: {  	_ =	swait.ge @!p0 [sflag:s28], $0x280  }
0x2b: {  	[sflag:s28] =	ssyncset.done @!p0 $0x0  }
0x2c: {  	[sflag:s28] =	ssyncadd.s32 @!p0 $0xFFFFFD80;
	s28 =	rddreg [dreg:$0x3]  }
0x2d: {  	[hbm4b:s28+s2] =	stream.linear.scatter @!p0 [tilespmem:s2], [sflag:$0x1], $0x50, $0x38;
	[tilespmem:$0x6800] =	vst v63  }
0x2e: {  	s28 =	rddreg [dreg:$0x4]  }
0x2f: {  	[hbm4b:s28+s2] =	stream.linear.scatter @!p0 [tilespmem:s29], [sflag:$0x1], $0x50, $0x38;
	[tilespmem:$0x6800] =	vst v63  }
0x30: {  	s28 =	rddreg [dreg:$0x5]  }
0x31: {  	[hbm4b:s28+s2] =	stream.linear.scatter @!p0 [tilespmem:s30], [sflag:$0x1], $0x50, $0x38;
	[tilespmem:$0x6800] =	vst v63  }
0x32: {  	_ = 	snop  }
0x33: {  	[hbm4b:s11+s2] =	stream.linear.scatter @!p0 [tilespmem:s31], [sflag:$0x1], $0x50, $0x38;
	[tilespmem:$0x6800] =	vst v63  }
0x34: {  	_ = 	snop  }
0x35: {  	[hbm4b:s12+s2] =	stream.linear.scatter @!p0 [tilespmem:s0], [sflag:$0x1], $0x50, $0x38;
	[tilespmem:$0x6800] =	vst v63  }
0x36: {  	_ = 	snop  }
0x37: {  	[hbm4b:s13+s2] =	stream.linear.scatter @!p0 [tilespmem:s8], [sflag:$0x1], $0x50, $0x38;
	[tilespmem:$0x6800] =	vst v63  }
0x38: {  	_ = 	snop  }
0x39: {  	[hbm4b:s14+s2] =	stream.linear.scatter @!p0 [tilespmem:s9], [sflag:$0x1], $0x50, $0x38;
	[tilespmem:$0x6800] =	vst v63  }
0x3a: {  	s0 =	simm.s32 @!p0 $0x1  }
0x3b: {  	[hbm4b:s15+s2] =	stream.linear.scatter @!p0 [tilespmem:s10], [sflag:$0x1], $0x50, $0x38;
	[tilespmem:$0x6800] =	vst v63  }
0x3c: {  	_ =	swait.ge @!p0 [sflag:s0], $0x50  }
0x3d: {  	[sflag:s0] =	ssyncset.done @!p0 $0x0  }
0x3e: {  	[sflag:s0] =	ssyncadd.s32 @!p0 $0xFFFFFFB0  }
0x3f: {  	_ =	swait.ge @!p0 [sflag:s0], $0x50  }
0x40: {  	[sflag:s0] =	ssyncset.done @!p0 $0x0  }
0x41: {  	[sflag:s0] =	ssyncadd.s32 @!p0 $0xFFFFFFB0  }
0x42: {  	_ =	swait.ge @!p0 [sflag:s0], $0x50  }
0x43: {  	[sflag:s0] =	ssyncset.done @!p0 $0x0  }
0x44: {  	[sflag:s0] =	ssyncadd.s32 @!p0 $0xFFFFFFB0  }
0x45: {  	_ =	swait.ge @!p0 [sflag:s0], $0x50  }
0x46: {  	[sflag:s0] =	ssyncset.done @!p0 $0x0  }
0x47: {  	[sflag:s0] =	ssyncadd.s32 @!p0 $0xFFFFFFB0  }
0x48: {  	_ =	swait.ge @!p0 [sflag:s0], $0x50  }
0x49: {  	[sflag:s0] =	ssyncset.done @!p0 $0x0  }
0x4a: {  	[sflag:s0] =	ssyncadd.s32 @!p0 $0xFFFFFFB0  }
0x4b: {  	_ =	swait.ge @!p0 [sflag:s0], $0x50  }
0x4c: {  	[sflag:s0] =	ssyncset.done @!p0 $0x0  }
0x4d: {  	s26 =	sadd.s32 $0x1, s26;
	[sflag:s0] =	ssyncadd.s32 @!p0 $0xFFFFFFB0  }
0x4e: {  	p1 =	sne.s32 s26, s16;
	_ =	swait.ge @!p0 [sflag:s0], $0x50  }
.Ltmp1:
0x4f: {  	[sflag:s0] =	ssyncset.done @!p0 $0x0;
	(pc) =	sbr.rel @!p1 .LBB2_6-.Ltmp1, $4  }
0x50: {  	[sflag:s0] =	ssyncadd.s32 @!p0 $0xFFFFFFB0  }
0x51: {  	_ =	swait.ge @!p0 [sflag:s0], $0x50  }
0x52: {  	[sflag:s0] =	ssyncset.done @!p0 $0x0  }
0x53: {  	[sflag:s0] =	ssyncadd.s32 @!p0 $0xFFFFFFB0  }
.LBB2_1:
.Ltmp2:
0x54: {  	(pc) =	sbr.rel .LBB2_2-.Ltmp2, $2  }
0x55: {  	_ =	sdelay $0x2  }
0x56: {  	s28 =	simm.s32 $0x0  }
.LBB2_4:
0x57: {  	s28 =	sadd.s32 $0x20, s28  }
0x58: {  	p1 =	sne.s32 s28, $0x100  }
.Ltmp3:
0x59: {  	_ = 	snop;
	(pc) =	sbr.rel @!p1 .LBB2_5-.Ltmp3, $1  }
0x5a: {  	_ =	sdelay $0x3  }
.LBB2_2:
0x5b: {  	s29 =	sadd.s32 s28, s1  }
0x5c: {  	p1 =	sgt.u32 s29, $0xEF  }
.Ltmp4:
0x5d: {  	_ = 	snop;
	(pc) =	sbr.rel @p1 .LBB2_4-.Ltmp4, $1  }
0x5e: {  	_ =	sdelay $0x3  }
0x5f: {  	s30 =	smul.u32 $0x89, s29;
	_ =	sdelay $0x1  }
0x60: {  	s30 =	sshrl.u32 s30, $0xC  }
0x61: {  	s30 =	sand.u32 $0xF, s30  }
0x62: {  	s31 =	smul.u32 $0x1E, s30;
	_ =	sdelay $0x1  }
0x63: {  	s9 =	ssub.s32 s29, s31  }
0x64: {  	s29 =	sand.u32 $0xFF, s9  }
0x65: {  	s2 =	smul.u32 $0xC3500, s30;
	s10 =	sadd.s32 $0xFFFFFFF1, s29  }
0x66: {  	p1 =	sgt.u32 s29, $0xE;
	s31 =	smin.u32 s29, s10;
	s29 =	simm.s32 $0x61A80  }
0x67: {  	s31 =	smul.u32 $0xD00, s31;
	s29 =	simm.s32 @!p1 $0x0  }
0x68: {  	s2 =	sadd.s32 s29, s2;
	s29 =	simm.s32 $0x8  }
0x69: {  	s30 =	sshll.u32 s30, $0x4;
	s2 =	sadd.s32 s31, s2;
	s29 =	simm.s32 @!p1 $0x0  }
0x6a: {  	s2 =	sshrl.u32 s2, $0x3;
	s29 =	sor.u32 s29, s30  }
0x6b: {  	s2 =	sadd.s32 s3, s2;
	s29 =	smul.u32 $0xC350, s29  }
0x6c: {  	[tilespmem:s4], [sflag:$0x2] =	stream.strided.gather [hbm4b:s2+s17], $0x6800, s18, s17, $0x38;
	[tilespmem:$0x6800] =	vst v63  }
0x6d: {  	_ =	swait.ge [sflag:s19], $0x6800;
	s31 =	sadd.s32 s31, s29  }
0x6e: {  	[sflag:s19] =	ssyncset.done $0x0;
	s2 =	sshrl.u32 s31, $0x3  }
0x6f: {  	[sflag:s19] =	ssyncadd.s32 $0xFFFF9800;
	s2 =	sadd.s32 s6, s2  }
0x70: {  	[hbm4b:s2+s4] =	stream.linear.scatter [tilespmem:s4], [sflag:$0x1], $0xD00, $0x38;
	[tilespmem:$0x6800] =	vst v63  }
0x71: {  	s0 =	sadd.s32 $0x186A, s2  }
0x72: {  	[hbm4b:s0+s4] =	stream.linear.scatter [tilespmem:s17], [sflag:$0x1], $0xD00, $0x38;
	[tilespmem:$0x6800] =	vst v63  }
0x73: {  	s8 =	sadd.s32 $0x30D4, s2  }
0x74: {  	[hbm4b:s8+s4] =	stream.linear.scatter [tilespmem:s20], [sflag:$0x1], $0xD00, $0x38;
	[tilespmem:$0x6800] =	vst v63  }
0x75: {  	s9 =	sadd.s32 $0x493E, s2  }
0x76: {  	[hbm4b:s9+s4] =	stream.linear.scatter [tilespmem:s21], [sflag:$0x1], $0xD00, $0x38;
	[tilespmem:$0x6800] =	vst v63  }
0x77: {  	s10 =	sadd.s32 $0x61A8, s2  }
0x78: {  	[hbm4b:s10+s4] =	stream.linear.scatter [tilespmem:s22], [sflag:$0x1], $0xD00, $0x38;
	[tilespmem:$0x6800] =	vst v63  }
0x79: {  	s30 =	sadd.s32 $0x7A12, s2  }
0x7a: {  	[hbm4b:s30+s4] =	stream.linear.scatter [tilespmem:s23], [sflag:$0x1], $0xD00, $0x38;
	[tilespmem:$0x6800] =	vst v63  }
0x7b: {  	s31 =	sadd.s32 $0x927C, s2  }
0x7c: {  	[hbm4b:s31+s4] =	stream.linear.scatter [tilespmem:s24], [sflag:$0x1], $0xD00, $0x38;
	[tilespmem:$0x6800] =	vst v63  }
0x7d: {  	s2 =	sadd.s32 $0xAAE6, s2  }
0x7e: {  	[hbm4b:s2+s4] =	stream.linear.scatter [tilespmem:s25], [sflag:$0x1], $0xD00, $0x38;
	[tilespmem:$0x6800] =	vst v63  }
0x7f: {  	_ =	swait.ge [sflag:s5], $0xD00  }
0x80: {  	[sflag:s5] =	ssyncset.done $0x0  }
0x81: {  	[sflag:s5] =	ssyncadd.s32 $0xFFFFF300  }
0x82: {  	_ =	swait.ge [sflag:s5], $0xD00  }
0x83: {  	[sflag:s5] =	ssyncset.done $0x0  }
0x84: {  	[sflag:s5] =	ssyncadd.s32 $0xFFFFF300  }
0x85: {  	_ =	swait.ge [sflag:s5], $0xD00  }
0x86: {  	[sflag:s5] =	ssyncset.done $0x0  }
0x87: {  	[sflag:s5] =	ssyncadd.s32 $0xFFFFF300  }
0x88: {  	_ =	swait.ge [sflag:s5], $0xD00  }
0x89: {  	[sflag:s5] =	ssyncset.done $0x0  }
0x8a: {  	[sflag:s5] =	ssyncadd.s32 $0xFFFFF300  }
0x8b: {  	_ =	swait.ge [sflag:s5], $0xD00  }
0x8c: {  	[sflag:s5] =	ssyncset.done $0x0  }
0x8d: {  	[sflag:s5] =	ssyncadd.s32 $0xFFFFF300  }
0x8e: {  	_ =	swait.ge [sflag:s5], $0xD00  }
0x8f: {  	[sflag:s5] =	ssyncset.done $0x0  }
0x90: {  	[sflag:s5] =	ssyncadd.s32 $0xFFFFF300  }
0x91: {  	_ =	swait.ge [sflag:s5], $0xD00  }
.Ltmp5:
0x92: {  	[sflag:s5] =	ssyncset.done $0x0;
	(pc) =	sbr.rel .LBB2_4-.Ltmp5, $4  }
0x93: {  	[sflag:s5] =	ssyncadd.s32 $0xFFFFF300  }
0x94: {  	_ =	swait.ge [sflag:s5], $0xD00  }
0x95: {  	[sflag:s5] =	ssyncset.done $0x0  }
0x96: {  	[sflag:s5] =	ssyncadd.s32 $0xFFFFF300  }
.LBB2_6:
0x97: {  	_ =	sfence.sel $0x180000  }
0x98: {  	[bflag:$0x0] =	sbarrier.arrive $0xFFFF  }
0x99: {  	_ =	strace $0x9000004A  }
0x9a: {  	s0 =	stileid.u32;
	[bflag:$0x2] =	sbarrier.arrive $0xFFFF  }
0x9b: {  	p0 =	sne.s32 s0, $0x0;
	s0 =	rddreg [dreg:$0x2]  }
0x9c: {  	s0 =	sadd.s32 @!p0 $0x100000, s0  }
0x9d: {  	[sflag:s0] =	ssyncadd.tile.s32 @!p0 $0x1;
	_ =	shalt  }
.Lfunc_end2:
_tile_overlayer_lowered:
.L_overlay_start_2:
0x9e: {  	(tag) =	ssettag $0x2  }
0x9f: {  	s0 =	rddreg [dreg:$0x0];
	s2 =	stileid.u32  }
0xa0: {  	s1 =	rddreg [dreg:$0x1];
	p0 =	sne.s32 s2, $0x0  }
0xa1: {  	s3 =	rddreg [dreg:$0x2];
	[bflag:$0x3] =	sbarrier.arrive $0xFFFF;
	s2 =	simm.s32 @!p0 $0x1C02  }
0xa2: {  	[timem:s3], [sflag:s2] =	dma.local @!p0 [hbm:s0], s1  }
0xa3: {  	s0 =	simm.s32 @!p0 $0x2  }
0xa4: {  	_ =	swait.ge @!p0 [sflag:s0], s1  }
0xa5: {  	s1 =	ssub.s32 @!p0 $0x0, s1;
	[sflag:s0] =	ssyncset.done @!p0 $0x0  }
0xa6: {  	[sflag:s0] =	ssyncadd.s32 @!p0 s1  }
0xa7: {  	[bflag:$0x3] =	sbarrier.arrive $0xFFFF  }
0xa8: {  	_ =	shalt  }

</sc_bundles>
